<compile_context>
chip_gen: v7x
topology: tpu7x:2x2x1
jax: 0.10.2.dev20260603
libtpu: 0.0.44.dev20260713+nightly
codegen_flags: <defaults>
</compile_context>

<pallas_src>
import functools
import jax
import jax.numpy as jnp
from jax import lax
from jax.experimental import pallas as pl
from jax.experimental.pallas import tpu as pltpu
from jax.experimental.pallas import tpu_sc as plsc

_VOCAB = 100000
_DIM = 64
_B = 16384
_K = 50

_NC = 2
_NS = 16
_NW = _NC * _NS
_IPW = _B // _NW
_CHUNK = 8
_NCHUNK = _IPW // _CHUNK
_ROWS = _CHUNK * _K
_RPAD = 416
_OPW = _IPW * _K
_NJ = _DIM // 16

_BITREV = [0, 8, 4, 12, 2, 10, 6, 14, 1, 9, 5, 13, 3, 11, 7, 15]


def _lperm(v, h):
    lane = lax.iota(jnp.int32, 16)
    return lax.gather(
        v, (lane ^ h)[:, None],
        dimension_numbers=lax.GatherDimensionNumbers(
            offset_dims=(), collapsed_slice_dims=(0,), start_index_map=(0,)),
        slice_sizes=(1,), mode=lax.GatherScatterMode.PROMISE_IN_BOUNDS)


def _allsum(v):
    for h in (8, 4, 2, 1):
        v = v + _lperm(v, h)
    return v


def _tree16(vs):
    lane = lax.iota(jnp.int32, 16)
    h = 8
    while len(vs) > 1:
        m = (lane & h) == 0
        vs = [jnp.where(m, vs[2 * i], _lperm(vs[2 * i + 1], h))
              + jnp.where(m, _lperm(vs[2 * i], h), vs[2 * i + 1])
              for i in range(len(vs) // 2)]
        h //= 2
    return vs[0]


def _sc_body(cw_hbm, tw_hbm, ow_hbm, v_hbm, u_hbm, num_hbm, se_hbm,
             cidx, tidx, oidx, cent0, targ0, orows0, cent1, targ1, orows1,
             numv, sev, sem0, sem1):
    wid = lax.axis_index("s") * _NC + lax.axis_index("c")
    base = wid * _IPW
    lane = lax.iota(jnp.int32, 16)
    slots = ((cent0, targ0, orows0, sem0), (cent1, targ1, orows1, sem1))

    pltpu.sync_copy(cw_hbm.at[pl.ds(base, _IPW)], cidx)
    pltpu.sync_copy(tw_hbm.at[pl.ds(base, _IPW)], tidx)
    pltpu.sync_copy(ow_hbm.at[pl.ds(base * _K, _OPW)], oidx.at[pl.ds(0, _OPW)])
    for g in range((_RPAD - _ROWS) // 16):
        oidx[pl.ds(_OPW + g * 16, 16)] = jnp.zeros((16,), jnp.int32)

    def fire(ch, slot):
        centb, targb, orowsb, sem = slots[slot]
        ib = ch * _CHUNK
        cb = ch * _ROWS
        pltpu.async_copy(v_hbm.at[cidx.at[pl.ds(ib, _CHUNK)]], centb, sem)
        pltpu.async_copy(u_hbm.at[tidx.at[pl.ds(ib, _CHUNK)]], targb, sem)
        for g in range(_RPAD // 64):
            n = min(64, _RPAD - g * 64)
            pltpu.async_copy(u_hbm.at[oidx.at[pl.ds(cb + g * 64, n)]],
                             orowsb.at[pl.ds(g * 64, n)], sem)

    def drain(slot):
        centb, targb, orowsb, sem = slots[slot]
        pltpu.make_async_copy(v_hbm.at[cidx.at[pl.ds(0, _CHUNK)]],
                              centb, sem).wait()
        pltpu.make_async_copy(u_hbm.at[tidx.at[pl.ds(0, _CHUNK)]],
                              targb, sem).wait()
        for g in range(_RPAD // 64):
            n = min(64, _RPAD - g * 64)
            pltpu.make_async_copy(u_hbm.at[oidx.at[pl.ds(g * 64, n)]],
                                  orowsb.at[pl.ds(g * 64, n)], sem).wait()

    def compute(ch, slot, half, carry):
        centb, targb, orowsb, _ = slots[slot]

        def item_body(i, carry):
            num_vec, sev_vec = carry
            c = [centb[i, pl.ds(j * 16, 16)] for j in range(_NJ)]

            t0 = c[0] * targb[i, pl.ds(0, 16)]
            for j in range(1, _NJ):
                t0 = t0 + c[j] * targb[i, pl.ds(j * 16, 16)]
            num_i = _allsum(t0)

            def group_body(g, se_acc):
                rbase = i * _K + g * 16
                ps = []
                for j16 in range(16):
                    r = rbase + _BITREV[j16]
                    p = c[0] * orowsb[r, pl.ds(0, 16)]
                    for j in range(1, _NJ):
                        p = p + c[j] * orowsb[r, pl.ds(j * 16, 16)]
                    ps.append(p)
                dots = _tree16(ps)
                e = jnp.exp(dots)
                limit = jnp.where(g == _NJ - 1, _K - 48, 16)
                e = jnp.where(lane < limit, e, 0.0)
                return se_acc + e

            se_acc = lax.fori_loop(0, _NJ, group_body,
                                   jnp.zeros((16,), jnp.float32))
            se_i = _allsum(se_acc)
            onehot = lane == i + 8 * half
            return (jnp.where(onehot, num_i, num_vec),
                    jnp.where(onehot, se_i, sev_vec))

        return lax.fori_loop(0, _CHUNK, item_body, carry)

    fire(0, 0)

    def pair_body(p, _):
        zero2 = (jnp.zeros((16,), jnp.float32), jnp.zeros((16,), jnp.float32))
        fire(2 * p + 1, 1)
        drain(0)
        carry = compute(2 * p, 0, 0, zero2)
        fire(jnp.minimum(2 * p + 2, _NCHUNK - 1), 0)
        drain(1)
        num_vec, sev_vec = compute(2 * p + 1, 1, 1, carry)
        numv[pl.ds(p * 16, 16)] = num_vec
        sev[pl.ds(p * 16, 16)] = sev_vec
        return 0

    lax.fori_loop(0, _NCHUNK // 2, pair_body, 0)
    drain(0)
    pltpu.sync_copy(numv, num_hbm.at[pl.ds(base, _IPW)])
    pltpu.sync_copy(sev, se_hbm.at[pl.ds(base, _IPW)])


_sc_call = functools.partial(
    pl.kernel,
    out_type=[jax.ShapeDtypeStruct((_B,), jnp.float32),
              jax.ShapeDtypeStruct((_B,), jnp.float32)],
    mesh=plsc.VectorSubcoreMesh(core_axis_name="c", subcore_axis_name="s"),
    compiler_params=pltpu.CompilerParams(use_tc_tiling_on_sc=False),
    scratch_types=[
        pltpu.VMEM((_IPW,), jnp.int32),
        pltpu.VMEM((_IPW,), jnp.int32),
        pltpu.VMEM((_OPW + 64,), jnp.int32),
        pltpu.VMEM((_CHUNK, _DIM), jnp.float32),
        pltpu.VMEM((_CHUNK, _DIM), jnp.float32),
        pltpu.VMEM((_RPAD, _DIM), jnp.float32),
        pltpu.VMEM((_CHUNK, _DIM), jnp.float32),
        pltpu.VMEM((_CHUNK, _DIM), jnp.float32),
        pltpu.VMEM((_RPAD, _DIM), jnp.float32),
        pltpu.VMEM((_IPW,), jnp.float32),
        pltpu.VMEM((_IPW,), jnp.float32),
        pltpu.SemaphoreType.DMA,
        pltpu.SemaphoreType.DMA,
    ],
)(_sc_body)


def _loss_body(num_ref, se_ref, out_ref):
    val = -jnp.mean(num_ref[...] - jnp.log(se_ref[...]))
    out_ref[...] = jnp.broadcast_to(val, (1, 1))


def kernel(center_w, target_w, out_w, V, U):
    cw = center_w.reshape(_B).astype(jnp.int32)
    tw = target_w.reshape(_B).astype(jnp.int32)
    ow = out_w.reshape(_B * _K).astype(jnp.int32)
    num, se = _sc_call(cw, tw, ow, V, U)
    loss = pl.pallas_call(
        _loss_body,
        out_shape=jax.ShapeDtypeStruct((1, 1), jnp.float32),
    )(num.reshape(128, 128), se.reshape(128, 128))
    return loss[0, 0]

# --- scband reference (transcript-rebuilt; emitter-appended) ---
"""Pipeline reference for scband-skigram-28836410425891 (READ-ONLY COPY).

The authoritative reference and input builder live on the scoring server;
editing this copy changes nothing except your own understanding.
"""

import jax, jax.numpy as jnp
import numpy as np

VOCAB = 100000
DIM = 64
B = 16384
K = 50

def setup_inputs(seed: int = 0) -> dict:
    key = jax.random.key(seed)
    k1, k2, k3, k4, k5 = jax.random.split(key, 5)
    center_w = jax.random.randint(k1, (B, 1), 0, VOCAB)
    target_w = jax.random.randint(k2, (B, 1), 0, VOCAB)
    out_w = jax.random.randint(k3, (B, K), 0, VOCAB)
    # xavier_uniform init for both embedding tables (gain=1)
    bound = float(np.sqrt(6.0 / (VOCAB + DIM)))
    V = jax.random.uniform(k4, (VOCAB, DIM), minval=-bound, maxval=bound, dtype=jnp.float32)
    U = jax.random.uniform(k5, (VOCAB, DIM), minval=-bound, maxval=bound, dtype=jnp.float32)
    return {"center_w": center_w, "target_w": target_w, "out_w": out_w, "V": V, "U": U}

def reference(center_w, target_w, out_w, V, U):
    # embedding lookups (gathers)
    cent_emb = jnp.take(V, center_w, axis=0)   # [B, 1, D]
    targ_emb = jnp.take(U, target_w, axis=0)   # [B, 1, D]
    outt_emb = jnp.take(U, out_w, axis=0)      # [B, K, D]
    # bmm(targ_emb, cent_emb^T).squeeze(2) -> [B, 1]
    numerator = jnp.einsum('bkd,bjd->bkj', targ_emb, cent_emb)[:, :, 0]
    # bmm(outt_emb, cent_emb^T).squeeze(2) -> [B, K]
    denominator = jnp.einsum('bkd,bjd->bkj', outt_emb, cent_emb)[:, :, 0]
    loss = -jnp.mean(jnp.log(jnp.exp(numerator) / jnp.sum(jnp.exp(denominator), axis=1, keepdims=True)))
    return loss

if __name__ == "__main__":
    import jax
    _d = setup_inputs()
    print(jax.jit(kernel)(*tuple(_d.values())))

</pallas_src>

<mosaic_0001>
#map = affine_map<(d0, d1) -> (0)>
#map1 = affine_map<(d0, d1) -> (0, 0)>
module attributes {stable_mosaic.version = 14 : i64} {
  func.func @_sc_body(%arg0: i32, %arg1: i32, %arg2: memref<16384xi32, #tpu.memory_space<hbm>>, %arg3: memref<16384xi32, #tpu.memory_space<hbm>>, %arg4: memref<819200xi32, #tpu.memory_space<hbm>>, %arg5: memref<100000x64xf32, #tpu.memory_space<hbm>>, %arg6: memref<100000x64xf32, #tpu.memory_space<hbm>>, %arg7: memref<16384xf32, #tpu.memory_space<hbm>>, %arg8: memref<16384xf32, #tpu.memory_space<hbm>>, %arg9: memref<512xi32, #tpu.memory_space<vmem>>, %arg10: memref<512xi32, #tpu.memory_space<vmem>>, %arg11: memref<25664xi32, #tpu.memory_space<vmem>>, %arg12: memref<8x64xf32, #tpu.memory_space<vmem>>, %arg13: memref<8x64xf32, #tpu.memory_space<vmem>>, %arg14: memref<416x64xf32, #tpu.memory_space<vmem>>, %arg15: memref<8x64xf32, #tpu.memory_space<vmem>>, %arg16: memref<8x64xf32, #tpu.memory_space<vmem>>, %arg17: memref<416x64xf32, #tpu.memory_space<vmem>>, %arg18: memref<512xf32, #tpu.memory_space<vmem>>, %arg19: memref<512xf32, #tpu.memory_space<vmem>>, %arg20: memref<!tpu.dma_semaphore, #tpu.memory_space<semaphore_mem>>, %arg21: memref<!tpu.dma_semaphore, #tpu.memory_space<semaphore_mem>>) attributes {dimension_semantics = [#tpu.dimension_semantics<core_parallel>, #tpu.dimension_semantics<subcore_parallel>], iteration_bounds = array<i64: 2, 16>, scalar_prefetch = 0 : i64, scratch_operands = 13 : i64, tpu.core_type = #tpu.core_type<sc_vector_subcore>, window_params = [{transform_indices = #map}, {transform_indices = #map}, {transform_indices = #map}, {transform_indices = #map1}, {transform_indices = #map1}, {transform_indices = #map}, {transform_indices = #map}]} {
    %mul3A = arith.constant 2 : i32
    %mul3A_0 = arith.muli %arg1, %mul3A : i32
    %add3A = arith.addi %mul3A_0, %arg0 : i32
    %mul3A_1 = arith.constant 512 : i32
    %mul3A_2 = arith.muli %add3A, %mul3A_1 : i32
    %iota3A = tpu.iota {dimensions = array<i32: 0>} : vector<16xi32>
    "tpu.region"() ({
      %run_scoped3A = tpu.sem_alloc : memref<!tpu.dma_semaphore, #tpu.memory_space<semaphore_mem>>
      %dma_start3A_129 = tpu.memref_slice %arg2[%mul3A_2] : memref<16384xi32, #tpu.memory_space<hbm>> -> memref<512xi32, #tpu.memory_space<hbm>>
      %dma_start3A_130 = tpu.memref_slice %arg2[%mul3A_2] : memref<16384xi32, #tpu.memory_space<hbm>> -> memref<512xi32, #tpu.memory_space<hbm>>
      tpu.enqueue_dma source(%dma_start3A_130 : memref<512xi32, #tpu.memory_space<hbm>>) target(%arg9 : memref<512xi32, #tpu.memory_space<vmem>>) target_semaphore(%run_scoped3A : memref<!tpu.dma_semaphore, #tpu.memory_space<semaphore_mem>>)
      %dma_wait3A_131 = tpu.memref_slice %arg2[%mul3A_2] : memref<16384xi32, #tpu.memory_space<hbm>> -> memref<512xi32, #tpu.memory_space<hbm>>
      %dma_wait3A_132 = tpu.memref_slice %arg2[%mul3A_2] : memref<16384xi32, #tpu.memory_space<hbm>> -> memref<512xi32, #tpu.memory_space<hbm>>
      tpu.wait_dma2 semaphore(%run_scoped3A : memref<!tpu.dma_semaphore, #tpu.memory_space<semaphore_mem>>) src(%dma_wait3A_132 : memref<512xi32, #tpu.memory_space<hbm>>) dst(%arg9 : memref<512xi32, #tpu.memory_space<vmem>>)
      tpu.yield
    }) : () -> ()
    "tpu.region"() ({
      %run_scoped3A = tpu.sem_alloc : memref<!tpu.dma_semaphore, #tpu.memory_space<semaphore_mem>>
      %dma_start3A_129 = tpu.memref_slice %arg3[%mul3A_2] : memref<16384xi32, #tpu.memory_space<hbm>> -> memref<512xi32, #tpu.memory_space<hbm>>
      %dma_start3A_130 = tpu.memref_slice %arg3[%mul3A_2] : memref<16384xi32, #tpu.memory_space<hbm>> -> memref<512xi32, #tpu.memory_space<hbm>>
      tpu.enqueue_dma source(%dma_start3A_130 : memref<512xi32, #tpu.memory_space<hbm>>) target(%arg10 : memref<512xi32, #tpu.memory_space<vmem>>) target_semaphore(%run_scoped3A : memref<!tpu.dma_semaphore, #tpu.memory_space<semaphore_mem>>)
      %dma_wait3A_131 = tpu.memref_slice %arg3[%mul3A_2] : memref<16384xi32, #tpu.memory_space<hbm>> -> memref<512xi32, #tpu.memory_space<hbm>>
      %dma_wait3A_132 = tpu.memref_slice %arg3[%mul3A_2] : memref<16384xi32, #tpu.memory_space<hbm>> -> memref<512xi32, #tpu.memory_space<hbm>>
      tpu.wait_dma2 semaphore(%run_scoped3A : memref<!tpu.dma_semaphore, #tpu.memory_space<semaphore_mem>>) src(%dma_wait3A_132 : memref<512xi32, #tpu.memory_space<hbm>>) dst(%arg10 : memref<512xi32, #tpu.memory_space<vmem>>)
      tpu.yield
    }) : () -> ()
    %mul3A_3 = arith.constant 50 : i32
    %mul3A_4 = arith.muli %mul3A_2, %mul3A_3 : i32
    "tpu.region"() ({
      %run_scoped3A = tpu.sem_alloc : memref<!tpu.dma_semaphore, #tpu.memory_space<semaphore_mem>>
      %dma_start3A_129 = arith.constant 0 : i32
      %dma_start3A_130 = tpu.memref_slice %arg11[%dma_start3A_129] : memref<25664xi32, #tpu.memory_space<vmem>> -> memref<25600xi32, #tpu.memory_space<vmem>>
      %dma_start3A_131 = tpu.memref_slice %arg4[%mul3A_4] : memref<819200xi32, #tpu.memory_space<hbm>> -> memref<25600xi32, #tpu.memory_space<hbm>>
      %dma_start3A_132 = arith.constant 0 : i32
      %dma_start3A_133 = tpu.memref_slice %arg11[%dma_start3A_132] : memref<25664xi32, #tpu.memory_space<vmem>> -> memref<25600xi32, #tpu.memory_space<vmem>>
      %dma_start3A_134 = tpu.memref_slice %arg4[%mul3A_4] : memref<819200xi32, #tpu.memory_space<hbm>> -> memref<25600xi32, #tpu.memory_space<hbm>>
      tpu.enqueue_dma source(%dma_start3A_134 : memref<25600xi32, #tpu.memory_space<hbm>>) target(%dma_start3A_133 : memref<25600xi32, #tpu.memory_space<vmem>>) target_semaphore(%run_scoped3A : memref<!tpu.dma_semaphore, #tpu.memory_space<semaphore_mem>>)
      %dma_wait3A_135 = arith.constant 0 : i32
      %dma_wait3A_136 = tpu.memref_slice %arg11[%dma_wait3A_135] : memref<25664xi32, #tpu.memory_space<vmem>> -> memref<25600xi32, #tpu.memory_space<vmem>>
      %dma_wait3A_137 = tpu.memref_slice %arg4[%mul3A_4] : memref<819200xi32, #tpu.memory_space<hbm>> -> memref<25600xi32, #tpu.memory_space<hbm>>
      %dma_wait3A_138 = arith.constant 0 : i32
      %dma_wait3A_139 = tpu.memref_slice %arg11[%dma_wait3A_138] : memref<25664xi32, #tpu.memory_space<vmem>> -> memref<25600xi32, #tpu.memory_space<vmem>>
      %dma_wait3A_140 = tpu.memref_slice %arg4[%mul3A_4] : memref<819200xi32, #tpu.memory_space<hbm>> -> memref<25600xi32, #tpu.memory_space<hbm>>
      tpu.wait_dma2 semaphore(%run_scoped3A : memref<!tpu.dma_semaphore, #tpu.memory_space<semaphore_mem>>) src(%dma_wait3A_140 : memref<25600xi32, #tpu.memory_space<hbm>>) dst(%dma_wait3A_139 : memref<25600xi32, #tpu.memory_space<vmem>>)
      tpu.yield
    }) : () -> ()
    %broadcast_in_dim3A = arith.constant 0 : i32
    %broadcast_in_dim3A_5 = vector.broadcast %broadcast_in_dim3A : i32 to vector<16xi32>
    %swap3A = arith.constant 25600 : index
    %swap3A_6 = tpu.vector_load %arg11[%swap3A] {strides = array<i32>} : memref<25664xi32, #tpu.memory_space<vmem>>, vector<16xi32>,
    %swap3A_7 = vector.shape_cast %swap3A_6 : vector<16xi32> to vector<16xi32>
    %swap3A_8 = vector.shape_cast %broadcast_in_dim3A_5 : vector<16xi32> to vector<16xi32>
    tpu.vector_store %arg11[%swap3A], %swap3A_8 {strides = array<i32>} : memref<25664xi32, #tpu.memory_space<vmem>>, vector<16xi32>,
    %dma_start3A = arith.constant 0 : i32
    %dma_start3A_9 = tpu.memref_slice %arg9[%dma_start3A] : memref<512xi32, #tpu.memory_space<vmem>> -> memref<8xi32, #tpu.memory_space<vmem>>
    %dma_start3A_10 = arith.constant 0 : i32
    %dma_start3A_11 = arith.constant 0 : i32
    %dma_start3A_12 = tpu.memref_slice %arg5[%dma_start3A_10, %dma_start3A_11] : memref<100000x64xf32, #tpu.memory_space<hbm>> -> memref<100000x64xf32, #tpu.memory_space<hbm>>
    tpu.enqueue_indirect_dma source(%dma_start3A_12 : memref<100000x64xf32, #tpu.memory_space<hbm>>) target(%arg12 : memref<8x64xf32, #tpu.memory_space<vmem>>) offsets(%dma_start3A_9 : memref<8xi32, #tpu.memory_space<vmem>>) semaphore(%arg20 : memref<!tpu.dma_semaphore, #tpu.memory_space<semaphore_mem>>)
    %dma_start3A_13 = arith.constant 0 : i32
    %dma_start3A_14 = tpu.memref_slice %arg10[%dma_start3A_13] : memref<512xi32, #tpu.memory_space<vmem>> -> memref<8xi32, #tpu.memory_space<vmem>>
    %dma_start3A_15 = arith.constant 0 : i32
    %dma_start3A_16 = arith.constant 0 : i32
    %dma_start3A_17 = tpu.memref_slice %arg6[%dma_start3A_15, %dma_start3A_16] : memref<100000x64xf32, #tpu.memory_space<hbm>> -> memref<100000x64xf32, #tpu.memory_space<hbm>>
    tpu.enqueue_indirect_dma source(%dma_start3A_17 : memref<100000x64xf32, #tpu.memory_space<hbm>>) target(%arg13 : memref<8x64xf32, #tpu.memory_space<vmem>>) offsets(%dma_start3A_14 : memref<8xi32, #tpu.memory_space<vmem>>) semaphore(%arg20 : memref<!tpu.dma_semaphore, #tpu.memory_space<semaphore_mem>>)
    %dma_start3A_18 = arith.constant 0 : i32
    %dma_start3A_19 = arith.constant 0 : i32
    %dma_start3A_20 = tpu.memref_slice %arg14[%dma_start3A_18, %dma_start3A_19] : memref<416x64xf32, #tpu.memory_space<vmem>> -> memref<64x64xf32, #tpu.memory_space<vmem>>
    %dma_start3A_21 = arith.constant 0 : i32
    %dma_start3A_22 = tpu.memref_slice %arg11[%dma_start3A_21] : memref<25664xi32, #tpu.memory_space<vmem>> -> memref<64xi32, #tpu.memory_space<vmem>>
    %dma_start3A_23 = arith.constant 0 : i32
    %dma_start3A_24 = arith.constant 0 : i32
    %dma_start3A_25 = tpu.memref_slice %arg6[%dma_start3A_23, %dma_start3A_24] : memref<100000x64xf32, #tpu.memory_space<hbm>> -> memref<100000x64xf32, #tpu.memory_space<hbm>>
    tpu.enqueue_indirect_dma source(%dma_start3A_25 : memref<100000x64xf32, #tpu.memory_space<hbm>>) target(%dma_start3A_20 : memref<64x64xf32, #tpu.memory_space<vmem>>) offsets(%dma_start3A_22 : memref<64xi32, #tpu.memory_space<vmem>>) semaphore(%arg20 : memref<!tpu.dma_semaphore, #tpu.memory_space<semaphore_mem>>)
    %dma_start3A_26 = arith.constant 64 : i32
    %dma_start3A_27 = arith.constant 0 : i32
    %dma_start3A_28 = tpu.memref_slice %arg14[%dma_start3A_26, %dma_start3A_27] : memref<416x64xf32, #tpu.memory_space<vmem>> -> memref<64x64xf32, #tpu.memory_space<vmem>>
    %dma_start3A_29 = arith.constant 64 : i32
    %dma_start3A_30 = tpu.memref_slice %arg11[%dma_start3A_29] : memref<25664xi32, #tpu.memory_space<vmem>> -> memref<64xi32, #tpu.memory_space<vmem>>
    %dma_start3A_31 = arith.constant 0 : i32
    %dma_start3A_32 = arith.constant 0 : i32
    %dma_start3A_33 = tpu.memref_slice %arg6[%dma_start3A_31, %dma_start3A_32] : memref<100000x64xf32, #tpu.memory_space<hbm>> -> memref<100000x64xf32, #tpu.memory_space<hbm>>
    tpu.enqueue_indirect_dma source(%dma_start3A_33 : memref<100000x64xf32, #tpu.memory_space<hbm>>) target(%dma_start3A_28 : memref<64x64xf32, #tpu.memory_space<vmem>>) offsets(%dma_start3A_30 : memref<64xi32, #tpu.memory_space<vmem>>) semaphore(%arg20 : memref<!tpu.dma_semaphore, #tpu.memory_space<semaphore_mem>>)
    %dma_start3A_34 = arith.constant 128 : i32
    %dma_start3A_35 = arith.constant 0 : i32
    %dma_start3A_36 = tpu.memref_slice %arg14[%dma_start3A_34, %dma_start3A_35] : memref<416x64xf32, #tpu.memory_space<vmem>> -> memref<64x64xf32, #tpu.memory_space<vmem>>
    %dma_start3A_37 = arith.constant 128 : i32
    %dma_start3A_38 = tpu.memref_slice %arg11[%dma_start3A_37] : memref<25664xi32, #tpu.memory_space<vmem>> -> memref<64xi32, #tpu.memory_space<vmem>>
    %dma_start3A_39 = arith.constant 0 : i32
    %dma_start3A_40 = arith.constant 0 : i32
    %dma_start3A_41 = tpu.memref_slice %arg6[%dma_start3A_39, %dma_start3A_40] : memref<100000x64xf32, #tpu.memory_space<hbm>> -> memref<100000x64xf32, #tpu.memory_space<hbm>>
    tpu.enqueue_indirect_dma source(%dma_start3A_41 : memref<100000x64xf32, #tpu.memory_space<hbm>>) target(%dma_start3A_36 : memref<64x64xf32, #tpu.memory_space<vmem>>) offsets(%dma_start3A_38 : memref<64xi32, #tpu.memory_space<vmem>>) semaphore(%arg20 : memref<!tpu.dma_semaphore, #tpu.memory_space<semaphore_mem>>)
    %dma_start3A_42 = arith.constant 192 : i32
    %dma_start3A_43 = arith.constant 0 : i32
    %dma_start3A_44 = tpu.memref_slice %arg14[%dma_start3A_42, %dma_start3A_43] : memref<416x64xf32, #tpu.memory_space<vmem>> -> memref<64x64xf32, #tpu.memory_space<vmem>>
    %dma_start3A_45 = arith.constant 192 : i32
    %dma_start3A_46 = tpu.memref_slice %arg11[%dma_start3A_45] : memref<25664xi32, #tpu.memory_space<vmem>> -> memref<64xi32, #tpu.memory_space<vmem>>
    %dma_start3A_47 = arith.constant 0 : i32
    %dma_start3A_48 = arith.constant 0 : i32
    %dma_start3A_49 = tpu.memref_slice %arg6[%dma_start3A_47, %dma_start3A_48] : memref<100000x64xf32, #tpu.memory_space<hbm>> -> memref<100000x64xf32, #tpu.memory_space<hbm>>
    tpu.enqueue_indirect_dma source(%dma_start3A_49 : memref<100000x64xf32, #tpu.memory_space<hbm>>) target(%dma_start3A_44 : memref<64x64xf32, #tpu.memory_space<vmem>>) offsets(%dma_start3A_46 : memref<64xi32, #tpu.memory_space<vmem>>) semaphore(%arg20 : memref<!tpu.dma_semaphore, #tpu.memory_space<semaphore_mem>>)
    %dma_start3A_50 = arith.constant 256 : i32
    %dma_start3A_51 = arith.constant 0 : i32
    %dma_start3A_52 = tpu.memref_slice %arg14[%dma_start3A_50, %dma_start3A_51] : memref<416x64xf32, #tpu.memory_space<vmem>> -> memref<64x64xf32, #tpu.memory_space<vmem>>
    %dma_start3A_53 = arith.constant 256 : i32
    %dma_start3A_54 = tpu.memref_slice %arg11[%dma_start3A_53] : memref<25664xi32, #tpu.memory_space<vmem>> -> memref<64xi32, #tpu.memory_space<vmem>>
    %dma_start3A_55 = arith.constant 0 : i32
    %dma_start3A_56 = arith.constant 0 : i32
    %dma_start3A_57 = tpu.memref_slice %arg6[%dma_start3A_55, %dma_start3A_56] : memref<100000x64xf32, #tpu.memory_space<hbm>> -> memref<100000x64xf32, #tpu.memory_space<hbm>>
    tpu.enqueue_indirect_dma source(%dma_start3A_57 : memref<100000x64xf32, #tpu.memory_space<hbm>>) target(%dma_start3A_52 : memref<64x64xf32, #tpu.memory_space<vmem>>) offsets(%dma_start3A_54 : memref<64xi32, #tpu.memory_space<vmem>>) semaphore(%arg20 : memref<!tpu.dma_semaphore, #tpu.memory_space<semaphore_mem>>)
    %dma_start3A_58 = arith.constant 320 : i32
    %dma_start3A_59 = arith.constant 0 : i32
    %dma_start3A_60 = tpu.memref_slice %arg14[%dma_start3A_58, %dma_start3A_59] : memref<416x64xf32, #tpu.memory_space<vmem>> -> memref<64x64xf32, #tpu.memory_space<vmem>>
    %dma_start3A_61 = arith.constant 320 : i32
    %dma_start3A_62 = tpu.memref_slice %arg11[%dma_start3A_61] : memref<25664xi32, #tpu.memory_space<vmem>> -> memref<64xi32, #tpu.memory_space<vmem>>
    %dma_start3A_63 = arith.constant 0 : i32
    %dma_start3A_64 = arith.constant 0 : i32
    %dma_start3A_65 = tpu.memref_slice %arg6[%dma_start3A_63, %dma_start3A_64] : memref<100000x64xf32, #tpu.memory_space<hbm>> -> memref<100000x64xf32, #tpu.memory_space<hbm>>
    tpu.enqueue_indirect_dma source(%dma_start3A_65 : memref<100000x64xf32, #tpu.memory_space<hbm>>) target(%dma_start3A_60 : memref<64x64xf32, #tpu.memory_space<vmem>>) offsets(%dma_start3A_62 : memref<64xi32, #tpu.memory_space<vmem>>) semaphore(%arg20 : memref<!tpu.dma_semaphore, #tpu.memory_space<semaphore_mem>>)
    %scan3A = arith.constant 0 : i32
    %scan3A_66 = arith.constant 0 : i32
    %scan3A_67 = arith.constant 32 : i32
    %scan3A_68 = arith.addi %scan3A_66, %scan3A_67 : i32
    %scan3A_69 = arith.constant 1 : i32
    %scan3A_70 = scf.for %scan3A_129 = %scan3A_66 to %scan3A_68 step %scan3A_69 iter_args(%scan3A_130 = %scan3A) -> (i32)  : i32 {
      %broadcast_in_dim3A_131 = arith.constant 0.000000e+00 : f32
      %broadcast_in_dim3A_132 = vector.broadcast %broadcast_in_dim3A_131 : f32 to vector<16xf32>
      %broadcast_in_dim3A_133 = arith.constant 0.000000e+00 : f32
      %broadcast_in_dim3A_134 = vector.broadcast %broadcast_in_dim3A_133 : f32 to vector<16xf32>
      %mul3A_135 = arith.constant 2 : i32
      %mul3A_136 = arith.muli %mul3A_135, %scan3A_129 : i32
      %add3A_137 = arith.constant 1 : i32
      %add3A_138 = arith.addi %mul3A_136, %add3A_137 : i32
      %mul3A_139 = arith.constant 8 : i32
      %mul3A_140 = arith.muli %add3A_138, %mul3A_139 : i32
      %mul3A_141 = arith.constant 400 : i32
      %mul3A_142 = arith.muli %add3A_138, %mul3A_141 : i32
      %dma_start3A_143 = tpu.memref_slice %arg9[%mul3A_140] : memref<512xi32, #tpu.memory_space<vmem>> -> memref<8xi32, #tpu.memory_space<vmem>>
      %dma_start3A_144 = arith.constant 0 : i32
      %dma_start3A_145 = arith.constant 0 : i32
      %dma_start3A_146 = tpu.memref_slice %arg5[%dma_start3A_144, %dma_start3A_145] : memref<100000x64xf32, #tpu.memory_space<hbm>> -> memref<100000x64xf32, #tpu.memory_space<hbm>>
      tpu.enqueue_indirect_dma source(%dma_start3A_146 : memref<100000x64xf32, #tpu.memory_space<hbm>>) target(%arg15 : memref<8x64xf32, #tpu.memory_space<vmem>>) offsets(%dma_start3A_143 : memref<8xi32, #tpu.memory_space<vmem>>) semaphore(%arg21 : memref<!tpu.dma_semaphore, #tpu.memory_space<semaphore_mem>>)
      %dma_start3A_147 = tpu.memref_slice %arg10[%mul3A_140] : memref<512xi32, #tpu.memory_space<vmem>> -> memref<8xi32, #tpu.memory_space<vmem>>
      %dma_start3A_148 = arith.constant 0 : i32
      %dma_start3A_149 = arith.constant 0 : i32
      %dma_start3A_150 = tpu.memref_slice %arg6[%dma_start3A_148, %dma_start3A_149] : memref<100000x64xf32, #tpu.memory_space<hbm>> -> memref<100000x64xf32, #tpu.memory_space<hbm>>
      tpu.enqueue_indirect_dma source(%dma_start3A_150 : memref<100000x64xf32, #tpu.memory_space<hbm>>) target(%arg16 : memref<8x64xf32, #tpu.memory_space<vmem>>) offsets(%dma_start3A_147 : memref<8xi32, #tpu.memory_space<vmem>>) semaphore(%arg21 : memref<!tpu.dma_semaphore, #tpu.memory_space<semaphore_mem>>)
      %add3A_151 = arith.constant 0 : i32
      %add3A_152 = arith.addi %mul3A_142, %add3A_151 : i32
      %dma_start3A_153 = arith.constant 0 : i32
      %dma_start3A_154 = arith.constant 0 : i32
      %dma_start3A_155 = tpu.memref_slice %arg17[%dma_start3A_153, %dma_start3A_154] : memref<416x64xf32, #tpu.memory_space<vmem>> -> memref<64x64xf32, #tpu.memory_space<vmem>>
      %dma_start3A_156 = tpu.memref_slice %arg11[%add3A_152] : memref<25664xi32, #tpu.memory_space<vmem>> -> memref<64xi32, #tpu.memory_space<vmem>>
      %dma_start3A_157 = arith.constant 0 : i32
      %dma_start3A_158 = arith.constant 0 : i32
      %dma_start3A_159 = tpu.memref_slice %arg6[%dma_start3A_157, %dma_start3A_158] : memref<100000x64xf32, #tpu.memory_space<hbm>> -> memref<100000x64xf32, #tpu.memory_space<hbm>>
      tpu.enqueue_indirect_dma source(%dma_start3A_159 : memref<100000x64xf32, #tpu.memory_space<hbm>>) target(%dma_start3A_155 : memref<64x64xf32, #tpu.memory_space<vmem>>) offsets(%dma_start3A_156 : memref<64xi32, #tpu.memory_space<vmem>>) semaphore(%arg21 : memref<!tpu.dma_semaphore, #tpu.memory_space<semaphore_mem>>)
      %add3A_160 = arith.constant 64 : i32
      %add3A_161 = arith.addi %mul3A_142, %add3A_160 : i32
      %dma_start3A_162 = arith.constant 64 : i32
      %dma_start3A_163 = arith.constant 0 : i32
      %dma_start3A_164 = tpu.memref_slice %arg17[%dma_start3A_162, %dma_start3A_163] : memref<416x64xf32, #tpu.memory_space<vmem>> -> memref<64x64xf32, #tpu.memory_space<vmem>>
      %dma_start3A_165 = tpu.memref_slice %arg11[%add3A_161] : memref<25664xi32, #tpu.memory_space<vmem>> -> memref<64xi32, #tpu.memory_space<vmem>>
      %dma_start3A_166 = arith.constant 0 : i32
      %dma_start3A_167 = arith.constant 0 : i32
      %dma_start3A_168 = tpu.memref_slice %arg6[%dma_start3A_166, %dma_start3A_167] : memref<100000x64xf32, #tpu.memory_space<hbm>> -> memref<100000x64xf32, #tpu.memory_space<hbm>>
      tpu.enqueue_indirect_dma source(%dma_start3A_168 : memref<100000x64xf32, #tpu.memory_space<hbm>>) target(%dma_start3A_164 : memref<64x64xf32, #tpu.memory_space<vmem>>) offsets(%dma_start3A_165 : memref<64xi32, #tpu.memory_space<vmem>>) semaphore(%arg21 : memref<!tpu.dma_semaphore, #tpu.memory_space<semaphore_mem>>)
      %add3A_169 = arith.constant 128 : i32
      %add3A_170 = arith.addi %mul3A_142, %add3A_169 : i32
      %dma_start3A_171 = arith.constant 128 : i32
      %dma_start3A_172 = arith.constant 0 : i32
      %dma_start3A_173 = tpu.memref_slice %arg17[%dma_start3A_171, %dma_start3A_172] : memref<416x64xf32, #tpu.memory_space<vmem>> -> memref<64x64xf32, #tpu.memory_space<vmem>>
      %dma_start3A_174 = tpu.memref_slice %arg11[%add3A_170] : memref<25664xi32, #tpu.memory_space<vmem>> -> memref<64xi32, #tpu.memory_space<vmem>>
      %dma_start3A_175 = arith.constant 0 : i32
      %dma_start3A_176 = arith.constant 0 : i32
      %dma_start3A_177 = tpu.memref_slice %arg6[%dma_start3A_175, %dma_start3A_176] : memref<100000x64xf32, #tpu.memory_space<hbm>> -> memref<100000x64xf32, #tpu.memory_space<hbm>>
      tpu.enqueue_indirect_dma source(%dma_start3A_177 : memref<100000x64xf32, #tpu.memory_space<hbm>>) target(%dma_start3A_173 : memref<64x64xf32, #tpu.memory_space<vmem>>) offsets(%dma_start3A_174 : memref<64xi32, #tpu.memory_space<vmem>>) semaphore(%arg21 : memref<!tpu.dma_semaphore, #tpu.memory_space<semaphore_mem>>)
      %add3A_178 = arith.constant 192 : i32
      %add3A_179 = arith.addi %mul3A_142, %add3A_178 : i32
      %dma_start3A_180 = arith.constant 192 : i32
      %dma_start3A_181 = arith.constant 0 : i32
      %dma_start3A_182 = tpu.memref_slice %arg17[%dma_start3A_180, %dma_start3A_181] : memref<416x64xf32, #tpu.memory_space<vmem>> -> memref<64x64xf32, #tpu.memory_space<vmem>>
      %dma_start3A_183 = tpu.memref_slice %arg11[%add3A_179] : memref<25664xi32, #tpu.memory_space<vmem>> -> memref<64xi32, #tpu.memory_space<vmem>>
      %dma_start3A_184 = arith.constant 0 : i32
      %dma_start3A_185 = arith.constant 0 : i32
      %dma_start3A_186 = tpu.memref_slice %arg6[%dma_start3A_184, %dma_start3A_185] : memref<100000x64xf32, #tpu.memory_space<hbm>> -> memref<100000x64xf32, #tpu.memory_space<hbm>>
      tpu.enqueue_indirect_dma source(%dma_start3A_186 : memref<100000x64xf32, #tpu.memory_space<hbm>>) target(%dma_start3A_182 : memref<64x64xf32, #tpu.memory_space<vmem>>) offsets(%dma_start3A_183 : memref<64xi32, #tpu.memory_space<vmem>>) semaphore(%arg21 : memref<!tpu.dma_semaphore, #tpu.memory_space<semaphore_mem>>)
      %add3A_187 = arith.constant 256 : i32
      %add3A_188 = arith.addi %mul3A_142, %add3A_187 : i32
      %dma_start3A_189 = arith.constant 256 : i32
      %dma_start3A_190 = arith.constant 0 : i32
      %dma_start3A_191 = tpu.memref_slice %arg17[%dma_start3A_189, %dma_start3A_190] : memref<416x64xf32, #tpu.memory_space<vmem>> -> memref<64x64xf32, #tpu.memory_space<vmem>>
      %dma_start3A_192 = tpu.memref_slice %arg11[%add3A_188] : memref<25664xi32, #tpu.memory_space<vmem>> -> memref<64xi32, #tpu.memory_space<vmem>>
      %dma_start3A_193 = arith.constant 0 : i32
      %dma_start3A_194 = arith.constant 0 : i32
      %dma_start3A_195 = tpu.memref_slice %arg6[%dma_start3A_193, %dma_start3A_194] : memref<100000x64xf32, #tpu.memory_space<hbm>> -> memref<100000x64xf32, #tpu.memory_space<hbm>>
      tpu.enqueue_indirect_dma source(%dma_start3A_195 : memref<100000x64xf32, #tpu.memory_space<hbm>>) target(%dma_start3A_191 : memref<64x64xf32, #tpu.memory_space<vmem>>) offsets(%dma_start3A_192 : memref<64xi32, #tpu.memory_space<vmem>>) semaphore(%arg21 : memref<!tpu.dma_semaphore, #tpu.memory_space<semaphore_mem>>)
      %add3A_196 = arith.constant 320 : i32
      %add3A_197 = arith.addi %mul3A_142, %add3A_196 : i32
      %dma_start3A_198 = arith.constant 320 : i32
      %dma_start3A_199 = arith.constant 0 : i32
      %dma_start3A_200 = tpu.memref_slice %arg17[%dma_start3A_198, %dma_start3A_199] : memref<416x64xf32, #tpu.memory_space<vmem>> -> memref<64x64xf32, #tpu.memory_space<vmem>>
      %dma_start3A_201 = tpu.memref_slice %arg11[%add3A_197] : memref<25664xi32, #tpu.memory_space<vmem>> -> memref<64xi32, #tpu.memory_space<vmem>>
      %dma_start3A_202 = arith.constant 0 : i32
      %dma_start3A_203 = arith.constant 0 : i32
      %dma_start3A_204 = tpu.memref_slice %arg6[%dma_start3A_202, %dma_start3A_203] : memref<100000x64xf32, #tpu.memory_space<hbm>> -> memref<100000x64xf32, #tpu.memory_space<hbm>>
      tpu.enqueue_indirect_dma source(%dma_start3A_204 : memref<100000x64xf32, #tpu.memory_space<hbm>>) target(%dma_start3A_200 : memref<64x64xf32, #tpu.memory_space<vmem>>) offsets(%dma_start3A_201 : memref<64xi32, #tpu.memory_space<vmem>>) semaphore(%arg21 : memref<!tpu.dma_semaphore, #tpu.memory_space<semaphore_mem>>)
      %dma_wait3A_205 = arith.constant 0 : i32
      %dma_wait3A_206 = tpu.memref_slice %arg9[%dma_wait3A_205] : memref<512xi32, #tpu.memory_space<vmem>> -> memref<8xi32, #tpu.memory_space<vmem>>
      %dma_wait3A_207 = arith.constant 0 : i32
      %dma_wait3A_208 = arith.constant 0 : i32
      %dma_wait3A_209 = tpu.memref_slice %arg5[%dma_wait3A_207, %dma_wait3A_208] : memref<100000x64xf32, #tpu.memory_space<hbm>> -> memref<100000x64xf32, #tpu.memory_space<hbm>>
      tpu.wait_indirect_dma semaphore(%arg20 : memref<!tpu.dma_semaphore, #tpu.memory_space<semaphore_mem>>) src(%dma_wait3A_209 : memref<100000x64xf32, #tpu.memory_space<hbm>>) dst(%arg12 : memref<8x64xf32, #tpu.memory_space<vmem>>)
      %dma_wait3A_210 = arith.constant 0 : i32
      %dma_wait3A_211 = tpu.memref_slice %arg10[%dma_wait3A_210] : memref<512xi32, #tpu.memory_space<vmem>> -> memref<8xi32, #tpu.memory_space<vmem>>
      %dma_wait3A_212 = arith.constant 0 : i32
      %dma_wait3A_213 = arith.constant 0 : i32
      %dma_wait3A_214 = tpu.memref_slice %arg6[%dma_wait3A_212, %dma_wait3A_213] : memref<100000x64xf32, #tpu.memory_space<hbm>> -> memref<100000x64xf32, #tpu.memory_space<hbm>>
      tpu.wait_indirect_dma semaphore(%arg20 : memref<!tpu.dma_semaphore, #tpu.memory_space<semaphore_mem>>) src(%dma_wait3A_214 : memref<100000x64xf32, #tpu.memory_space<hbm>>) dst(%arg13 : memref<8x64xf32, #tpu.memory_space<vmem>>)
      %dma_wait3A_215 = arith.constant 0 : i32
      %dma_wait3A_216 = arith.constant 0 : i32
      %dma_wait3A_217 = tpu.memref_slice %arg14[%dma_wait3A_215, %dma_wait3A_216] : memref<416x64xf32, #tpu.memory_space<vmem>> -> memref<64x64xf32, #tpu.memory_space<vmem>>
      %dma_wait3A_218 = arith.constant 0 : i32
      %dma_wait3A_219 = tpu.memref_slice %arg11[%dma_wait3A_218] : memref<25664xi32, #tpu.memory_space<vmem>> -> memref<64xi32, #tpu.memory_space<vmem>>
      %dma_wait3A_220 = arith.constant 0 : i32
      %dma_wait3A_221 = arith.constant 0 : i32
      %dma_wait3A_222 = tpu.memref_slice %arg6[%dma_wait3A_220, %dma_wait3A_221] : memref<100000x64xf32, #tpu.memory_space<hbm>> -> memref<100000x64xf32, #tpu.memory_space<hbm>>
      tpu.wait_indirect_dma semaphore(%arg20 : memref<!tpu.dma_semaphore, #tpu.memory_space<semaphore_mem>>) src(%dma_wait3A_222 : memref<100000x64xf32, #tpu.memory_space<hbm>>) dst(%dma_wait3A_217 : memref<64x64xf32, #tpu.memory_space<vmem>>)
      %dma_wait3A_223 = arith.constant 64 : i32
      %dma_wait3A_224 = arith.constant 0 : i32
      %dma_wait3A_225 = tpu.memref_slice %arg14[%dma_wait3A_223, %dma_wait3A_224] : memref<416x64xf32, #tpu.memory_space<vmem>> -> memref<64x64xf32, #tpu.memory_space<vmem>>
      %dma_wait3A_226 = arith.constant 64 : i32
      %dma_wait3A_227 = tpu.memref_slice %arg11[%dma_wait3A_226] : memref<25664xi32, #tpu.memory_space<vmem>> -> memref<64xi32, #tpu.memory_space<vmem>>
      %dma_wait3A_228 = arith.constant 0 : i32
      %dma_wait3A_229 = arith.constant 0 : i32
      %dma_wait3A_230 = tpu.memref_slice %arg6[%dma_wait3A_228, %dma_wait3A_229] : memref<100000x64xf32, #tpu.memory_space<hbm>> -> memref<100000x64xf32, #tpu.memory_space<hbm>>
      tpu.wait_indirect_dma semaphore(%arg20 : memref<!tpu.dma_semaphore, #tpu.memory_space<semaphore_mem>>) src(%dma_wait3A_230 : memref<100000x64xf32, #tpu.memory_space<hbm>>) dst(%dma_wait3A_225 : memref<64x64xf32, #tpu.memory_space<vmem>>)
      %dma_wait3A_231 = arith.constant 128 : i32
      %dma_wait3A_232 = arith.constant 0 : i32
      %dma_wait3A_233 = tpu.memref_slice %arg14[%dma_wait3A_231, %dma_wait3A_232] : memref<416x64xf32, #tpu.memory_space<vmem>> -> memref<64x64xf32, #tpu.memory_space<vmem>>
      %dma_wait3A_234 = arith.constant 128 : i32
      %dma_wait3A_235 = tpu.memref_slice %arg11[%dma_wait3A_234] : memref<25664xi32, #tpu.memory_space<vmem>> -> memref<64xi32, #tpu.memory_space<vmem>>
      %dma_wait3A_236 = arith.constant 0 : i32
      %dma_wait3A_237 = arith.constant 0 : i32
      %dma_wait3A_238 = tpu.memref_slice %arg6[%dma_wait3A_236, %dma_wait3A_237] : memref<100000x64xf32, #tpu.memory_space<hbm>> -> memref<100000x64xf32, #tpu.memory_space<hbm>>
      tpu.wait_indirect_dma semaphore(%arg20 : memref<!tpu.dma_semaphore, #tpu.memory_space<semaphore_mem>>) src(%dma_wait3A_238 : memref<100000x64xf32, #tpu.memory_space<hbm>>) dst(%dma_wait3A_233 : memref<64x64xf32, #tpu.memory_space<vmem>>)
      %dma_wait3A_239 = arith.constant 192 : i32
      %dma_wait3A_240 = arith.constant 0 : i32
      %dma_wait3A_241 = tpu.memref_slice %arg14[%dma_wait3A_239, %dma_wait3A_240] : memref<416x64xf32, #tpu.memory_space<vmem>> -> memref<64x64xf32, #tpu.memory_space<vmem>>
      %dma_wait3A_242 = arith.constant 192 : i32
      %dma_wait3A_243 = tpu.memref_slice %arg11[%dma_wait3A_242] : memref<25664xi32, #tpu.memory_space<vmem>> -> memref<64xi32, #tpu.memory_space<vmem>>
      %dma_wait3A_244 = arith.constant 0 : i32
      %dma_wait3A_245 = arith.constant 0 : i32
      %dma_wait3A_246 = tpu.memref_slice %arg6[%dma_wait3A_244, %dma_wait3A_245] : memref<100000x64xf32, #tpu.memory_space<hbm>> -> memref<100000x64xf32, #tpu.memory_space<hbm>>
      tpu.wait_indirect_dma semaphore(%arg20 : memref<!tpu.dma_semaphore, #tpu.memory_space<semaphore_mem>>) src(%dma_wait3A_246 : memref<100000x64xf32, #tpu.memory_space<hbm>>) dst(%dma_wait3A_241 : memref<64x64xf32, #tpu.memory_space<vmem>>)
      %dma_wait3A_247 = arith.constant 256 : i32
      %dma_wait3A_248 = arith.constant 0 : i32
      %dma_wait3A_249 = tpu.memref_slice %arg14[%dma_wait3A_247, %dma_wait3A_248] : memref<416x64xf32, #tpu.memory_space<vmem>> -> memref<64x64xf32, #tpu.memory_space<vmem>>
      %dma_wait3A_250 = arith.constant 256 : i32
      %dma_wait3A_251 = tpu.memref_slice %arg11[%dma_wait3A_250] : memref<25664xi32, #tpu.memory_space<vmem>> -> memref<64xi32, #tpu.memory_space<vmem>>
      %dma_wait3A_252 = arith.constant 0 : i32
      %dma_wait3A_253 = arith.constant 0 : i32
      %dma_wait3A_254 = tpu.memref_slice %arg6[%dma_wait3A_252, %dma_wait3A_253] : memref<100000x64xf32, #tpu.memory_space<hbm>> -> memref<100000x64xf32, #tpu.memory_space<hbm>>
      tpu.wait_indirect_dma semaphore(%arg20 : memref<!tpu.dma_semaphore, #tpu.memory_space<semaphore_mem>>) src(%dma_wait3A_254 : memref<100000x64xf32, #tpu.memory_space<hbm>>) dst(%dma_wait3A_249 : memref<64x64xf32, #tpu.memory_space<vmem>>)
      %dma_wait3A_255 = arith.constant 320 : i32
      %dma_wait3A_256 = arith.constant 0 : i32
      %dma_wait3A_257 = tpu.memref_slice %arg14[%dma_wait3A_255, %dma_wait3A_256] : memref<416x64xf32, #tpu.memory_space<vmem>> -> memref<64x64xf32, #tpu.memory_space<vmem>>
      %dma_wait3A_258 = arith.constant 320 : i32
      %dma_wait3A_259 = tpu.memref_slice %arg11[%dma_wait3A_258] : memref<25664xi32, #tpu.memory_space<vmem>> -> memref<64xi32, #tpu.memory_space<vmem>>
      %dma_wait3A_260 = arith.constant 0 : i32
      %dma_wait3A_261 = arith.constant 0 : i32
      %dma_wait3A_262 = tpu.memref_slice %arg6[%dma_wait3A_260, %dma_wait3A_261] : memref<100000x64xf32, #tpu.memory_space<hbm>> -> memref<100000x64xf32, #tpu.memory_space<hbm>>
      tpu.wait_indirect_dma semaphore(%arg20 : memref<!tpu.dma_semaphore, #tpu.memory_space<semaphore_mem>>) src(%dma_wait3A_262 : memref<100000x64xf32, #tpu.memory_space<hbm>>) dst(%dma_wait3A_257 : memref<64x64xf32, #tpu.memory_space<vmem>>)
      %mul3A_263 = arith.constant 2 : i32
      %mul3A_264 = arith.muli %mul3A_263, %scan3A_129 : i32
      %scan3A_265 = arith.constant 0 : i32
      %scan3A_266 = arith.constant 8 : i32
      %scan3A_267 = arith.addi %scan3A_265, %scan3A_266 : i32
      %scan3A_268 = arith.constant 1 : i32
      %scan3A_269:2 = scf.for %scan3A_423 = %scan3A_265 to %scan3A_267 step %scan3A_268 iter_args(%scan3A_424 = %broadcast_in_dim3A_132, %scan3A_425 = %broadcast_in_dim3A_134) -> (vector<16xf32>, vector<16xf32>)  : i32 {
        %get3A = arith.index_cast %scan3A_423 : i32 to index
        %get3A_426 = arith.constant 0 : index
        %get3A_427 = tpu.vector_load %arg12[%get3A, %get3A_426] {strides = array<i32>} : memref<8x64xf32, #tpu.memory_space<vmem>>, vector<1x16xf32>,
        %get3A_428 = vector.shape_cast %get3A_427 : vector<1x16xf32> to vector<16xf32>
        %get3A_429 = arith.index_cast %scan3A_423 : i32 to index
        %get3A_430 = arith.constant 16 : index
        %get3A_431 = tpu.vector_load %arg12[%get3A_429, %get3A_430] {strides = array<i32>} : memref<8x64xf32, #tpu.memory_space<vmem>>, vector<1x16xf32>,
        %get3A_432 = vector.shape_cast %get3A_431 : vector<1x16xf32> to vector<16xf32>
        %get3A_433 = arith.index_cast %scan3A_423 : i32 to index
        %get3A_434 = arith.constant 32 : index
        %get3A_435 = tpu.vector_load %arg12[%get3A_433, %get3A_434] {strides = array<i32>} : memref<8x64xf32, #tpu.memory_space<vmem>>, vector<1x16xf32>,
        %get3A_436 = vector.shape_cast %get3A_435 : vector<1x16xf32> to vector<16xf32>
        %get3A_437 = arith.index_cast %scan3A_423 : i32 to index
        %get3A_438 = arith.constant 48 : index
        %get3A_439 = tpu.vector_load %arg12[%get3A_437, %get3A_438] {strides = array<i32>} : memref<8x64xf32, #tpu.memory_space<vmem>>, vector<1x16xf32>,
        %get3A_440 = vector.shape_cast %get3A_439 : vector<1x16xf32> to vector<16xf32>
        %get3A_441 = arith.index_cast %scan3A_423 : i32 to index
        %get3A_442 = arith.constant 0 : index
        %get3A_443 = tpu.vector_load %arg13[%get3A_441, %get3A_442] {strides = array<i32>} : memref<8x64xf32, #tpu.memory_space<vmem>>, vector<1x16xf32>,
        %get3A_444 = vector.shape_cast %get3A_443 : vector<1x16xf32> to vector<16xf32>
        %mul3A_445 = arith.mulf %get3A_428, %get3A_444 : vector<16xf32>
        %get3A_446 = arith.index_cast %scan3A_423 : i32 to index
        %get3A_447 = arith.constant 16 : index
        %get3A_448 = tpu.vector_load %arg13[%get3A_446, %get3A_447] {strides = array<i32>} : memref<8x64xf32, #tpu.memory_space<vmem>>, vector<1x16xf32>,
        %get3A_449 = vector.shape_cast %get3A_448 : vector<1x16xf32> to vector<16xf32>
        %mul3A_450 = arith.mulf %get3A_432, %get3A_449 : vector<16xf32>
        %add3A_451 = arith.addf %mul3A_445, %mul3A_450 : vector<16xf32>
        %get3A_452 = arith.index_cast %scan3A_423 : i32 to index
        %get3A_453 = arith.constant 32 : index
        %get3A_454 = tpu.vector_load %arg13[%get3A_452, %get3A_453] {strides = array<i32>} : memref<8x64xf32, #tpu.memory_space<vmem>>, vector<1x16xf32>,
        %get3A_455 = vector.shape_cast %get3A_454 : vector<1x16xf32> to vector<16xf32>
        %mul3A_456 = arith.mulf %get3A_436, %get3A_455 : vector<16xf32>
        %add3A_457 = arith.addf %add3A_451, %mul3A_456 : vector<16xf32>
        %get3A_458 = arith.index_cast %scan3A_423 : i32 to index
        %get3A_459 = arith.constant 48 : index
        %get3A_460 = tpu.vector_load %arg13[%get3A_458, %get3A_459] {strides = array<i32>} : memref<8x64xf32, #tpu.memory_space<vmem>>, vector<1x16xf32>,
        %get3A_461 = vector.shape_cast %get3A_460 : vector<1x16xf32> to vector<16xf32>
        %mul3A_462 = arith.mulf %get3A_440, %get3A_461 : vector<16xf32>
        %add3A_463 = arith.addf %add3A_457, %mul3A_462 : vector<16xf32>
        %iota3A_464 = tpu.iota {dimensions = array<i32: 0>} : vector<16xi32>
        %xor3A = arith.constant 8 : i32
        %xor3A_465 = vector.broadcast %xor3A : i32 to vector<16xi32>
        %xor3A_466 = arith.xori %iota3A_464, %xor3A_465 : vector<16xi32>
        %broadcast_in_dim3A_467 = vector.shape_cast %xor3A_466 : vector<16xi32> to vector<16x1xi32>
        %gather3A = vector.shape_cast %broadcast_in_dim3A_467 : vector<16x1xi32> to vector<16xi32>
        %gather3A_468 = tpu.dynamic_gather %add3A_463[%gather3A] in [0] : vector<16xf32>, vector<16xi32> -> vector<16xf32>
        %add3A_469 = arith.addf %add3A_463, %gather3A_468 : vector<16xf32>
        %iota3A_470 = tpu.iota {dimensions = array<i32: 0>} : vector<16xi32>
        %xor3A_471 = arith.constant 4 : i32
        %xor3A_472 = vector.broadcast %xor3A_471 : i32 to vector<16xi32>
        %xor3A_473 = arith.xori %iota3A_470, %xor3A_472 : vector<16xi32>
        %broadcast_in_dim3A_474 = vector.shape_cast %xor3A_473 : vector<16xi32> to vector<16x1xi32>
        %gather3A_475 = vector.shape_cast %broadcast_in_dim3A_474 : vector<16x1xi32> to vector<16xi32>
        %gather3A_476 = tpu.dynamic_gather %add3A_469[%gather3A_475] in [0] : vector<16xf32>, vector<16xi32> -> vector<16xf32>
        %add3A_477 = arith.addf %add3A_469, %gather3A_476 : vector<16xf32>
        %iota3A_478 = tpu.iota {dimensions = array<i32: 0>} : vector<16xi32>
        %xor3A_479 = arith.constant 2 : i32
        %xor3A_480 = vector.broadcast %xor3A_479 : i32 to vector<16xi32>
        %xor3A_481 = arith.xori %iota3A_478, %xor3A_480 : vector<16xi32>
        %broadcast_in_dim3A_482 = vector.shape_cast %xor3A_481 : vector<16xi32> to vector<16x1xi32>
        %gather3A_483 = vector.shape_cast %broadcast_in_dim3A_482 : vector<16x1xi32> to vector<16xi32>
        %gather3A_484 = tpu.dynamic_gather %add3A_477[%gather3A_483] in [0] : vector<16xf32>, vector<16xi32> -> vector<16xf32>
        %add3A_485 = arith.addf %add3A_477, %gather3A_484 : vector<16xf32>
        %iota3A_486 = tpu.iota {dimensions = array<i32: 0>} : vector<16xi32>
        %xor3A_487 = arith.constant 1 : i32
        %xor3A_488 = vector.broadcast %xor3A_487 : i32 to vector<16xi32>
        %xor3A_489 = arith.xori %iota3A_486, %xor3A_488 : vector<16xi32>
        %broadcast_in_dim3A_490 = vector.shape_cast %xor3A_489 : vector<16xi32> to vector<16x1xi32>
        %gather3A_491 = vector.shape_cast %broadcast_in_dim3A_490 : vector<16x1xi32> to vector<16xi32>
        %gather3A_492 = tpu.dynamic_gather %add3A_485[%gather3A_491] in [0] : vector<16xf32>, vector<16xi32> -> vector<16xf32>
        %add3A_493 = arith.addf %add3A_485, %gather3A_492 : vector<16xf32>
        %broadcast_in_dim3A_494 = arith.constant 0.000000e+00 : f32
        %broadcast_in_dim3A_495 = vector.broadcast %broadcast_in_dim3A_494 : f32 to vector<16xf32>
        %scan3A_496 = arith.constant 0 : i32
        %scan3A_497 = arith.constant 4 : i32
        %scan3A_498 = arith.addi %scan3A_496, %scan3A_497 : i32
        %scan3A_499 = arith.constant 1 : i32
        %scan3A_500 = scf.for %scan3A_538 = %scan3A_496 to %scan3A_498 step %scan3A_499 iter_args(%scan3A_539 = %broadcast_in_dim3A_495) -> (vector<16xf32>)  : i32 {
          %mul3A_540 = arith.constant 50 : i32
          %mul3A_541 = arith.muli %scan3A_423, %mul3A_540 : i32
          %mul3A_542 = arith.constant 16 : i32
          %mul3A_543 = arith.muli %scan3A_538, %mul3A_542 : i32
          %add3A_544 = arith.addi %mul3A_541, %mul3A_543 : i32
          %add3A_545 = arith.constant 0 : i32
          %add3A_546 = arith.addi %add3A_544, %add3A_545 : i32
          %get3A_547 = arith.index_cast %add3A_546 : i32 to index
          %get3A_548 = arith.constant 0 : index
          %get3A_549 = tpu.vector_load %arg14[%get3A_547, %get3A_548] {strides = array<i32>} : memref<416x64xf32, #tpu.memory_space<vmem>>, vector<1x16xf32>,
          %get3A_550 = vector.shape_cast %get3A_549 : vector<1x16xf32> to vector<16xf32>
          %mul3A_551 = arith.mulf %get3A_428, %get3A_550 : vector<16xf32>
          %get3A_552 = arith.index_cast %add3A_546 : i32 to index
          %get3A_553 = arith.constant 16 : index
          %get3A_554 = tpu.vector_load %arg14[%get3A_552, %get3A_553] {strides = array<i32>} : memref<416x64xf32, #tpu.memory_space<vmem>>, vector<1x16xf32>,
          %get3A_555 = vector.shape_cast %get3A_554 : vector<1x16xf32> to vector<16xf32>
          %mul3A_556 = arith.mulf %get3A_432, %get3A_555 : vector<16xf32>
          %add3A_557 = arith.addf %mul3A_551, %mul3A_556 : vector<16xf32>
          %get3A_558 = arith.index_cast %add3A_546 : i32 to index
          %get3A_559 = arith.constant 32 : index
          %get3A_560 = tpu.vector_load %arg14[%get3A_558, %get3A_559] {strides = array<i32>} : memref<416x64xf32, #tpu.memory_space<vmem>>, vector<1x16xf32>,
          %get3A_561 = vector.shape_cast %get3A_560 : vector<1x16xf32> to vector<16xf32>
          %mul3A_562 = arith.mulf %get3A_436, %get3A_561 : vector<16xf32>
          %add3A_563 = arith.addf %add3A_557, %mul3A_562 : vector<16xf32>
          %get3A_564 = arith.index_cast %add3A_546 : i32 to index
          %get3A_565 = arith.constant 48 : index
          %get3A_566 = tpu.vector_load %arg14[%get3A_564, %get3A_565] {strides = array<i32>} : memref<416x64xf32, #tpu.memory_space<vmem>>, vector<1x16xf32>,
          %get3A_567 = vector.shape_cast %get3A_566 : vector<1x16xf32> to vector<16xf32>
          %mul3A_568 = arith.mulf %get3A_440, %get3A_567 : vector<16xf32>
          %add3A_569 = arith.addf %add3A_563, %mul3A_568 : vector<16xf32>
          %add3A_570 = arith.constant 8 : i32
          %add3A_571 = arith.addi %add3A_544, %add3A_570 : i32
          %get3A_572 = arith.index_cast %add3A_571 : i32 to index
          %get3A_573 = arith.constant 0 : index
          %get3A_574 = tpu.vector_load %arg14[%get3A_572, %get3A_573] {strides = array<i32>} : memref<416x64xf32, #tpu.memory_space<vmem>>, vector<1x16xf32>,
          %get3A_575 = vector.shape_cast %get3A_574 : vector<1x16xf32> to vector<16xf32>
          %mul3A_576 = arith.mulf %get3A_428, %get3A_575 : vector<16xf32>
          %get3A_577 = arith.index_cast %add3A_571 : i32 to index
          %get3A_578 = arith.constant 16 : index
          %get3A_579 = tpu.vector_load %arg14[%get3A_577, %get3A_578] {strides = array<i32>} : memref<416x64xf32, #tpu.memory_space<vmem>>, vector<1x16xf32>,
          %get3A_580 = vector.shape_cast %get3A_579 : vector<1x16xf32> to vector<16xf32>
          %mul3A_581 = arith.mulf %get3A_432, %get3A_580 : vector<16xf32>
          %add3A_582 = arith.addf %mul3A_576, %mul3A_581 : vector<16xf32>
          %get3A_583 = arith.index_cast %add3A_571 : i32 to index
          %get3A_584 = arith.constant 32 : index
          %get3A_585 = tpu.vector_load %arg14[%get3A_583, %get3A_584] {strides = array<i32>} : memref<416x64xf32, #tpu.memory_space<vmem>>, vector<1x16xf32>,
          %get3A_586 = vector.shape_cast %get3A_585 : vector<1x16xf32> to vector<16xf32>
          %mul3A_587 = arith.mulf %get3A_436, %get3A_586 : vector<16xf32>
          %add3A_588 = arith.addf %add3A_582, %mul3A_587 : vector<16xf32>
          %get3A_589 = arith.index_cast %add3A_571 : i32 to index
          %get3A_590 = arith.constant 48 : index
          %get3A_591 = tpu.vector_load %arg14[%get3A_589, %get3A_590] {strides = array<i32>} : memref<416x64xf32, #tpu.memory_space<vmem>>, vector<1x16xf32>,
          %get3A_592 = vector.shape_cast %get3A_591 : vector<1x16xf32> to vector<16xf32>
          %mul3A_593 = arith.mulf %get3A_440, %get3A_592 : vector<16xf32>
          %add3A_594 = arith.addf %add3A_588, %mul3A_593 : vector<16xf32>
          %add3A_595 = arith.constant 4 : i32
          %add3A_596 = arith.addi %add3A_544, %add3A_595 : i32
          %get3A_597 = arith.index_cast %add3A_596 : i32 to index
          %get3A_598 = arith.constant 0 : index
          %get3A_599 = tpu.vector_load %arg14[%get3A_597, %get3A_598] {strides = array<i32>} : memref<416x64xf32, #tpu.memory_space<vmem>>, vector<1x16xf32>,
          %get3A_600 = vector.shape_cast %get3A_599 : vector<1x16xf32> to vector<16xf32>
          %mul3A_601 = arith.mulf %get3A_428, %get3A_600 : vector<16xf32>
          %get3A_602 = arith.index_cast %add3A_596 : i32 to index
          %get3A_603 = arith.constant 16 : index
          %get3A_604 = tpu.vector_load %arg14[%get3A_602, %get3A_603] {strides = array<i32>} : memref<416x64xf32, #tpu.memory_space<vmem>>, vector<1x16xf32>,
          %get3A_605 = vector.shape_cast %get3A_604 : vector<1x16xf32> to vector<16xf32>
          %mul3A_606 = arith.mulf %get3A_432, %get3A_605 : vector<16xf32>
          %add3A_607 = arith.addf %mul3A_601, %mul3A_606 : vector<16xf32>
          %get3A_608 = arith.index_cast %add3A_596 : i32 to index
          %get3A_609 = arith.constant 32 : index
          %get3A_610 = tpu.vector_load %arg14[%get3A_608, %get3A_609] {strides = array<i32>} : memref<416x64xf32, #tpu.memory_space<vmem>>, vector<1x16xf32>,
          %get3A_611 = vector.shape_cast %get3A_610 : vector<1x16xf32> to vector<16xf32>
          %mul3A_612 = arith.mulf %get3A_436, %get3A_611 : vector<16xf32>
          %add3A_613 = arith.addf %add3A_607, %mul3A_612 : vector<16xf32>
          %get3A_614 = arith.index_cast %add3A_596 : i32 to index
          %get3A_615 = arith.constant 48 : index
          %get3A_616 = tpu.vector_load %arg14[%get3A_614, %get3A_615] {strides = array<i32>} : memref<416x64xf32, #tpu.memory_space<vmem>>, vector<1x16xf32>,
          %get3A_617 = vector.shape_cast %get3A_616 : vector<1x16xf32> to vector<16xf32>
          %mul3A_618 = arith.mulf %get3A_440, %get3A_617 : vector<16xf32>
          %add3A_619 = arith.addf %add3A_613, %mul3A_618 : vector<16xf32>
          %add3A_620 = arith.constant 12 : i32
          %add3A_621 = arith.addi %add3A_544, %add3A_620 : i32
          %get3A_622 = arith.index_cast %add3A_621 : i32 to index
          %get3A_623 = arith.constant 0 : index
          %get3A_624 = tpu.vector_load %arg14[%get3A_622, %get3A_623] {strides = array<i32>} : memref<416x64xf32, #tpu.memory_space<vmem>>, vector<1x16xf32>,
          %get3A_625 = vector.shape_cast %get3A_624 : vector<1x16xf32> to vector<16xf32>
          %mul3A_626 = arith.mulf %get3A_428, %get3A_625 : vector<16xf32>
          %get3A_627 = arith.index_cast %add3A_621 : i32 to index
          %get3A_628 = arith.constant 16 : index
          %get3A_629 = tpu.vector_load %arg14[%get3A_627, %get3A_628] {strides = array<i32>} : memref<416x64xf32, #tpu.memory_space<vmem>>, vector<1x16xf32>,
          %get3A_630 = vector.shape_cast %get3A_629 : vector<1x16xf32> to vector<16xf32>
          %mul3A_631 = arith.mulf %get3A_432, %get3A_630 : vector<16xf32>
          %add3A_632 = arith.addf %mul3A_626, %mul3A_631 : vector<16xf32>
          %get3A_633 = arith.index_cast %add3A_621 : i32 to index
          %get3A_634 = arith.constant 32 : index
          %get3A_635 = tpu.vector_load %arg14[%get3A_633, %get3A_634] {strides = array<i32>} : memref<416x64xf32, #tpu.memory_space<vmem>>, vector<1x16xf32>,
          %get3A_636 = vector.shape_cast %get3A_635 : vector<1x16xf32> to vector<16xf32>
          %mul3A_637 = arith.mulf %get3A_436, %get3A_636 : vector<16xf32>
          %add3A_638 = arith.addf %add3A_632, %mul3A_637 : vector<16xf32>
          %get3A_639 = arith.index_cast %add3A_621 : i32 to index
          %get3A_640 = arith.constant 48 : index
          %get3A_641 = tpu.vector_load %arg14[%get3A_639, %get3A_640] {strides = array<i32>} : memref<416x64xf32, #tpu.memory_space<vmem>>, vector<1x16xf32>,
          %get3A_642 = vector.shape_cast %get3A_641 : vector<1x16xf32> to vector<16xf32>
          %mul3A_643 = arith.mulf %get3A_440, %get3A_642 : vector<16xf32>
          %add3A_644 = arith.addf %add3A_638, %mul3A_643 : vector<16xf32>
          %add3A_645 = arith.constant 2 : i32
          %add3A_646 = arith.addi %add3A_544, %add3A_645 : i32
          %get3A_647 = arith.index_cast %add3A_646 : i32 to index
          %get3A_648 = arith.constant 0 : index
          %get3A_649 = tpu.vector_load %arg14[%get3A_647, %get3A_648] {strides = array<i32>} : memref<416x64xf32, #tpu.memory_space<vmem>>, vector<1x16xf32>,
          %get3A_650 = vector.shape_cast %get3A_649 : vector<1x16xf32> to vector<16xf32>
          %mul3A_651 = arith.mulf %get3A_428, %get3A_650 : vector<16xf32>
          %get3A_652 = arith.index_cast %add3A_646 : i32 to index
          %get3A_653 = arith.constant 16 : index
          %get3A_654 = tpu.vector_load %arg14[%get3A_652, %get3A_653] {strides = array<i32>} : memref<416x64xf32, #tpu.memory_space<vmem>>, vector<1x16xf32>,
          %get3A_655 = vector.shape_cast %get3A_654 : vector<1x16xf32> to vector<16xf32>
          %mul3A_656 = arith.mulf %get3A_432, %get3A_655 : vector<16xf32>
          %add3A_657 = arith.addf %mul3A_651, %mul3A_656 : vector<16xf32>
          %get3A_658 = arith.index_cast %add3A_646 : i32 to index
          %get3A_659 = arith.constant 32 : index
          %get3A_660 = tpu.vector_load %arg14[%get3A_658, %get3A_659] {strides = array<i32>} : memref<416x64xf32, #tpu.memory_space<vmem>>, vector<1x16xf32>,
          %get3A_661 = vector.shape_cast %get3A_660 : vector<1x16xf32> to vector<16xf32>
          %mul3A_662 = arith.mulf %get3A_436, %get3A_661 : vector<16xf32>
          %add3A_663 = arith.addf %add3A_657, %mul3A_662 : vector<16xf32>
          %get3A_664 = arith.index_cast %add3A_646 : i32 to index
          %get3A_665 = arith.constant 48 : index
          %get3A_666 = tpu.vector_load %arg14[%get3A_664, %get3A_665] {strides = array<i32>} : memref<416x64xf32, #tpu.memory_space<vmem>>, vector<1x16xf32>,
          %get3A_667 = vector.shape_cast %get3A_666 : vector<1x16xf32> to vector<16xf32>
          %mul3A_668 = arith.mulf %get3A_440, %get3A_667 : vector<16xf32>
          %add3A_669 = arith.addf %add3A_663, %mul3A_668 : vector<16xf32>
          %add3A_670 = arith.constant 10 : i32
          %add3A_671 = arith.addi %add3A_544, %add3A_670 : i32
          %get3A_672 = arith.index_cast %add3A_671 : i32 to index
          %get3A_673 = arith.constant 0 : index
          %get3A_674 = tpu.vector_load %arg14[%get3A_672, %get3A_673] {strides = array<i32>} : memref<416x64xf32, #tpu.memory_space<vmem>>, vector<1x16xf32>,
          %get3A_675 = vector.shape_cast %get3A_674 : vector<1x16xf32> to vector<16xf32>
          %mul3A_676 = arith.mulf %get3A_428, %get3A_675 : vector<16xf32>
          %get3A_677 = arith.index_cast %add3A_671 : i32 to index
          %get3A_678 = arith.constant 16 : index
          %get3A_679 = tpu.vector_load %arg14[%get3A_677, %get3A_678] {strides = array<i32>} : memref<416x64xf32, #tpu.memory_space<vmem>>, vector<1x16xf32>,
          %get3A_680 = vector.shape_cast %get3A_679 : vector<1x16xf32> to vector<16xf32>
          %mul3A_681 = arith.mulf %get3A_432, %get3A_680 : vector<16xf32>
          %add3A_682 = arith.addf %mul3A_676, %mul3A_681 : vector<16xf32>
          %get3A_683 = arith.index_cast %add3A_671 : i32 to index
          %get3A_684 = arith.constant 32 : index
          %get3A_685 = tpu.vector_load %arg14[%get3A_683, %get3A_684] {strides = array<i32>} : memref<416x64xf32, #tpu.memory_space<vmem>>, vector<1x16xf32>,
          %get3A_686 = vector.shape_cast %get3A_685 : vector<1x16xf32> to vector<16xf32>
          %mul3A_687 = arith.mulf %get3A_436, %get3A_686 : vector<16xf32>
          %add3A_688 = arith.addf %add3A_682, %mul3A_687 : vector<16xf32>
          %get3A_689 = arith.index_cast %add3A_671 : i32 to index
          %get3A_690 = arith.constant 48 : index
          %get3A_691 = tpu.vector_load %arg14[%get3A_689, %get3A_690] {strides = array<i32>} : memref<416x64xf32, #tpu.memory_space<vmem>>, vector<1x16xf32>,
          %get3A_692 = vector.shape_cast %get3A_691 : vector<1x16xf32> to vector<16xf32>
          %mul3A_693 = arith.mulf %get3A_440, %get3A_692 : vector<16xf32>
          %add3A_694 = arith.addf %add3A_688, %mul3A_693 : vector<16xf32>
          %add3A_695 = arith.constant 6 : i32
          %add3A_696 = arith.addi %add3A_544, %add3A_695 : i32
          %get3A_697 = arith.index_cast %add3A_696 : i32 to index
          %get3A_698 = arith.constant 0 : index
          %get3A_699 = tpu.vector_load %arg14[%get3A_697, %get3A_698] {strides = array<i32>} : memref<416x64xf32, #tpu.memory_space<vmem>>, vector<1x16xf32>,
          %get3A_700 = vector.shape_cast %get3A_699 : vector<1x16xf32> to vector<16xf32>
          %mul3A_701 = arith.mulf %get3A_428, %get3A_700 : vector<16xf32>
          %get3A_702 = arith.index_cast %add3A_696 : i32 to index
          %get3A_703 = arith.constant 16 : index
          %get3A_704 = tpu.vector_load %arg14[%get3A_702, %get3A_703] {strides = array<i32>} : memref<416x64xf32, #tpu.memory_space<vmem>>, vector<1x16xf32>,
          %get3A_705 = vector.shape_cast %get3A_704 : vector<1x16xf32> to vector<16xf32>
          %mul3A_706 = arith.mulf %get3A_432, %get3A_705 : vector<16xf32>
          %add3A_707 = arith.addf %mul3A_701, %mul3A_706 : vector<16xf32>
          %get3A_708 = arith.index_cast %add3A_696 : i32 to index
          %get3A_709 = arith.constant 32 : index
          %get3A_710 = tpu.vector_load %arg14[%get3A_708, %get3A_709] {strides = array<i32>} : memref<416x64xf32, #tpu.memory_space<vmem>>, vector<1x16xf32>,
          %get3A_711 = vector.shape_cast %get3A_710 : vector<1x16xf32> to vector<16xf32>
          %mul3A_712 = arith.mulf %get3A_436, %get3A_711 : vector<16xf32>
          %add3A_713 = arith.addf %add3A_707, %mul3A_712 : vector<16xf32>
          %get3A_714 = arith.index_cast %add3A_696 : i32 to index
          %get3A_715 = arith.constant 48 : index
          %get3A_716 = tpu.vector_load %arg14[%get3A_714, %get3A_715] {strides = array<i32>} : memref<416x64xf32, #tpu.memory_space<vmem>>, vector<1x16xf32>,
          %get3A_717 = vector.shape_cast %get3A_716 : vector<1x16xf32> to vector<16xf32>
          %mul3A_718 = arith.mulf %get3A_440, %get3A_717 : vector<16xf32>
          %add3A_719 = arith.addf %add3A_713, %mul3A_718 : vector<16xf32>
          %add3A_720 = arith.constant 14 : i32
          %add3A_721 = arith.addi %add3A_544, %add3A_720 : i32
          %get3A_722 = arith.index_cast %add3A_721 : i32 to index
          %get3A_723 = arith.constant 0 : index
          %get3A_724 = tpu.vector_load %arg14[%get3A_722, %get3A_723] {strides = array<i32>} : memref<416x64xf32, #tpu.memory_space<vmem>>, vector<1x16xf32>,
          %get3A_725 = vector.shape_cast %get3A_724 : vector<1x16xf32> to vector<16xf32>
          %mul3A_726 = arith.mulf %get3A_428, %get3A_725 : vector<16xf32>
          %get3A_727 = arith.index_cast %add3A_721 : i32 to index
          %get3A_728 = arith.constant 16 : index
          %get3A_729 = tpu.vector_load %arg14[%get3A_727, %get3A_728] {strides = array<i32>} : memref<416x64xf32, #tpu.memory_space<vmem>>, vector<1x16xf32>,
          %get3A_730 = vector.shape_cast %get3A_729 : vector<1x16xf32> to vector<16xf32>
          %mul3A_731 = arith.mulf %get3A_432, %get3A_730 : vector<16xf32>
          %add3A_732 = arith.addf %mul3A_726, %mul3A_731 : vector<16xf32>
          %get3A_733 = arith.index_cast %add3A_721 : i32 to index
          %get3A_734 = arith.constant 32 : index
          %get3A_735 = tpu.vector_load %arg14[%get3A_733, %get3A_734] {strides = array<i32>} : memref<416x64xf32, #tpu.memory_space<vmem>>, vector<1x16xf32>,
          %get3A_736 = vector.shape_cast %get3A_735 : vector<1x16xf32> to vector<16xf32>
          %mul3A_737 = arith.mulf %get3A_436, %get3A_736 : vector<16xf32>
          %add3A_738 = arith.addf %add3A_732, %mul3A_737 : vector<16xf32>
          %get3A_739 = arith.index_cast %add3A_721 : i32 to index
          %get3A_740 = arith.constant 48 : index
          %get3A_741 = tpu.vector_load %arg14[%get3A_739, %get3A_740] {strides = array<i32>} : memref<416x64xf32, #tpu.memory_space<vmem>>, vector<1x16xf32>,
          %get3A_742 = vector.shape_cast %get3A_741 : vector<1x16xf32> to vector<16xf32>
          %mul3A_743 = arith.mulf %get3A_440, %get3A_742 : vector<16xf32>
          %add3A_744 = arith.addf %add3A_738, %mul3A_743 : vector<16xf32>
          %add3A_745 = arith.constant 1 : i32
          %add3A_746 = arith.addi %add3A_544, %add3A_745 : i32
          %get3A_747 = arith.index_cast %add3A_746 : i32 to index
          %get3A_748 = arith.constant 0 : index
          %get3A_749 = tpu.vector_load %arg14[%get3A_747, %get3A_748] {strides = array<i32>} : memref<416x64xf32, #tpu.memory_space<vmem>>, vector<1x16xf32>,
          %get3A_750 = vector.shape_cast %get3A_749 : vector<1x16xf32> to vector<16xf32>
          %mul3A_751 = arith.mulf %get3A_428, %get3A_750 : vector<16xf32>
          %get3A_752 = arith.index_cast %add3A_746 : i32 to index
          %get3A_753 = arith.constant 16 : index
          %get3A_754 = tpu.vector_load %arg14[%get3A_752, %get3A_753] {strides = array<i32>} : memref<416x64xf32, #tpu.memory_space<vmem>>, vector<1x16xf32>,
          %get3A_755 = vector.shape_cast %get3A_754 : vector<1x16xf32> to vector<16xf32>
          %mul3A_756 = arith.mulf %get3A_432, %get3A_755 : vector<16xf32>
          %add3A_757 = arith.addf %mul3A_751, %mul3A_756 : vector<16xf32>
          %get3A_758 = arith.index_cast %add3A_746 : i32 to index
          %get3A_759 = arith.constant 32 : index
          %get3A_760 = tpu.vector_load %arg14[%get3A_758, %get3A_759] {strides = array<i32>} : memref<416x64xf32, #tpu.memory_space<vmem>>, vector<1x16xf32>,
          %get3A_761 = vector.shape_cast %get3A_760 : vector<1x16xf32> to vector<16xf32>
          %mul3A_762 = arith.mulf %get3A_436, %get3A_761 : vector<16xf32>
          %add3A_763 = arith.addf %add3A_757, %mul3A_762 : vector<16xf32>
          %get3A_764 = arith.index_cast %add3A_746 : i32 to index
          %get3A_765 = arith.constant 48 : index
          %get3A_766 = tpu.vector_load %arg14[%get3A_764, %get3A_765] {strides = array<i32>} : memref<416x64xf32, #tpu.memory_space<vmem>>, vector<1x16xf32>,
          %get3A_767 = vector.shape_cast %get3A_766 : vector<1x16xf32> to vector<16xf32>
          %mul3A_768 = arith.mulf %get3A_440, %get3A_767 : vector<16xf32>
          %add3A_769 = arith.addf %add3A_763, %mul3A_768 : vector<16xf32>
          %add3A_770 = arith.constant 9 : i32
          %add3A_771 = arith.addi %add3A_544, %add3A_770 : i32
          %get3A_772 = arith.index_cast %add3A_771 : i32 to index
          %get3A_773 = arith.constant 0 : index
          %get3A_774 = tpu.vector_load %arg14[%get3A_772, %get3A_773] {strides = array<i32>} : memref<416x64xf32, #tpu.memory_space<vmem>>, vector<1x16xf32>,
          %get3A_775 = vector.shape_cast %get3A_774 : vector<1x16xf32> to vector<16xf32>
          %mul3A_776 = arith.mulf %get3A_428, %get3A_775 : vector<16xf32>
          %get3A_777 = arith.index_cast %add3A_771 : i32 to index
          %get3A_778 = arith.constant 16 : index
          %get3A_779 = tpu.vector_load %arg14[%get3A_777, %get3A_778] {strides = array<i32>} : memref<416x64xf32, #tpu.memory_space<vmem>>, vector<1x16xf32>,
          %get3A_780 = vector.shape_cast %get3A_779 : vector<1x16xf32> to vector<16xf32>
          %mul3A_781 = arith.mulf %get3A_432, %get3A_780 : vector<16xf32>
          %add3A_782 = arith.addf %mul3A_776, %mul3A_781 : vector<16xf32>
          %get3A_783 = arith.index_cast %add3A_771 : i32 to index
          %get3A_784 = arith.constant 32 : index
          %get3A_785 = tpu.vector_load %arg14[%get3A_783, %get3A_784] {strides = array<i32>} : memref<416x64xf32, #tpu.memory_space<vmem>>, vector<1x16xf32>,
          %get3A_786 = vector.shape_cast %get3A_785 : vector<1x16xf32> to vector<16xf32>
          %mul3A_787 = arith.mulf %get3A_436, %get3A_786 : vector<16xf32>
          %add3A_788 = arith.addf %add3A_782, %mul3A_787 : vector<16xf32>
          %get3A_789 = arith.index_cast %add3A_771 : i32 to index
          %get3A_790 = arith.constant 48 : index
          %get3A_791 = tpu.vector_load %arg14[%get3A_789, %get3A_790] {strides = array<i32>} : memref<416x64xf32, #tpu.memory_space<vmem>>, vector<1x16xf32>,
          %get3A_792 = vector.shape_cast %get3A_791 : vector<1x16xf32> to vector<16xf32>
          %mul3A_793 = arith.mulf %get3A_440, %get3A_792 : vector<16xf32>
          %add3A_794 = arith.addf %add3A_788, %mul3A_793 : vector<16xf32>
          %add3A_795 = arith.constant 5 : i32
          %add3A_796 = arith.addi %add3A_544, %add3A_795 : i32
          %get3A_797 = arith.index_cast %add3A_796 : i32 to index
          %get3A_798 = arith.constant 0 : index
          %get3A_799 = tpu.vector_load %arg14[%get3A_797, %get3A_798] {strides = array<i32>} : memref<416x64xf32, #tpu.memory_space<vmem>>, vector<1x16xf32>,
          %get3A_800 = vector.shape_cast %get3A_799 : vector<1x16xf32> to vector<16xf32>
          %mul3A_801 = arith.mulf %get3A_428, %get3A_800 : vector<16xf32>
          %get3A_802 = arith.index_cast %add3A_796 : i32 to index
          %get3A_803 = arith.constant 16 : index
          %get3A_804 = tpu.vector_load %arg14[%get3A_802, %get3A_803] {strides = array<i32>} : memref<416x64xf32, #tpu.memory_space<vmem>>, vector<1x16xf32>,
          %get3A_805 = vector.shape_cast %get3A_804 : vector<1x16xf32> to vector<16xf32>
          %mul3A_806 = arith.mulf %get3A_432, %get3A_805 : vector<16xf32>
          %add3A_807 = arith.addf %mul3A_801, %mul3A_806 : vector<16xf32>
          %get3A_808 = arith.index_cast %add3A_796 : i32 to index
          %get3A_809 = arith.constant 32 : index
          %get3A_810 = tpu.vector_load %arg14[%get3A_808, %get3A_809] {strides = array<i32>} : memref<416x64xf32, #tpu.memory_space<vmem>>, vector<1x16xf32>,
          %get3A_811 = vector.shape_cast %get3A_810 : vector<1x16xf32> to vector<16xf32>
          %mul3A_812 = arith.mulf %get3A_436, %get3A_811 : vector<16xf32>
          %add3A_813 = arith.addf %add3A_807, %mul3A_812 : vector<16xf32>
          %get3A_814 = arith.index_cast %add3A_796 : i32 to index
          %get3A_815 = arith.constant 48 : index
          %get3A_816 = tpu.vector_load %arg14[%get3A_814, %get3A_815] {strides = array<i32>} : memref<416x64xf32, #tpu.memory_space<vmem>>, vector<1x16xf32>,
          %get3A_817 = vector.shape_cast %get3A_816 : vector<1x16xf32> to vector<16xf32>
          %mul3A_818 = arith.mulf %get3A_440, %get3A_817 : vector<16xf32>
          %add3A_819 = arith.addf %add3A_813, %mul3A_818 : vector<16xf32>
          %add3A_820 = arith.constant 13 : i32
          %add3A_821 = arith.addi %add3A_544, %add3A_820 : i32
          %get3A_822 = arith.index_cast %add3A_821 : i32 to index
          %get3A_823 = arith.constant 0 : index
          %get3A_824 = tpu.vector_load %arg14[%get3A_822, %get3A_823] {strides = array<i32>} : memref<416x64xf32, #tpu.memory_space<vmem>>, vector<1x16xf32>,
          %get3A_825 = vector.shape_cast %get3A_824 : vector<1x16xf32> to vector<16xf32>
          %mul3A_826 = arith.mulf %get3A_428, %get3A_825 : vector<16xf32>
          %get3A_827 = arith.index_cast %add3A_821 : i32 to index
          %get3A_828 = arith.constant 16 : index
          %get3A_829 = tpu.vector_load %arg14[%get3A_827, %get3A_828] {strides = array<i32>} : memref<416x64xf32, #tpu.memory_space<vmem>>, vector<1x16xf32>,
          %get3A_830 = vector.shape_cast %get3A_829 : vector<1x16xf32> to vector<16xf32>
          %mul3A_831 = arith.mulf %get3A_432, %get3A_830 : vector<16xf32>
          %add3A_832 = arith.addf %mul3A_826, %mul3A_831 : vector<16xf32>
          %get3A_833 = arith.index_cast %add3A_821 : i32 to index
          %get3A_834 = arith.constant 32 : index
          %get3A_835 = tpu.vector_load %arg14[%get3A_833, %get3A_834] {strides = array<i32>} : memref<416x64xf32, #tpu.memory_space<vmem>>, vector<1x16xf32>,
          %get3A_836 = vector.shape_cast %get3A_835 : vector<1x16xf32> to vector<16xf32>
          %mul3A_837 = arith.mulf %get3A_436, %get3A_836 : vector<16xf32>
          %add3A_838 = arith.addf %add3A_832, %mul3A_837 : vector<16xf32>
          %get3A_839 = arith.index_cast %add3A_821 : i32 to index
          %get3A_840 = arith.constant 48 : index
          %get3A_841 = tpu.vector_load %arg14[%get3A_839, %get3A_840] {strides = array<i32>} : memref<416x64xf32, #tpu.memory_space<vmem>>, vector<1x16xf32>,
          %get3A_842 = vector.shape_cast %get3A_841 : vector<1x16xf32> to vector<16xf32>
          %mul3A_843 = arith.mulf %get3A_440, %get3A_842 : vector<16xf32>
          %add3A_844 = arith.addf %add3A_838, %mul3A_843 : vector<16xf32>
          %add3A_845 = arith.constant 3 : i32
          %add3A_846 = arith.addi %add3A_544, %add3A_845 : i32
          %get3A_847 = arith.index_cast %add3A_846 : i32 to index
          %get3A_848 = arith.constant 0 : index
          %get3A_849 = tpu.vector_load %arg14[%get3A_847, %get3A_848] {strides = array<i32>} : memref<416x64xf32, #tpu.memory_space<vmem>>, vector<1x16xf32>,
          %get3A_850 = vector.shape_cast %get3A_849 : vector<1x16xf32> to vector<16xf32>
          %mul3A_851 = arith.mulf %get3A_428, %get3A_850 : vector<16xf32>
          %get3A_852 = arith.index_cast %add3A_846 : i32 to index
          %get3A_853 = arith.constant 16 : index
          %get3A_854 = tpu.vector_load %arg14[%get3A_852, %get3A_853] {strides = array<i32>} : memref<416x64xf32, #tpu.memory_space<vmem>>, vector<1x16xf32>,
          %get3A_855 = vector.shape_cast %get3A_854 : vector<1x16xf32> to vector<16xf32>
          %mul3A_856 = arith.mulf %get3A_432, %get3A_855 : vector<16xf32>
          %add3A_857 = arith.addf %mul3A_851, %mul3A_856 : vector<16xf32>
          %get3A_858 = arith.index_cast %add3A_846 : i32 to index
          %get3A_859 = arith.constant 32 : index
          %get3A_860 = tpu.vector_load %arg14[%get3A_858, %get3A_859] {strides = array<i32>} : memref<416x64xf32, #tpu.memory_space<vmem>>, vector<1x16xf32>,
          %get3A_861 = vector.shape_cast %get3A_860 : vector<1x16xf32> to vector<16xf32>
          %mul3A_862 = arith.mulf %get3A_436, %get3A_861 : vector<16xf32>
          %add3A_863 = arith.addf %add3A_857, %mul3A_862 : vector<16xf32>
          %get3A_864 = arith.index_cast %add3A_846 : i32 to index
          %get3A_865 = arith.constant 48 : index
          %get3A_866 = tpu.vector_load %arg14[%get3A_864, %get3A_865] {strides = array<i32>} : memref<416x64xf32, #tpu.memory_space<vmem>>, vector<1x16xf32>,
          %get3A_867 = vector.shape_cast %get3A_866 : vector<1x16xf32> to vector<16xf32>
          %mul3A_868 = arith.mulf %get3A_440, %get3A_867 : vector<16xf32>
          %add3A_869 = arith.addf %add3A_863, %mul3A_868 : vector<16xf32>
          %add3A_870 = arith.constant 11 : i32
          %add3A_871 = arith.addi %add3A_544, %add3A_870 : i32
          %get3A_872 = arith.index_cast %add3A_871 : i32 to index
          %get3A_873 = arith.constant 0 : index
          %get3A_874 = tpu.vector_load %arg14[%get3A_872, %get3A_873] {strides = array<i32>} : memref<416x64xf32, #tpu.memory_space<vmem>>, vector<1x16xf32>,
          %get3A_875 = vector.shape_cast %get3A_874 : vector<1x16xf32> to vector<16xf32>
          %mul3A_876 = arith.mulf %get3A_428, %get3A_875 : vector<16xf32>
          %get3A_877 = arith.index_cast %add3A_871 : i32 to index
          %get3A_878 = arith.constant 16 : index
          %get3A_879 = tpu.vector_load %arg14[%get3A_877, %get3A_878] {strides = array<i32>} : memref<416x64xf32, #tpu.memory_space<vmem>>, vector<1x16xf32>,
          %get3A_880 = vector.shape_cast %get3A_879 : vector<1x16xf32> to vector<16xf32>
          %mul3A_881 = arith.mulf %get3A_432, %get3A_880 : vector<16xf32>
          %add3A_882 = arith.addf %mul3A_876, %mul3A_881 : vector<16xf32>
          %get3A_883 = arith.index_cast %add3A_871 : i32 to index
          %get3A_884 = arith.constant 32 : index
          %get3A_885 = tpu.vector_load %arg14[%get3A_883, %get3A_884] {strides = array<i32>} : memref<416x64xf32, #tpu.memory_space<vmem>>, vector<1x16xf32>,
          %get3A_886 = vector.shape_cast %get3A_885 : vector<1x16xf32> to vector<16xf32>
          %mul3A_887 = arith.mulf %get3A_436, %get3A_886 : vector<16xf32>
          %add3A_888 = arith.addf %add3A_882, %mul3A_887 : vector<16xf32>
          %get3A_889 = arith.index_cast %add3A_871 : i32 to index
          %get3A_890 = arith.constant 48 : index
          %get3A_891 = tpu.vector_load %arg14[%get3A_889, %get3A_890] {strides = array<i32>} : memref<416x64xf32, #tpu.memory_space<vmem>>, vector<1x16xf32>,
          %get3A_892 = vector.shape_cast %get3A_891 : vector<1x16xf32> to vector<16xf32>
          %mul3A_893 = arith.mulf %get3A_440, %get3A_892 : vector<16xf32>
          %add3A_894 = arith.addf %add3A_888, %mul3A_893 : vector<16xf32>
          %add3A_895 = arith.constant 7 : i32
          %add3A_896 = arith.addi %add3A_544, %add3A_895 : i32
          %get3A_897 = arith.index_cast %add3A_896 : i32 to index
          %get3A_898 = arith.constant 0 : index
          %get3A_899 = tpu.vector_load %arg14[%get3A_897, %get3A_898] {strides = array<i32>} : memref<416x64xf32, #tpu.memory_space<vmem>>, vector<1x16xf32>,
          %get3A_900 = vector.shape_cast %get3A_899 : vector<1x16xf32> to vector<16xf32>
          %mul3A_901 = arith.mulf %get3A_428, %get3A_900 : vector<16xf32>
          %get3A_902 = arith.index_cast %add3A_896 : i32 to index
          %get3A_903 = arith.constant 16 : index
          %get3A_904 = tpu.vector_load %arg14[%get3A_902, %get3A_903] {strides = array<i32>} : memref<416x64xf32, #tpu.memory_space<vmem>>, vector<1x16xf32>,
          %get3A_905 = vector.shape_cast %get3A_904 : vector<1x16xf32> to vector<16xf32>
          %mul3A_906 = arith.mulf %get3A_432, %get3A_905 : vector<16xf32>
          %add3A_907 = arith.addf %mul3A_901, %mul3A_906 : vector<16xf32>
          %get3A_908 = arith.index_cast %add3A_896 : i32 to index
          %get3A_909 = arith.constant 32 : index
          %get3A_910 = tpu.vector_load %arg14[%get3A_908, %get3A_909] {strides = array<i32>} : memref<416x64xf32, #tpu.memory_space<vmem>>, vector<1x16xf32>,
          %get3A_911 = vector.shape_cast %get3A_910 : vector<1x16xf32> to vector<16xf32>
          %mul3A_912 = arith.mulf %get3A_436, %get3A_911 : vector<16xf32>
          %add3A_913 = arith.addf %add3A_907, %mul3A_912 : vector<16xf32>
          %get3A_914 = arith.index_cast %add3A_896 : i32 to index
          %get3A_915 = arith.constant 48 : index
          %get3A_916 = tpu.vector_load %arg14[%get3A_914, %get3A_915] {strides = array<i32>} : memref<416x64xf32, #tpu.memory_space<vmem>>, vector<1x16xf32>,
          %get3A_917 = vector.shape_cast %get3A_916 : vector<1x16xf32> to vector<16xf32>
          %mul3A_918 = arith.mulf %get3A_440, %get3A_917 : vector<16xf32>
          %add3A_919 = arith.addf %add3A_913, %mul3A_918 : vector<16xf32>
          %add3A_920 = arith.constant 15 : i32
          %add3A_921 = arith.addi %add3A_544, %add3A_920 : i32
          %get3A_922 = arith.index_cast %add3A_921 : i32 to index
          %get3A_923 = arith.constant 0 : index
          %get3A_924 = tpu.vector_load %arg14[%get3A_922, %get3A_923] {strides = array<i32>} : memref<416x64xf32, #tpu.memory_space<vmem>>, vector<1x16xf32>,
          %get3A_925 = vector.shape_cast %get3A_924 : vector<1x16xf32> to vector<16xf32>
          %mul3A_926 = arith.mulf %get3A_428, %get3A_925 : vector<16xf32>
          %get3A_927 = arith.index_cast %add3A_921 : i32 to index
          %get3A_928 = arith.constant 16 : index
          %get3A_929 = tpu.vector_load %arg14[%get3A_927, %get3A_928] {strides = array<i32>} : memref<416x64xf32, #tpu.memory_space<vmem>>, vector<1x16xf32>,
          %get3A_930 = vector.shape_cast %get3A_929 : vector<1x16xf32> to vector<16xf32>
          %mul3A_931 = arith.mulf %get3A_432, %get3A_930 : vector<16xf32>
          %add3A_932 = arith.addf %mul3A_926, %mul3A_931 : vector<16xf32>
          %get3A_933 = arith.index_cast %add3A_921 : i32 to index
          %get3A_934 = arith.constant 32 : index
          %get3A_935 = tpu.vector_load %arg14[%get3A_933, %get3A_934] {strides = array<i32>} : memref<416x64xf32, #tpu.memory_space<vmem>>, vector<1x16xf32>,
          %get3A_936 = vector.shape_cast %get3A_935 : vector<1x16xf32> to vector<16xf32>
          %mul3A_937 = arith.mulf %get3A_436, %get3A_936 : vector<16xf32>
          %add3A_938 = arith.addf %add3A_932, %mul3A_937 : vector<16xf32>
          %get3A_939 = arith.index_cast %add3A_921 : i32 to index
          %get3A_940 = arith.constant 48 : index
          %get3A_941 = tpu.vector_load %arg14[%get3A_939, %get3A_940] {strides = array<i32>} : memref<416x64xf32, #tpu.memory_space<vmem>>, vector<1x16xf32>,
          %get3A_942 = vector.shape_cast %get3A_941 : vector<1x16xf32> to vector<16xf32>
          %mul3A_943 = arith.mulf %get3A_440, %get3A_942 : vector<16xf32>
          %add3A_944 = arith.addf %add3A_938, %mul3A_943 : vector<16xf32>
          %iota3A_945 = tpu.iota {dimensions = array<i32: 0>} : vector<16xi32>
          %and3A = arith.constant 8 : i32
          %and3A_946 = vector.broadcast %and3A : i32 to vector<16xi32>
          %and3A_947 = arith.andi %iota3A_945, %and3A_946 : vector<16xi32>
          %eq3A_948 = arith.constant 0 : i32
          %eq3A_949 = vector.broadcast %eq3A_948 : i32 to vector<16xi32>
          %eq3A_950 = arith.cmpi eq, %and3A_947, %eq3A_949 : vector<16xi32>
          %iota3A_951 = tpu.iota {dimensions = array<i32: 0>} : vector<16xi32>
          %xor3A_952 = arith.constant 8 : i32
          %xor3A_953 = vector.broadcast %xor3A_952 : i32 to vector<16xi32>
          %xor3A_954 = arith.xori %iota3A_951, %xor3A_953 : vector<16xi32>
          %broadcast_in_dim3A_955 = vector.shape_cast %xor3A_954 : vector<16xi32> to vector<16x1xi32>
          %gather3A_956 = vector.shape_cast %broadcast_in_dim3A_955 : vector<16x1xi32> to vector<16xi32>
          %gather3A_957 = tpu.dynamic_gather %add3A_594[%gather3A_956] in [0] : vector<16xf32>, vector<16xi32> -> vector<16xf32>
          %select_n3A_958 = arith.select %eq3A_950, %add3A_569, %gather3A_957 : vector<16xi1>, vector<16xf32>
          %iota3A_959 = tpu.iota {dimensions = array<i32: 0>} : vector<16xi32>
          %xor3A_960 = arith.constant 8 : i32
          %xor3A_961 = vector.broadcast %xor3A_960 : i32 to vector<16xi32>
          %xor3A_962 = arith.xori %iota3A_959, %xor3A_961 : vector<16xi32>
          %broadcast_in_dim3A_963 = vector.shape_cast %xor3A_962 : vector<16xi32> to vector<16x1xi32>
          %gather3A_964 = vector.shape_cast %broadcast_in_dim3A_963 : vector<16x1xi32> to vector<16xi32>
          %gather3A_965 = tpu.dynamic_gather %add3A_569[%gather3A_964] in [0] : vector<16xf32>, vector<16xi32> -> vector<16xf32>
          %select_n3A_966 = arith.select %eq3A_950, %gather3A_965, %add3A_594 : vector<16xi1>, vector<16xf32>
          %add3A_967 = arith.addf %select_n3A_958, %select_n3A_966 : vector<16xf32>
          %iota3A_968 = tpu.iota {dimensions = array<i32: 0>} : vector<16xi32>
          %xor3A_969 = arith.constant 8 : i32
          %xor3A_970 = vector.broadcast %xor3A_969 : i32 to vector<16xi32>
          %xor3A_971 = arith.xori %iota3A_968, %xor3A_970 : vector<16xi32>
          %broadcast_in_dim3A_972 = vector.shape_cast %xor3A_971 : vector<16xi32> to vector<16x1xi32>
          %gather3A_973 = vector.shape_cast %broadcast_in_dim3A_972 : vector<16x1xi32> to vector<16xi32>
          %gather3A_974 = tpu.dynamic_gather %add3A_644[%gather3A_973] in [0] : vector<16xf32>, vector<16xi32> -> vector<16xf32>
          %select_n3A_975 = arith.select %eq3A_950, %add3A_619, %gather3A_974 : vector<16xi1>, vector<16xf32>
          %iota3A_976 = tpu.iota {dimensions = array<i32: 0>} : vector<16xi32>
          %xor3A_977 = arith.constant 8 : i32
          %xor3A_978 = vector.broadcast %xor3A_977 : i32 to vector<16xi32>
          %xor3A_979 = arith.xori %iota3A_976, %xor3A_978 : vector<16xi32>
          %broadcast_in_dim3A_980 = vector.shape_cast %xor3A_979 : vector<16xi32> to vector<16x1xi32>
          %gather3A_981 = vector.shape_cast %broadcast_in_dim3A_980 : vector<16x1xi32> to vector<16xi32>
          %gather3A_982 = tpu.dynamic_gather %add3A_619[%gather3A_981] in [0] : vector<16xf32>, vector<16xi32> -> vector<16xf32>
          %select_n3A_983 = arith.select %eq3A_950, %gather3A_982, %add3A_644 : vector<16xi1>, vector<16xf32>
          %add3A_984 = arith.addf %select_n3A_975, %select_n3A_983 : vector<16xf32>
          %iota3A_985 = tpu.iota {dimensions = array<i32: 0>} : vector<16xi32>
          %xor3A_986 = arith.constant 8 : i32
          %xor3A_987 = vector.broadcast %xor3A_986 : i32 to vector<16xi32>
          %xor3A_988 = arith.xori %iota3A_985, %xor3A_987 : vector<16xi32>
          %broadcast_in_dim3A_989 = vector.shape_cast %xor3A_988 : vector<16xi32> to vector<16x1xi32>
          %gather3A_990 = vector.shape_cast %broadcast_in_dim3A_989 : vector<16x1xi32> to vector<16xi32>
          %gather3A_991 = tpu.dynamic_gather %add3A_694[%gather3A_990] in [0] : vector<16xf32>, vector<16xi32> -> vector<16xf32>
          %select_n3A_992 = arith.select %eq3A_950, %add3A_669, %gather3A_991 : vector<16xi1>, vector<16xf32>
          %iota3A_993 = tpu.iota {dimensions = array<i32: 0>} : vector<16xi32>
          %xor3A_994 = arith.constant 8 : i32
          %xor3A_995 = vector.broadcast %xor3A_994 : i32 to vector<16xi32>
          %xor3A_996 = arith.xori %iota3A_993, %xor3A_995 : vector<16xi32>
          %broadcast_in_dim3A_997 = vector.shape_cast %xor3A_996 : vector<16xi32> to vector<16x1xi32>
          %gather3A_998 = vector.shape_cast %broadcast_in_dim3A_997 : vector<16x1xi32> to vector<16xi32>
          %gather3A_999 = tpu.dynamic_gather %add3A_669[%gather3A_998] in [0] : vector<16xf32>, vector<16xi32> -> vector<16xf32>
          %select_n3A_1000 = arith.select %eq3A_950, %gather3A_999, %add3A_694 : vector<16xi1>, vector<16xf32>
          %add3A_1001 = arith.addf %select_n3A_992, %select_n3A_1000 : vector<16xf32>
          %iota3A_1002 = tpu.iota {dimensions = array<i32: 0>} : vector<16xi32>
          %xor3A_1003 = arith.constant 8 : i32
          %xor3A_1004 = vector.broadcast %xor3A_1003 : i32 to vector<16xi32>
          %xor3A_1005 = arith.xori %iota3A_1002, %xor3A_1004 : vector<16xi32>
          %broadcast_in_dim3A_1006 = vector.shape_cast %xor3A_1005 : vector<16xi32> to vector<16x1xi32>
          %gather3A_1007 = vector.shape_cast %broadcast_in_dim3A_1006 : vector<16x1xi32> to vector<16xi32>
          %gather3A_1008 = tpu.dynamic_gather %add3A_744[%gather3A_1007] in [0] : vector<16xf32>, vector<16xi32> -> vector<16xf32>
          %select_n3A_1009 = arith.select %eq3A_950, %add3A_719, %gather3A_1008 : vector<16xi1>, vector<16xf32>
          %iota3A_1010 = tpu.iota {dimensions = array<i32: 0>} : vector<16xi32>
          %xor3A_1011 = arith.constant 8 : i32
          %xor3A_1012 = vector.broadcast %xor3A_1011 : i32 to vector<16xi32>
          %xor3A_1013 = arith.xori %iota3A_1010, %xor3A_1012 : vector<16xi32>
          %broadcast_in_dim3A_1014 = vector.shape_cast %xor3A_1013 : vector<16xi32> to vector<16x1xi32>
          %gather3A_1015 = vector.shape_cast %broadcast_in_dim3A_1014 : vector<16x1xi32> to vector<16xi32>
          %gather3A_1016 = tpu.dynamic_gather %add3A_719[%gather3A_1015] in [0] : vector<16xf32>, vector<16xi32> -> vector<16xf32>
          %select_n3A_1017 = arith.select %eq3A_950, %gather3A_1016, %add3A_744 : vector<16xi1>, vector<16xf32>
          %add3A_1018 = arith.addf %select_n3A_1009, %select_n3A_1017 : vector<16xf32>
          %iota3A_1019 = tpu.iota {dimensions = array<i32: 0>} : vector<16xi32>
          %xor3A_1020 = arith.constant 8 : i32
          %xor3A_1021 = vector.broadcast %xor3A_1020 : i32 to vector<16xi32>
          %xor3A_1022 = arith.xori %iota3A_1019, %xor3A_1021 : vector<16xi32>
          %broadcast_in_dim3A_1023 = vector.shape_cast %xor3A_1022 : vector<16xi32> to vector<16x1xi32>
          %gather3A_1024 = vector.shape_cast %broadcast_in_dim3A_1023 : vector<16x1xi32> to vector<16xi32>
          %gather3A_1025 = tpu.dynamic_gather %add3A_794[%gather3A_1024] in [0] : vector<16xf32>, vector<16xi32> -> vector<16xf32>
          %select_n3A_1026 = arith.select %eq3A_950, %add3A_769, %gather3A_1025 : vector<16xi1>, vector<16xf32>
          %iota3A_1027 = tpu.iota {dimensions = array<i32: 0>} : vector<16xi32>
          %xor3A_1028 = arith.constant 8 : i32
          %xor3A_1029 = vector.broadcast %xor3A_1028 : i32 to vector<16xi32>
          %xor3A_1030 = arith.xori %iota3A_1027, %xor3A_1029 : vector<16xi32>
          %broadcast_in_dim3A_1031 = vector.shape_cast %xor3A_1030 : vector<16xi32> to vector<16x1xi32>
          %gather3A_1032 = vector.shape_cast %broadcast_in_dim3A_1031 : vector<16x1xi32> to vector<16xi32>
          %gather3A_1033 = tpu.dynamic_gather %add3A_769[%gather3A_1032] in [0] : vector<16xf32>, vector<16xi32> -> vector<16xf32>
          %select_n3A_1034 = arith.select %eq3A_950, %gather3A_1033, %add3A_794 : vector<16xi1>, vector<16xf32>
          %add3A_1035 = arith.addf %select_n3A_1026, %select_n3A_1034 : vector<16xf32>
          %iota3A_1036 = tpu.iota {dimensions = array<i32: 0>} : vector<16xi32>
          %xor3A_1037 = arith.constant 8 : i32
          %xor3A_1038 = vector.broadcast %xor3A_1037 : i32 to vector<16xi32>
          %xor3A_1039 = arith.xori %iota3A_1036, %xor3A_1038 : vector<16xi32>
          %broadcast_in_dim3A_1040 = vector.shape_cast %xor3A_1039 : vector<16xi32> to vector<16x1xi32>
          %gather3A_1041 = vector.shape_cast %broadcast_in_dim3A_1040 : vector<16x1xi32> to vector<16xi32>
          %gather3A_1042 = tpu.dynamic_gather %add3A_844[%gather3A_1041] in [0] : vector<16xf32>, vector<16xi32> -> vector<16xf32>
          %select_n3A_1043 = arith.select %eq3A_950, %add3A_819, %gather3A_1042 : vector<16xi1>, vector<16xf32>
          %iota3A_1044 = tpu.iota {dimensions = array<i32: 0>} : vector<16xi32>
          %xor3A_1045 = arith.constant 8 : i32
          %xor3A_1046 = vector.broadcast %xor3A_1045 : i32 to vector<16xi32>
          %xor3A_1047 = arith.xori %iota3A_1044, %xor3A_1046 : vector<16xi32>
          %broadcast_in_dim3A_1048 = vector.shape_cast %xor3A_1047 : vector<16xi32> to vector<16x1xi32>
          %gather3A_1049 = vector.shape_cast %broadcast_in_dim3A_1048 : vector<16x1xi32> to vector<16xi32>
          %gather3A_1050 = tpu.dynamic_gather %add3A_819[%gather3A_1049] in [0] : vector<16xf32>, vector<16xi32> -> vector<16xf32>
          %select_n3A_1051 = arith.select %eq3A_950, %gather3A_1050, %add3A_844 : vector<16xi1>, vector<16xf32>
          %add3A_1052 = arith.addf %select_n3A_1043, %select_n3A_1051 : vector<16xf32>
          %iota3A_1053 = tpu.iota {dimensions = array<i32: 0>} : vector<16xi32>
          %xor3A_1054 = arith.constant 8 : i32
          %xor3A_1055 = vector.broadcast %xor3A_1054 : i32 to vector<16xi32>
          %xor3A_1056 = arith.xori %iota3A_1053, %xor3A_1055 : vector<16xi32>
          %broadcast_in_dim3A_1057 = vector.shape_cast %xor3A_1056 : vector<16xi32> to vector<16x1xi32>
          %gather3A_1058 = vector.shape_cast %broadcast_in_dim3A_1057 : vector<16x1xi32> to vector<16xi32>
          %gather3A_1059 = tpu.dynamic_gather %add3A_894[%gather3A_1058] in [0] : vector<16xf32>, vector<16xi32> -> vector<16xf32>
          %select_n3A_1060 = arith.select %eq3A_950, %add3A_869, %gather3A_1059 : vector<16xi1>, vector<16xf32>
          %iota3A_1061 = tpu.iota {dimensions = array<i32: 0>} : vector<16xi32>
          %xor3A_1062 = arith.constant 8 : i32
          %xor3A_1063 = vector.broadcast %xor3A_1062 : i32 to vector<16xi32>
          %xor3A_1064 = arith.xori %iota3A_1061, %xor3A_1063 : vector<16xi32>
          %broadcast_in_dim3A_1065 = vector.shape_cast %xor3A_1064 : vector<16xi32> to vector<16x1xi32>
          %gather3A_1066 = vector.shape_cast %broadcast_in_dim3A_1065 : vector<16x1xi32> to vector<16xi32>
          %gather3A_1067 = tpu.dynamic_gather %add3A_869[%gather3A_1066] in [0] : vector<16xf32>, vector<16xi32> -> vector<16xf32>
          %select_n3A_1068 = arith.select %eq3A_950, %gather3A_1067, %add3A_894 : vector<16xi1>, vector<16xf32>
          %add3A_1069 = arith.addf %select_n3A_1060, %select_n3A_1068 : vector<16xf32>
          %iota3A_1070 = tpu.iota {dimensions = array<i32: 0>} : vector<16xi32>
          %xor3A_1071 = arith.constant 8 : i32
          %xor3A_1072 = vector.broadcast %xor3A_1071 : i32 to vector<16xi32>
          %xor3A_1073 = arith.xori %iota3A_1070, %xor3A_1072 : vector<16xi32>
          %broadcast_in_dim3A_1074 = vector.shape_cast %xor3A_1073 : vector<16xi32> to vector<16x1xi32>
          %gather3A_1075 = vector.shape_cast %broadcast_in_dim3A_1074 : vector<16x1xi32> to vector<16xi32>
          %gather3A_1076 = tpu.dynamic_gather %add3A_944[%gather3A_1075] in [0] : vector<16xf32>, vector<16xi32> -> vector<16xf32>
          %select_n3A_1077 = arith.select %eq3A_950, %add3A_919, %gather3A_1076 : vector<16xi1>, vector<16xf32>
          %iota3A_1078 = tpu.iota {dimensions = array<i32: 0>} : vector<16xi32>
          %xor3A_1079 = arith.constant 8 : i32
          %xor3A_1080 = vector.broadcast %xor3A_1079 : i32 to vector<16xi32>
          %xor3A_1081 = arith.xori %iota3A_1078, %xor3A_1080 : vector<16xi32>
          %broadcast_in_dim3A_1082 = vector.shape_cast %xor3A_1081 : vector<16xi32> to vector<16x1xi32>
          %gather3A_1083 = vector.shape_cast %broadcast_in_dim3A_1082 : vector<16x1xi32> to vector<16xi32>
          %gather3A_1084 = tpu.dynamic_gather %add3A_919[%gather3A_1083] in [0] : vector<16xf32>, vector<16xi32> -> vector<16xf32>
          %select_n3A_1085 = arith.select %eq3A_950, %gather3A_1084, %add3A_944 : vector<16xi1>, vector<16xf32>
          %add3A_1086 = arith.addf %select_n3A_1077, %select_n3A_1085 : vector<16xf32>
          %and3A_1087 = arith.constant 4 : i32
          %and3A_1088 = vector.broadcast %and3A_1087 : i32 to vector<16xi32>
          %and3A_1089 = arith.andi %iota3A_945, %and3A_1088 : vector<16xi32>
          %eq3A_1090 = arith.constant 0 : i32
          %eq3A_1091 = vector.broadcast %eq3A_1090 : i32 to vector<16xi32>
          %eq3A_1092 = arith.cmpi eq, %and3A_1089, %eq3A_1091 : vector<16xi32>
          %iota3A_1093 = tpu.iota {dimensions = array<i32: 0>} : vector<16xi32>
          %xor3A_1094 = arith.constant 4 : i32
          %xor3A_1095 = vector.broadcast %xor3A_1094 : i32 to vector<16xi32>
          %xor3A_1096 = arith.xori %iota3A_1093, %xor3A_1095 : vector<16xi32>
          %broadcast_in_dim3A_1097 = vector.shape_cast %xor3A_1096 : vector<16xi32> to vector<16x1xi32>
          %gather3A_1098 = vector.shape_cast %broadcast_in_dim3A_1097 : vector<16x1xi32> to vector<16xi32>
          %gather3A_1099 = tpu.dynamic_gather %add3A_984[%gather3A_1098] in [0] : vector<16xf32>, vector<16xi32> -> vector<16xf32>
          %select_n3A_1100 = arith.select %eq3A_1092, %add3A_967, %gather3A_1099 : vector<16xi1>, vector<16xf32>
          %iota3A_1101 = tpu.iota {dimensions = array<i32: 0>} : vector<16xi32>
          %xor3A_1102 = arith.constant 4 : i32
          %xor3A_1103 = vector.broadcast %xor3A_1102 : i32 to vector<16xi32>
          %xor3A_1104 = arith.xori %iota3A_1101, %xor3A_1103 : vector<16xi32>
          %broadcast_in_dim3A_1105 = vector.shape_cast %xor3A_1104 : vector<16xi32> to vector<16x1xi32>
          %gather3A_1106 = vector.shape_cast %broadcast_in_dim3A_1105 : vector<16x1xi32> to vector<16xi32>
          %gather3A_1107 = tpu.dynamic_gather %add3A_967[%gather3A_1106] in [0] : vector<16xf32>, vector<16xi32> -> vector<16xf32>
          %select_n3A_1108 = arith.select %eq3A_1092, %gather3A_1107, %add3A_984 : vector<16xi1>, vector<16xf32>
          %add3A_1109 = arith.addf %select_n3A_1100, %select_n3A_1108 : vector<16xf32>
          %iota3A_1110 = tpu.iota {dimensions = array<i32: 0>} : vector<16xi32>
          %xor3A_1111 = arith.constant 4 : i32
          %xor3A_1112 = vector.broadcast %xor3A_1111 : i32 to vector<16xi32>
          %xor3A_1113 = arith.xori %iota3A_1110, %xor3A_1112 : vector<16xi32>
          %broadcast_in_dim3A_1114 = vector.shape_cast %xor3A_1113 : vector<16xi32> to vector<16x1xi32>
          %gather3A_1115 = vector.shape_cast %broadcast_in_dim3A_1114 : vector<16x1xi32> to vector<16xi32>
          %gather3A_1116 = tpu.dynamic_gather %add3A_1018[%gather3A_1115] in [0] : vector<16xf32>, vector<16xi32> -> vector<16xf32>
          %select_n3A_1117 = arith.select %eq3A_1092, %add3A_1001, %gather3A_1116 : vector<16xi1>, vector<16xf32>
          %iota3A_1118 = tpu.iota {dimensions = array<i32: 0>} : vector<16xi32>
          %xor3A_1119 = arith.constant 4 : i32
          %xor3A_1120 = vector.broadcast %xor3A_1119 : i32 to vector<16xi32>
          %xor3A_1121 = arith.xori %iota3A_1118, %xor3A_1120 : vector<16xi32>
          %broadcast_in_dim3A_1122 = vector.shape_cast %xor3A_1121 : vector<16xi32> to vector<16x1xi32>
          %gather3A_1123 = vector.shape_cast %broadcast_in_dim3A_1122 : vector<16x1xi32> to vector<16xi32>
          %gather3A_1124 = tpu.dynamic_gather %add3A_1001[%gather3A_1123] in [0] : vector<16xf32>, vector<16xi32> -> vector<16xf32>
          %select_n3A_1125 = arith.select %eq3A_1092, %gather3A_1124, %add3A_1018 : vector<16xi1>, vector<16xf32>
          %add3A_1126 = arith.addf %select_n3A_1117, %select_n3A_1125 : vector<16xf32>
          %iota3A_1127 = tpu.iota {dimensions = array<i32: 0>} : vector<16xi32>
          %xor3A_1128 = arith.constant 4 : i32
          %xor3A_1129 = vector.broadcast %xor3A_1128 : i32 to vector<16xi32>
          %xor3A_1130 = arith.xori %iota3A_1127, %xor3A_1129 : vector<16xi32>
          %broadcast_in_dim3A_1131 = vector.shape_cast %xor3A_1130 : vector<16xi32> to vector<16x1xi32>
          %gather3A_1132 = vector.shape_cast %broadcast_in_dim3A_1131 : vector<16x1xi32> to vector<16xi32>
          %gather3A_1133 = tpu.dynamic_gather %add3A_1052[%gather3A_1132] in [0] : vector<16xf32>, vector<16xi32> -> vector<16xf32>
          %select_n3A_1134 = arith.select %eq3A_1092, %add3A_1035, %gather3A_1133 : vector<16xi1>, vector<16xf32>
          %iota3A_1135 = tpu.iota {dimensions = array<i32: 0>} : vector<16xi32>
          %xor3A_1136 = arith.constant 4 : i32
          %xor3A_1137 = vector.broadcast %xor3A_1136 : i32 to vector<16xi32>
          %xor3A_1138 = arith.xori %iota3A_1135, %xor3A_1137 : vector<16xi32>
          %broadcast_in_dim3A_1139 = vector.shape_cast %xor3A_1138 : vector<16xi32> to vector<16x1xi32>
          %gather3A_1140 = vector.shape_cast %broadcast_in_dim3A_1139 : vector<16x1xi32> to vector<16xi32>
          %gather3A_1141 = tpu.dynamic_gather %add3A_1035[%gather3A_1140] in [0] : vector<16xf32>, vector<16xi32> -> vector<16xf32>
          %select_n3A_1142 = arith.select %eq3A_1092, %gather3A_1141, %add3A_1052 : vector<16xi1>, vector<16xf32>
          %add3A_1143 = arith.addf %select_n3A_1134, %select_n3A_1142 : vector<16xf32>
          %iota3A_1144 = tpu.iota {dimensions = array<i32: 0>} : vector<16xi32>
          %xor3A_1145 = arith.constant 4 : i32
          %xor3A_1146 = vector.broadcast %xor3A_1145 : i32 to vector<16xi32>
          %xor3A_1147 = arith.xori %iota3A_1144, %xor3A_1146 : vector<16xi32>
          %broadcast_in_dim3A_1148 = vector.shape_cast %xor3A_1147 : vector<16xi32> to vector<16x1xi32>
          %gather3A_1149 = vector.shape_cast %broadcast_in_dim3A_1148 : vector<16x1xi32> to vector<16xi32>
          %gather3A_1150 = tpu.dynamic_gather %add3A_1086[%gather3A_1149] in [0] : vector<16xf32>, vector<16xi32> -> vector<16xf32>
          %select_n3A_1151 = arith.select %eq3A_1092, %add3A_1069, %gather3A_1150 : vector<16xi1>, vector<16xf32>
          %iota3A_1152 = tpu.iota {dimensions = array<i32: 0>} : vector<16xi32>
          %xor3A_1153 = arith.constant 4 : i32
          %xor3A_1154 = vector.broadcast %xor3A_1153 : i32 to vector<16xi32>
          %xor3A_1155 = arith.xori %iota3A_1152, %xor3A_1154 : vector<16xi32>
          %broadcast_in_dim3A_1156 = vector.shape_cast %xor3A_1155 : vector<16xi32> to vector<16x1xi32>
          %gather3A_1157 = vector.shape_cast %broadcast_in_dim3A_1156 : vector<16x1xi32> to vector<16xi32>
          %gather3A_1158 = tpu.dynamic_gather %add3A_1069[%gather3A_1157] in [0] : vector<16xf32>, vector<16xi32> -> vector<16xf32>
          %select_n3A_1159 = arith.select %eq3A_1092, %gather3A_1158, %add3A_1086 : vector<16xi1>, vector<16xf32>
          %add3A_1160 = arith.addf %select_n3A_1151, %select_n3A_1159 : vector<16xf32>
          %and3A_1161 = arith.constant 2 : i32
          %and3A_1162 = vector.broadcast %and3A_1161 : i32 to vector<16xi32>
          %and3A_1163 = arith.andi %iota3A_945, %and3A_1162 : vector<16xi32>
          %eq3A_1164 = arith.constant 0 : i32
          %eq3A_1165 = vector.broadcast %eq3A_1164 : i32 to vector<16xi32>
          %eq3A_1166 = arith.cmpi eq, %and3A_1163, %eq3A_1165 : vector<16xi32>
          %iota3A_1167 = tpu.iota {dimensions = array<i32: 0>} : vector<16xi32>
          %xor3A_1168 = arith.constant 2 : i32
          %xor3A_1169 = vector.broadcast %xor3A_1168 : i32 to vector<16xi32>
          %xor3A_1170 = arith.xori %iota3A_1167, %xor3A_1169 : vector<16xi32>
          %broadcast_in_dim3A_1171 = vector.shape_cast %xor3A_1170 : vector<16xi32> to vector<16x1xi32>
          %gather3A_1172 = vector.shape_cast %broadcast_in_dim3A_1171 : vector<16x1xi32> to vector<16xi32>
          %gather3A_1173 = tpu.dynamic_gather %add3A_1126[%gather3A_1172] in [0] : vector<16xf32>, vector<16xi32> -> vector<16xf32>
          %select_n3A_1174 = arith.select %eq3A_1166, %add3A_1109, %gather3A_1173 : vector<16xi1>, vector<16xf32>
          %iota3A_1175 = tpu.iota {dimensions = array<i32: 0>} : vector<16xi32>
          %xor3A_1176 = arith.constant 2 : i32
          %xor3A_1177 = vector.broadcast %xor3A_1176 : i32 to vector<16xi32>
          %xor3A_1178 = arith.xori %iota3A_1175, %xor3A_1177 : vector<16xi32>
          %broadcast_in_dim3A_1179 = vector.shape_cast %xor3A_1178 : vector<16xi32> to vector<16x1xi32>
          %gather3A_1180 = vector.shape_cast %broadcast_in_dim3A_1179 : vector<16x1xi32> to vector<16xi32>
          %gather3A_1181 = tpu.dynamic_gather %add3A_1109[%gather3A_1180] in [0] : vector<16xf32>, vector<16xi32> -> vector<16xf32>
          %select_n3A_1182 = arith.select %eq3A_1166, %gather3A_1181, %add3A_1126 : vector<16xi1>, vector<16xf32>
          %add3A_1183 = arith.addf %select_n3A_1174, %select_n3A_1182 : vector<16xf32>
          %iota3A_1184 = tpu.iota {dimensions = array<i32: 0>} : vector<16xi32>
          %xor3A_1185 = arith.constant 2 : i32
          %xor3A_1186 = vector.broadcast %xor3A_1185 : i32 to vector<16xi32>
          %xor3A_1187 = arith.xori %iota3A_1184, %xor3A_1186 : vector<16xi32>
          %broadcast_in_dim3A_1188 = vector.shape_cast %xor3A_1187 : vector<16xi32> to vector<16x1xi32>
          %gather3A_1189 = vector.shape_cast %broadcast_in_dim3A_1188 : vector<16x1xi32> to vector<16xi32>
          %gather3A_1190 = tpu.dynamic_gather %add3A_1160[%gather3A_1189] in [0] : vector<16xf32>, vector<16xi32> -> vector<16xf32>
          %select_n3A_1191 = arith.select %eq3A_1166, %add3A_1143, %gather3A_1190 : vector<16xi1>, vector<16xf32>
          %iota3A_1192 = tpu.iota {dimensions = array<i32: 0>} : vector<16xi32>
          %xor3A_1193 = arith.constant 2 : i32
          %xor3A_1194 = vector.broadcast %xor3A_1193 : i32 to vector<16xi32>
          %xor3A_1195 = arith.xori %iota3A_1192, %xor3A_1194 : vector<16xi32>
          %broadcast_in_dim3A_1196 = vector.shape_cast %xor3A_1195 : vector<16xi32> to vector<16x1xi32>
          %gather3A_1197 = vector.shape_cast %broadcast_in_dim3A_1196 : vector<16x1xi32> to vector<16xi32>
          %gather3A_1198 = tpu.dynamic_gather %add3A_1143[%gather3A_1197] in [0] : vector<16xf32>, vector<16xi32> -> vector<16xf32>
          %select_n3A_1199 = arith.select %eq3A_1166, %gather3A_1198, %add3A_1160 : vector<16xi1>, vector<16xf32>
          %add3A_1200 = arith.addf %select_n3A_1191, %select_n3A_1199 : vector<16xf32>
          %and3A_1201 = arith.constant 1 : i32
          %and3A_1202 = vector.broadcast %and3A_1201 : i32 to vector<16xi32>
          %and3A_1203 = arith.andi %iota3A_945, %and3A_1202 : vector<16xi32>
          %eq3A_1204 = arith.constant 0 : i32
          %eq3A_1205 = vector.broadcast %eq3A_1204 : i32 to vector<16xi32>
          %eq3A_1206 = arith.cmpi eq, %and3A_1203, %eq3A_1205 : vector<16xi32>
          %iota3A_1207 = tpu.iota {dimensions = array<i32: 0>} : vector<16xi32>
          %xor3A_1208 = arith.constant 1 : i32
          %xor3A_1209 = vector.broadcast %xor3A_1208 : i32 to vector<16xi32>
          %xor3A_1210 = arith.xori %iota3A_1207, %xor3A_1209 : vector<16xi32>
          %broadcast_in_dim3A_1211 = vector.shape_cast %xor3A_1210 : vector<16xi32> to vector<16x1xi32>
          %gather3A_1212 = vector.shape_cast %broadcast_in_dim3A_1211 : vector<16x1xi32> to vector<16xi32>
          %gather3A_1213 = tpu.dynamic_gather %add3A_1200[%gather3A_1212] in [0] : vector<16xf32>, vector<16xi32> -> vector<16xf32>
          %select_n3A_1214 = arith.select %eq3A_1206, %add3A_1183, %gather3A_1213 : vector<16xi1>, vector<16xf32>
          %iota3A_1215 = tpu.iota {dimensions = array<i32: 0>} : vector<16xi32>
          %xor3A_1216 = arith.constant 1 : i32
          %xor3A_1217 = vector.broadcast %xor3A_1216 : i32 to vector<16xi32>
          %xor3A_1218 = arith.xori %iota3A_1215, %xor3A_1217 : vector<16xi32>
          %broadcast_in_dim3A_1219 = vector.shape_cast %xor3A_1218 : vector<16xi32> to vector<16x1xi32>
          %gather3A_1220 = vector.shape_cast %broadcast_in_dim3A_1219 : vector<16x1xi32> to vector<16xi32>
          %gather3A_1221 = tpu.dynamic_gather %add3A_1183[%gather3A_1220] in [0] : vector<16xf32>, vector<16xi32> -> vector<16xf32>
          %select_n3A_1222 = arith.select %eq3A_1206, %gather3A_1221, %add3A_1200 : vector<16xi1>, vector<16xf32>
          %add3A_1223 = arith.addf %select_n3A_1214, %select_n3A_1222 : vector<16xf32>
          %exp3A = math.exp %add3A_1223 : vector<16xf32>
          %eq3A_1224 = arith.constant 3 : i32
          %eq3A_1225 = arith.cmpi eq, %scan3A_538, %eq3A_1224 : i32
          %jit3A = arith.constant 2 : i32
          %jit3A_1226 = arith.constant 16 : i32
          %select_n3A_1227 = arith.select %eq3A_1225, %jit3A, %jit3A_1226 : i32
          %lt3A = vector.broadcast %select_n3A_1227 : i32 to vector<16xi32>
          %lt3A_1228 = arith.cmpi slt, %iota3A, %lt3A : vector<16xi32>
          %jit3A_1229 = arith.constant 0.000000e+00 : f32
          %broadcast_in_dim3A_1230 = vector.broadcast %jit3A_1229 : f32 to vector<16xf32>
          %select_n3A_1231 = arith.select %lt3A_1228, %exp3A, %broadcast_in_dim3A_1230 : vector<16xi1>, vector<16xf32>
          %add3A_1232 = arith.addf %scan3A_539, %select_n3A_1231 : vector<16xf32>
          scf.yield %add3A_1232 : vector<16xf32>
        }
        %scan3A_501 = arith.constant 4 : i32
        %iota3A_502 = tpu.iota {dimensions = array<i32: 0>} : vector<16xi32>
        %xor3A_503 = arith.constant 8 : i32
        %xor3A_504 = vector.broadcast %xor3A_503 : i32 to vector<16xi32>
        %xor3A_505 = arith.xori %iota3A_502, %xor3A_504 : vector<16xi32>
        %broadcast_in_dim3A_506 = vector.shape_cast %xor3A_505 : vector<16xi32> to vector<16x1xi32>
        %gather3A_507 = vector.shape_cast %broadcast_in_dim3A_506 : vector<16x1xi32> to vector<16xi32>
        %gather3A_508 = tpu.dynamic_gather %scan3A_500[%gather3A_507] in [0] : vector<16xf32>, vector<16xi32> -> vector<16xf32>
        %add3A_509 = arith.addf %scan3A_500, %gather3A_508 : vector<16xf32>
        %iota3A_510 = tpu.iota {dimensions = array<i32: 0>} : vector<16xi32>
        %xor3A_511 = arith.constant 4 : i32
        %xor3A_512 = vector.broadcast %xor3A_511 : i32 to vector<16xi32>
        %xor3A_513 = arith.xori %iota3A_510, %xor3A_512 : vector<16xi32>
        %broadcast_in_dim3A_514 = vector.shape_cast %xor3A_513 : vector<16xi32> to vector<16x1xi32>
        %gather3A_515 = vector.shape_cast %broadcast_in_dim3A_514 : vector<16x1xi32> to vector<16xi32>
        %gather3A_516 = tpu.dynamic_gather %add3A_509[%gather3A_515] in [0] : vector<16xf32>, vector<16xi32> -> vector<16xf32>
        %add3A_517 = arith.addf %add3A_509, %gather3A_516 : vector<16xf32>
        %iota3A_518 = tpu.iota {dimensions = array<i32: 0>} : vector<16xi32>
        %xor3A_519 = arith.constant 2 : i32
        %xor3A_520 = vector.broadcast %xor3A_519 : i32 to vector<16xi32>
        %xor3A_521 = arith.xori %iota3A_518, %xor3A_520 : vector<16xi32>
        %broadcast_in_dim3A_522 = vector.shape_cast %xor3A_521 : vector<16xi32> to vector<16x1xi32>
        %gather3A_523 = vector.shape_cast %broadcast_in_dim3A_522 : vector<16x1xi32> to vector<16xi32>
        %gather3A_524 = tpu.dynamic_gather %add3A_517[%gather3A_523] in [0] : vector<16xf32>, vector<16xi32> -> vector<16xf32>
        %add3A_525 = arith.addf %add3A_517, %gather3A_524 : vector<16xf32>
        %iota3A_526 = tpu.iota {dimensions = array<i32: 0>} : vector<16xi32>
        %xor3A_527 = arith.constant 1 : i32
        %xor3A_528 = vector.broadcast %xor3A_527 : i32 to vector<16xi32>
        %xor3A_529 = arith.xori %iota3A_526, %xor3A_528 : vector<16xi32>
        %broadcast_in_dim3A_530 = vector.shape_cast %xor3A_529 : vector<16xi32> to vector<16x1xi32>
        %gather3A_531 = vector.shape_cast %broadcast_in_dim3A_530 : vector<16x1xi32> to vector<16xi32>
        %gather3A_532 = tpu.dynamic_gather %add3A_525[%gather3A_531] in [0] : vector<16xf32>, vector<16xi32> -> vector<16xf32>
        %add3A_533 = arith.addf %add3A_525, %gather3A_532 : vector<16xf32>
        %add3A_534 = arith.constant 0 : i32
        %add3A_535 = arith.addi %scan3A_423, %add3A_534 : i32
        %eq3A = vector.broadcast %add3A_535 : i32 to vector<16xi32>
        %eq3A_536 = arith.cmpi eq, %iota3A, %eq3A : vector<16xi32>
        %select_n3A = arith.select %eq3A_536, %add3A_493, %scan3A_424 : vector<16xi1>, vector<16xf32>
        %select_n3A_537 = arith.select %eq3A_536, %add3A_533, %scan3A_425 : vector<16xi1>, vector<16xf32>
        scf.yield %select_n3A, %select_n3A_537 : vector<16xf32>, vector<16xf32>
      }
      %scan3A_270 = arith.constant 8 : i32
      %mul3A_271 = arith.constant 2 : i32
      %mul3A_272 = arith.muli %mul3A_271, %scan3A_129 : i32
      %add3A_273 = arith.constant 2 : i32
      %add3A_274 = arith.addi %mul3A_272, %add3A_273 : i32
      %min3A = arith.constant 63 : i32
      %min3A_275 = arith.minsi %add3A_274, %min3A : i32
      %mul3A_276 = arith.constant 8 : i32
      %mul3A_277 = arith.muli %min3A_275, %mul3A_276 : i32
      %mul3A_278 = arith.constant 400 : i32
      %mul3A_279 = arith.muli %min3A_275, %mul3A_278 : i32
      %dma_start3A_280 = tpu.memref_slice %arg9[%mul3A_277] : memref<512xi32, #tpu.memory_space<vmem>> -> memref<8xi32, #tpu.memory_space<vmem>>
      %dma_start3A_281 = arith.constant 0 : i32
      %dma_start3A_282 = arith.constant 0 : i32
      %dma_start3A_283 = tpu.memref_slice %arg5[%dma_start3A_281, %dma_start3A_282] : memref<100000x64xf32, #tpu.memory_space<hbm>> -> memref<100000x64xf32, #tpu.memory_space<hbm>>
      tpu.enqueue_indirect_dma source(%dma_start3A_283 : memref<100000x64xf32, #tpu.memory_space<hbm>>) target(%arg12 : memref<8x64xf32, #tpu.memory_space<vmem>>) offsets(%dma_start3A_280 : memref<8xi32, #tpu.memory_space<vmem>>) semaphore(%arg20 : memref<!tpu.dma_semaphore, #tpu.memory_space<semaphore_mem>>)
      %dma_start3A_284 = tpu.memref_slice %arg10[%mul3A_277] : memref<512xi32, #tpu.memory_space<vmem>> -> memref<8xi32, #tpu.memory_space<vmem>>
      %dma_start3A_285 = arith.constant 0 : i32
      %dma_start3A_286 = arith.constant 0 : i32
      %dma_start3A_287 = tpu.memref_slice %arg6[%dma_start3A_285, %dma_start3A_286] : memref<100000x64xf32, #tpu.memory_space<hbm>> -> memref<100000x64xf32, #tpu.memory_space<hbm>>
      tpu.enqueue_indirect_dma source(%dma_start3A_287 : memref<100000x64xf32, #tpu.memory_space<hbm>>) target(%arg13 : memref<8x64xf32, #tpu.memory_space<vmem>>) offsets(%dma_start3A_284 : memref<8xi32, #tpu.memory_space<vmem>>) semaphore(%arg20 : memref<!tpu.dma_semaphore, #tpu.memory_space<semaphore_mem>>)
      %add3A_288 = arith.constant 0 : i32
      %add3A_289 = arith.addi %mul3A_279, %add3A_288 : i32
      %dma_start3A_290 = arith.constant 0 : i32
      %dma_start3A_291 = arith.constant 0 : i32
      %dma_start3A_292 = tpu.memref_slice %arg14[%dma_start3A_290, %dma_start3A_291] : memref<416x64xf32, #tpu.memory_space<vmem>> -> memref<64x64xf32, #tpu.memory_space<vmem>>
      %dma_start3A_293 = tpu.memref_slice %arg11[%add3A_289] : memref<25664xi32, #tpu.memory_space<vmem>> -> memref<64xi32, #tpu.memory_space<vmem>>
      %dma_start3A_294 = arith.constant 0 : i32
      %dma_start3A_295 = arith.constant 0 : i32
      %dma_start3A_296 = tpu.memref_slice %arg6[%dma_start3A_294, %dma_start3A_295] : memref<100000x64xf32, #tpu.memory_space<hbm>> -> memref<100000x64xf32, #tpu.memory_space<hbm>>
      tpu.enqueue_indirect_dma source(%dma_start3A_296 : memref<100000x64xf32, #tpu.memory_space<hbm>>) target(%dma_start3A_292 : memref<64x64xf32, #tpu.memory_space<vmem>>) offsets(%dma_start3A_293 : memref<64xi32, #tpu.memory_space<vmem>>) semaphore(%arg20 : memref<!tpu.dma_semaphore, #tpu.memory_space<semaphore_mem>>)
      %add3A_297 = arith.constant 64 : i32
      %add3A_298 = arith.addi %mul3A_279, %add3A_297 : i32
      %dma_start3A_299 = arith.constant 64 : i32
      %dma_start3A_300 = arith.constant 0 : i32
      %dma_start3A_301 = tpu.memref_slice %arg14[%dma_start3A_299, %dma_start3A_300] : memref<416x64xf32, #tpu.memory_space<vmem>> -> memref<64x64xf32, #tpu.memory_space<vmem>>
      %dma_start3A_302 = tpu.memref_slice %arg11[%add3A_298] : memref<25664xi32, #tpu.memory_space<vmem>> -> memref<64xi32, #tpu.memory_space<vmem>>
      %dma_start3A_303 = arith.constant 0 : i32
      %dma_start3A_304 = arith.constant 0 : i32
      %dma_start3A_305 = tpu.memref_slice %arg6[%dma_start3A_303, %dma_start3A_304] : memref<100000x64xf32, #tpu.memory_space<hbm>> -> memref<100000x64xf32, #tpu.memory_space<hbm>>
      tpu.enqueue_indirect_dma source(%dma_start3A_305 : memref<100000x64xf32, #tpu.memory_space<hbm>>) target(%dma_start3A_301 : memref<64x64xf32, #tpu.memory_space<vmem>>) offsets(%dma_start3A_302 : memref<64xi32, #tpu.memory_space<vmem>>) semaphore(%arg20 : memref<!tpu.dma_semaphore, #tpu.memory_space<semaphore_mem>>)
      %add3A_306 = arith.constant 128 : i32
      %add3A_307 = arith.addi %mul3A_279, %add3A_306 : i32
      %dma_start3A_308 = arith.constant 128 : i32
      %dma_start3A_309 = arith.constant 0 : i32
      %dma_start3A_310 = tpu.memref_slice %arg14[%dma_start3A_308, %dma_start3A_309] : memref<416x64xf32, #tpu.memory_space<vmem>> -> memref<64x64xf32, #tpu.memory_space<vmem>>
      %dma_start3A_311 = tpu.memref_slice %arg11[%add3A_307] : memref<25664xi32, #tpu.memory_space<vmem>> -> memref<64xi32, #tpu.memory_space<vmem>>
      %dma_start3A_312 = arith.constant 0 : i32
      %dma_start3A_313 = arith.constant 0 : i32
      %dma_start3A_314 = tpu.memref_slice %arg6[%dma_start3A_312, %dma_start3A_313] : memref<100000x64xf32, #tpu.memory_space<hbm>> -> memref<100000x64xf32, #tpu.memory_space<hbm>>
      tpu.enqueue_indirect_dma source(%dma_start3A_314 : memref<100000x64xf32, #tpu.memory_space<hbm>>) target(%dma_start3A_310 : memref<64x64xf32, #tpu.memory_space<vmem>>) offsets(%dma_start3A_311 : memref<64xi32, #tpu.memory_space<vmem>>) semaphore(%arg20 : memref<!tpu.dma_semaphore, #tpu.memory_space<semaphore_mem>>)
      %add3A_315 = arith.constant 192 : i32
      %add3A_316 = arith.addi %mul3A_279, %add3A_315 : i32
      %dma_start3A_317 = arith.constant 192 : i32
      %dma_start3A_318 = arith.constant 0 : i32
      %dma_start3A_319 = tpu.memref_slice %arg14[%dma_start3A_317, %dma_start3A_318] : memref<416x64xf32, #tpu.memory_space<vmem>> -> memref<64x64xf32, #tpu.memory_space<vmem>>
      %dma_start3A_320 = tpu.memref_slice %arg11[%add3A_316] : memref<25664xi32, #tpu.memory_space<vmem>> -> memref<64xi32, #tpu.memory_space<vmem>>
      %dma_start3A_321 = arith.constant 0 : i32
      %dma_start3A_322 = arith.constant 0 : i32
      %dma_start3A_323 = tpu.memref_slice %arg6[%dma_start3A_321, %dma_start3A_322] : memref<100000x64xf32, #tpu.memory_space<hbm>> -> memref<100000x64xf32, #tpu.memory_space<hbm>>
      tpu.enqueue_indirect_dma source(%dma_start3A_323 : memref<100000x64xf32, #tpu.memory_space<hbm>>) target(%dma_start3A_319 : memref<64x64xf32, #tpu.memory_space<vmem>>) offsets(%dma_start3A_320 : memref<64xi32, #tpu.memory_space<vmem>>) semaphore(%arg20 : memref<!tpu.dma_semaphore, #tpu.memory_space<semaphore_mem>>)
      %add3A_324 = arith.constant 256 : i32
      %add3A_325 = arith.addi %mul3A_279, %add3A_324 : i32
      %dma_start3A_326 = arith.constant 256 : i32
      %dma_start3A_327 = arith.constant 0 : i32
      %dma_start3A_328 = tpu.memref_slice %arg14[%dma_start3A_326, %dma_start3A_327] : memref<416x64xf32, #tpu.memory_space<vmem>> -> memref<64x64xf32, #tpu.memory_space<vmem>>
      %dma_start3A_329 = tpu.memref_slice %arg11[%add3A_325] : memref<25664xi32, #tpu.memory_space<vmem>> -> memref<64xi32, #tpu.memory_space<vmem>>
      %dma_start3A_330 = arith.constant 0 : i32
      %dma_start3A_331 = arith.constant 0 : i32
      %dma_start3A_332 = tpu.memref_slice %arg6[%dma_start3A_330, %dma_start3A_331] : memref<100000x64xf32, #tpu.memory_space<hbm>> -> memref<100000x64xf32, #tpu.memory_space<hbm>>
      tpu.enqueue_indirect_dma source(%dma_start3A_332 : memref<100000x64xf32, #tpu.memory_space<hbm>>) target(%dma_start3A_328 : memref<64x64xf32, #tpu.memory_space<vmem>>) offsets(%dma_start3A_329 : memref<64xi32, #tpu.memory_space<vmem>>) semaphore(%arg20 : memref<!tpu.dma_semaphore, #tpu.memory_space<semaphore_mem>>)
      %add3A_333 = arith.constant 320 : i32
      %add3A_334 = arith.addi %mul3A_279, %add3A_333 : i32
      %dma_start3A_335 = arith.constant 320 : i32
      %dma_start3A_336 = arith.constant 0 : i32
      %dma_start3A_337 = tpu.memref_slice %arg14[%dma_start3A_335, %dma_start3A_336] : memref<416x64xf32, #tpu.memory_space<vmem>> -> memref<64x64xf32, #tpu.memory_space<vmem>>
      %dma_start3A_338 = tpu.memref_slice %arg11[%add3A_334] : memref<25664xi32, #tpu.memory_space<vmem>> -> memref<64xi32, #tpu.memory_space<vmem>>
      %dma_start3A_339 = arith.constant 0 : i32
      %dma_start3A_340 = arith.constant 0 : i32
      %dma_start3A_341 = tpu.memref_slice %arg6[%dma_start3A_339, %dma_start3A_340] : memref<100000x64xf32, #tpu.memory_space<hbm>> -> memref<100000x64xf32, #tpu.memory_space<hbm>>
      tpu.enqueue_indirect_dma source(%dma_start3A_341 : memref<100000x64xf32, #tpu.memory_space<hbm>>) target(%dma_start3A_337 : memref<64x64xf32, #tpu.memory_space<vmem>>) offsets(%dma_start3A_338 : memref<64xi32, #tpu.memory_space<vmem>>) semaphore(%arg20 : memref<!tpu.dma_semaphore, #tpu.memory_space<semaphore_mem>>)
      %dma_wait3A_342 = arith.constant 0 : i32
      %dma_wait3A_343 = tpu.memref_slice %arg9[%dma_wait3A_342] : memref<512xi32, #tpu.memory_space<vmem>> -> memref<8xi32, #tpu.memory_space<vmem>>
      %dma_wait3A_344 = arith.constant 0 : i32
      %dma_wait3A_345 = arith.constant 0 : i32
      %dma_wait3A_346 = tpu.memref_slice %arg5[%dma_wait3A_344, %dma_wait3A_345] : memref<100000x64xf32, #tpu.memory_space<hbm>> -> memref<100000x64xf32, #tpu.memory_space<hbm>>
      tpu.wait_indirect_dma semaphore(%arg21 : memref<!tpu.dma_semaphore, #tpu.memory_space<semaphore_mem>>) src(%dma_wait3A_346 : memref<100000x64xf32, #tpu.memory_space<hbm>>) dst(%arg15 : memref<8x64xf32, #tpu.memory_space<vmem>>)
      %dma_wait3A_347 = arith.constant 0 : i32
      %dma_wait3A_348 = tpu.memref_slice %arg10[%dma_wait3A_347] : memref<512xi32, #tpu.memory_space<vmem>> -> memref<8xi32, #tpu.memory_space<vmem>>
      %dma_wait3A_349 = arith.constant 0 : i32
      %dma_wait3A_350 = arith.constant 0 : i32
      %dma_wait3A_351 = tpu.memref_slice %arg6[%dma_wait3A_349, %dma_wait3A_350] : memref<100000x64xf32, #tpu.memory_space<hbm>> -> memref<100000x64xf32, #tpu.memory_space<hbm>>
      tpu.wait_indirect_dma semaphore(%arg21 : memref<!tpu.dma_semaphore, #tpu.memory_space<semaphore_mem>>) src(%dma_wait3A_351 : memref<100000x64xf32, #tpu.memory_space<hbm>>) dst(%arg16 : memref<8x64xf32, #tpu.memory_space<vmem>>)
      %dma_wait3A_352 = arith.constant 0 : i32
      %dma_wait3A_353 = arith.constant 0 : i32
      %dma_wait3A_354 = tpu.memref_slice %arg17[%dma_wait3A_352, %dma_wait3A_353] : memref<416x64xf32, #tpu.memory_space<vmem>> -> memref<64x64xf32, #tpu.memory_space<vmem>>
      %dma_wait3A_355 = arith.constant 0 : i32
      %dma_wait3A_356 = tpu.memref_slice %arg11[%dma_wait3A_355] : memref<25664xi32, #tpu.memory_space<vmem>> -> memref<64xi32, #tpu.memory_space<vmem>>
      %dma_wait3A_357 = arith.constant 0 : i32
      %dma_wait3A_358 = arith.constant 0 : i32
      %dma_wait3A_359 = tpu.memref_slice %arg6[%dma_wait3A_357, %dma_wait3A_358] : memref<100000x64xf32, #tpu.memory_space<hbm>> -> memref<100000x64xf32, #tpu.memory_space<hbm>>
      tpu.wait_indirect_dma semaphore(%arg21 : memref<!tpu.dma_semaphore, #tpu.memory_space<semaphore_mem>>) src(%dma_wait3A_359 : memref<100000x64xf32, #tpu.memory_space<hbm>>) dst(%dma_wait3A_354 : memref<64x64xf32, #tpu.memory_space<vmem>>)
      %dma_wait3A_360 = arith.constant 64 : i32
      %dma_wait3A_361 = arith.constant 0 : i32
      %dma_wait3A_362 = tpu.memref_slice %arg17[%dma_wait3A_360, %dma_wait3A_361] : memref<416x64xf32, #tpu.memory_space<vmem>> -> memref<64x64xf32, #tpu.memory_space<vmem>>
      %dma_wait3A_363 = arith.constant 64 : i32
      %dma_wait3A_364 = tpu.memref_slice %arg11[%dma_wait3A_363] : memref<25664xi32, #tpu.memory_space<vmem>> -> memref<64xi32, #tpu.memory_space<vmem>>
      %dma_wait3A_365 = arith.constant 0 : i32
      %dma_wait3A_366 = arith.constant 0 : i32
      %dma_wait3A_367 = tpu.memref_slice %arg6[%dma_wait3A_365, %dma_wait3A_366] : memref<100000x64xf32, #tpu.memory_space<hbm>> -> memref<100000x64xf32, #tpu.memory_space<hbm>>
      tpu.wait_indirect_dma semaphore(%arg21 : memref<!tpu.dma_semaphore, #tpu.memory_space<semaphore_mem>>) src(%dma_wait3A_367 : memref<100000x64xf32, #tpu.memory_space<hbm>>) dst(%dma_wait3A_362 : memref<64x64xf32, #tpu.memory_space<vmem>>)
      %dma_wait3A_368 = arith.constant 128 : i32
      %dma_wait3A_369 = arith.constant 0 : i32
      %dma_wait3A_370 = tpu.memref_slice %arg17[%dma_wait3A_368, %dma_wait3A_369] : memref<416x64xf32, #tpu.memory_space<vmem>> -> memref<64x64xf32, #tpu.memory_space<vmem>>
      %dma_wait3A_371 = arith.constant 128 : i32
      %dma_wait3A_372 = tpu.memref_slice %arg11[%dma_wait3A_371] : memref<25664xi32, #tpu.memory_space<vmem>> -> memref<64xi32, #tpu.memory_space<vmem>>
      %dma_wait3A_373 = arith.constant 0 : i32
      %dma_wait3A_374 = arith.constant 0 : i32
      %dma_wait3A_375 = tpu.memref_slice %arg6[%dma_wait3A_373, %dma_wait3A_374] : memref<100000x64xf32, #tpu.memory_space<hbm>> -> memref<100000x64xf32, #tpu.memory_space<hbm>>
      tpu.wait_indirect_dma semaphore(%arg21 : memref<!tpu.dma_semaphore, #tpu.memory_space<semaphore_mem>>) src(%dma_wait3A_375 : memref<100000x64xf32, #tpu.memory_space<hbm>>) dst(%dma_wait3A_370 : memref<64x64xf32, #tpu.memory_space<vmem>>)
      %dma_wait3A_376 = arith.constant 192 : i32
      %dma_wait3A_377 = arith.constant 0 : i32
      %dma_wait3A_378 = tpu.memref_slice %arg17[%dma_wait3A_376, %dma_wait3A_377] : memref<416x64xf32, #tpu.memory_space<vmem>> -> memref<64x64xf32, #tpu.memory_space<vmem>>
      %dma_wait3A_379 = arith.constant 192 : i32
      %dma_wait3A_380 = tpu.memref_slice %arg11[%dma_wait3A_379] : memref<25664xi32, #tpu.memory_space<vmem>> -> memref<64xi32, #tpu.memory_space<vmem>>
      %dma_wait3A_381 = arith.constant 0 : i32
      %dma_wait3A_382 = arith.constant 0 : i32
      %dma_wait3A_383 = tpu.memref_slice %arg6[%dma_wait3A_381, %dma_wait3A_382] : memref<100000x64xf32, #tpu.memory_space<hbm>> -> memref<100000x64xf32, #tpu.memory_space<hbm>>
      tpu.wait_indirect_dma semaphore(%arg21 : memref<!tpu.dma_semaphore, #tpu.memory_space<semaphore_mem>>) src(%dma_wait3A_383 : memref<100000x64xf32, #tpu.memory_space<hbm>>) dst(%dma_wait3A_378 : memref<64x64xf32, #tpu.memory_space<vmem>>)
      %dma_wait3A_384 = arith.constant 256 : i32
      %dma_wait3A_385 = arith.constant 0 : i32
      %dma_wait3A_386 = tpu.memref_slice %arg17[%dma_wait3A_384, %dma_wait3A_385] : memref<416x64xf32, #tpu.memory_space<vmem>> -> memref<64x64xf32, #tpu.memory_space<vmem>>
      %dma_wait3A_387 = arith.constant 256 : i32
      %dma_wait3A_388 = tpu.memref_slice %arg11[%dma_wait3A_387] : memref<25664xi32, #tpu.memory_space<vmem>> -> memref<64xi32, #tpu.memory_space<vmem>>
      %dma_wait3A_389 = arith.constant 0 : i32
      %dma_wait3A_390 = arith.constant 0 : i32
      %dma_wait3A_391 = tpu.memref_slice %arg6[%dma_wait3A_389, %dma_wait3A_390] : memref<100000x64xf32, #tpu.memory_space<hbm>> -> memref<100000x64xf32, #tpu.memory_space<hbm>>
      tpu.wait_indirect_dma semaphore(%arg21 : memref<!tpu.dma_semaphore, #tpu.memory_space<semaphore_mem>>) src(%dma_wait3A_391 : memref<100000x64xf32, #tpu.memory_space<hbm>>) dst(%dma_wait3A_386 : memref<64x64xf32, #tpu.memory_space<vmem>>)
      %dma_wait3A_392 = arith.constant 320 : i32
      %dma_wait3A_393 = arith.constant 0 : i32
      %dma_wait3A_394 = tpu.memref_slice %arg17[%dma_wait3A_392, %dma_wait3A_393] : memref<416x64xf32, #tpu.memory_space<vmem>> -> memref<64x64xf32, #tpu.memory_space<vmem>>
      %dma_wait3A_395 = arith.constant 320 : i32
      %dma_wait3A_396 = tpu.memref_slice %arg11[%dma_wait3A_395] : memref<25664xi32, #tpu.memory_space<vmem>> -> memref<64xi32, #tpu.memory_space<vmem>>
      %dma_wait3A_397 = arith.constant 0 : i32
      %dma_wait3A_398 = arith.constant 0 : i32
      %dma_wait3A_399 = tpu.memref_slice %arg6[%dma_wait3A_397, %dma_wait3A_398] : memref<100000x64xf32, #tpu.memory_space<hbm>> -> memref<100000x64xf32, #tpu.memory_space<hbm>>
      tpu.wait_indirect_dma semaphore(%arg21 : memref<!tpu.dma_semaphore, #tpu.memory_space<semaphore_mem>>) src(%dma_wait3A_399 : memref<100000x64xf32, #tpu.memory_space<hbm>>) dst(%dma_wait3A_394 : memref<64x64xf32, #tpu.memory_space<vmem>>)
      %mul3A_400 = arith.constant 2 : i32
      %mul3A_401 = arith.muli %mul3A_400, %scan3A_129 : i32
      %add3A_402 = arith.constant 1 : i32
      %add3A_403 = arith.addi %mul3A_401, %add3A_402 : i32
      %scan3A_404 = arith.constant 0 : i32
      %scan3A_405 = arith.constant 8 : i32
      %scan3A_406 = arith.addi %scan3A_404, %scan3A_405 : i32
      %scan3A_407 = arith.constant 1 : i32
      %scan3A_408:2 = scf.for %scan3A_423 = %scan3A_404 to %scan3A_406 step %scan3A_407 iter_args(%scan3A_424 = %scan3A_269#0, %scan3A_425 = %scan3A_269#1) -> (vector<16xf32>, vector<16xf32>)  : i32 {
        %get3A = arith.index_cast %scan3A_423 : i32 to index
        %get3A_426 = arith.constant 0 : index
        %get3A_427 = tpu.vector_load %arg15[%get3A, %get3A_426] {strides = array<i32>} : memref<8x64xf32, #tpu.memory_space<vmem>>, vector<1x16xf32>,
        %get3A_428 = vector.shape_cast %get3A_427 : vector<1x16xf32> to vector<16xf32>
        %get3A_429 = arith.index_cast %scan3A_423 : i32 to index
        %get3A_430 = arith.constant 16 : index
        %get3A_431 = tpu.vector_load %arg15[%get3A_429, %get3A_430] {strides = array<i32>} : memref<8x64xf32, #tpu.memory_space<vmem>>, vector<1x16xf32>,
        %get3A_432 = vector.shape_cast %get3A_431 : vector<1x16xf32> to vector<16xf32>
        %get3A_433 = arith.index_cast %scan3A_423 : i32 to index
        %get3A_434 = arith.constant 32 : index
        %get3A_435 = tpu.vector_load %arg15[%get3A_433, %get3A_434] {strides = array<i32>} : memref<8x64xf32, #tpu.memory_space<vmem>>, vector<1x16xf32>,
        %get3A_436 = vector.shape_cast %get3A_435 : vector<1x16xf32> to vector<16xf32>
        %get3A_437 = arith.index_cast %scan3A_423 : i32 to index
        %get3A_438 = arith.constant 48 : index
        %get3A_439 = tpu.vector_load %arg15[%get3A_437, %get3A_438] {strides = array<i32>} : memref<8x64xf32, #tpu.memory_space<vmem>>, vector<1x16xf32>,
        %get3A_440 = vector.shape_cast %get3A_439 : vector<1x16xf32> to vector<16xf32>
        %get3A_441 = arith.index_cast %scan3A_423 : i32 to index
        %get3A_442 = arith.constant 0 : index
        %get3A_443 = tpu.vector_load %arg16[%get3A_441, %get3A_442] {strides = array<i32>} : memref<8x64xf32, #tpu.memory_space<vmem>>, vector<1x16xf32>,
        %get3A_444 = vector.shape_cast %get3A_443 : vector<1x16xf32> to vector<16xf32>
        %mul3A_445 = arith.mulf %get3A_428, %get3A_444 : vector<16xf32>
        %get3A_446 = arith.index_cast %scan3A_423 : i32 to index
        %get3A_447 = arith.constant 16 : index
        %get3A_448 = tpu.vector_load %arg16[%get3A_446, %get3A_447] {strides = array<i32>} : memref<8x64xf32, #tpu.memory_space<vmem>>, vector<1x16xf32>,
        %get3A_449 = vector.shape_cast %get3A_448 : vector<1x16xf32> to vector<16xf32>
        %mul3A_450 = arith.mulf %get3A_432, %get3A_449 : vector<16xf32>
        %add3A_451 = arith.addf %mul3A_445, %mul3A_450 : vector<16xf32>
        %get3A_452 = arith.index_cast %scan3A_423 : i32 to index
        %get3A_453 = arith.constant 32 : index
        %get3A_454 = tpu.vector_load %arg16[%get3A_452, %get3A_453] {strides = array<i32>} : memref<8x64xf32, #tpu.memory_space<vmem>>, vector<1x16xf32>,
        %get3A_455 = vector.shape_cast %get3A_454 : vector<1x16xf32> to vector<16xf32>
        %mul3A_456 = arith.mulf %get3A_436, %get3A_455 : vector<16xf32>
        %add3A_457 = arith.addf %add3A_451, %mul3A_456 : vector<16xf32>
        %get3A_458 = arith.index_cast %scan3A_423 : i32 to index
        %get3A_459 = arith.constant 48 : index
        %get3A_460 = tpu.vector_load %arg16[%get3A_458, %get3A_459] {strides = array<i32>} : memref<8x64xf32, #tpu.memory_space<vmem>>, vector<1x16xf32>,
        %get3A_461 = vector.shape_cast %get3A_460 : vector<1x16xf32> to vector<16xf32>
        %mul3A_462 = arith.mulf %get3A_440, %get3A_461 : vector<16xf32>
        %add3A_463 = arith.addf %add3A_457, %mul3A_462 : vector<16xf32>
        %iota3A_464 = tpu.iota {dimensions = array<i32: 0>} : vector<16xi32>
        %xor3A = arith.constant 8 : i32
        %xor3A_465 = vector.broadcast %xor3A : i32 to vector<16xi32>
        %xor3A_466 = arith.xori %iota3A_464, %xor3A_465 : vector<16xi32>
        %broadcast_in_dim3A_467 = vector.shape_cast %xor3A_466 : vector<16xi32> to vector<16x1xi32>
        %gather3A = vector.shape_cast %broadcast_in_dim3A_467 : vector<16x1xi32> to vector<16xi32>
        %gather3A_468 = tpu.dynamic_gather %add3A_463[%gather3A] in [0] : vector<16xf32>, vector<16xi32> -> vector<16xf32>
        %add3A_469 = arith.addf %add3A_463, %gather3A_468 : vector<16xf32>
        %iota3A_470 = tpu.iota {dimensions = array<i32: 0>} : vector<16xi32>
        %xor3A_471 = arith.constant 4 : i32
        %xor3A_472 = vector.broadcast %xor3A_471 : i32 to vector<16xi32>
        %xor3A_473 = arith.xori %iota3A_470, %xor3A_472 : vector<16xi32>
        %broadcast_in_dim3A_474 = vector.shape_cast %xor3A_473 : vector<16xi32> to vector<16x1xi32>
        %gather3A_475 = vector.shape_cast %broadcast_in_dim3A_474 : vector<16x1xi32> to vector<16xi32>
        %gather3A_476 = tpu.dynamic_gather %add3A_469[%gather3A_475] in [0] : vector<16xf32>, vector<16xi32> -> vector<16xf32>
        %add3A_477 = arith.addf %add3A_469, %gather3A_476 : vector<16xf32>
        %iota3A_478 = tpu.iota {dimensions = array<i32: 0>} : vector<16xi32>
        %xor3A_479 = arith.constant 2 : i32
        %xor3A_480 = vector.broadcast %xor3A_479 : i32 to vector<16xi32>
        %xor3A_481 = arith.xori %iota3A_478, %xor3A_480 : vector<16xi32>
        %broadcast_in_dim3A_482 = vector.shape_cast %xor3A_481 : vector<16xi32> to vector<16x1xi32>
        %gather3A_483 = vector.shape_cast %broadcast_in_dim3A_482 : vector<16x1xi32> to vector<16xi32>
        %gather3A_484 = tpu.dynamic_gather %add3A_477[%gather3A_483] in [0] : vector<16xf32>, vector<16xi32> -> vector<16xf32>
        %add3A_485 = arith.addf %add3A_477, %gather3A_484 : vector<16xf32>
        %iota3A_486 = tpu.iota {dimensions = array<i32: 0>} : vector<16xi32>
        %xor3A_487 = arith.constant 1 : i32
        %xor3A_488 = vector.broadcast %xor3A_487 : i32 to vector<16xi32>
        %xor3A_489 = arith.xori %iota3A_486, %xor3A_488 : vector<16xi32>
        %broadcast_in_dim3A_490 = vector.shape_cast %xor3A_489 : vector<16xi32> to vector<16x1xi32>
        %gather3A_491 = vector.shape_cast %broadcast_in_dim3A_490 : vector<16x1xi32> to vector<16xi32>
        %gather3A_492 = tpu.dynamic_gather %add3A_485[%gather3A_491] in [0] : vector<16xf32>, vector<16xi32> -> vector<16xf32>
        %add3A_493 = arith.addf %add3A_485, %gather3A_492 : vector<16xf32>
        %broadcast_in_dim3A_494 = arith.constant 0.000000e+00 : f32
        %broadcast_in_dim3A_495 = vector.broadcast %broadcast_in_dim3A_494 : f32 to vector<16xf32>
        %scan3A_496 = arith.constant 0 : i32
        %scan3A_497 = arith.constant 4 : i32
        %scan3A_498 = arith.addi %scan3A_496, %scan3A_497 : i32
        %scan3A_499 = arith.constant 1 : i32
        %scan3A_500 = scf.for %scan3A_538 = %scan3A_496 to %scan3A_498 step %scan3A_499 iter_args(%scan3A_539 = %broadcast_in_dim3A_495) -> (vector<16xf32>)  : i32 {
          %mul3A_540 = arith.constant 50 : i32
          %mul3A_541 = arith.muli %scan3A_423, %mul3A_540 : i32
          %mul3A_542 = arith.constant 16 : i32
          %mul3A_543 = arith.muli %scan3A_538, %mul3A_542 : i32
          %add3A_544 = arith.addi %mul3A_541, %mul3A_543 : i32
          %add3A_545 = arith.constant 0 : i32
          %add3A_546 = arith.addi %add3A_544, %add3A_545 : i32
          %get3A_547 = arith.index_cast %add3A_546 : i32 to index
          %get3A_548 = arith.constant 0 : index
          %get3A_549 = tpu.vector_load %arg17[%get3A_547, %get3A_548] {strides = array<i32>} : memref<416x64xf32, #tpu.memory_space<vmem>>, vector<1x16xf32>,
          %get3A_550 = vector.shape_cast %get3A_549 : vector<1x16xf32> to vector<16xf32>
          %mul3A_551 = arith.mulf %get3A_428, %get3A_550 : vector<16xf32>
          %get3A_552 = arith.index_cast %add3A_546 : i32 to index
          %get3A_553 = arith.constant 16 : index
          %get3A_554 = tpu.vector_load %arg17[%get3A_552, %get3A_553] {strides = array<i32>} : memref<416x64xf32, #tpu.memory_space<vmem>>, vector<1x16xf32>,
          %get3A_555 = vector.shape_cast %get3A_554 : vector<1x16xf32> to vector<16xf32>
          %mul3A_556 = arith.mulf %get3A_432, %get3A_555 : vector<16xf32>
          %add3A_557 = arith.addf %mul3A_551, %mul3A_556 : vector<16xf32>
          %get3A_558 = arith.index_cast %add3A_546 : i32 to index
          %get3A_559 = arith.constant 32 : index
          %get3A_560 = tpu.vector_load %arg17[%get3A_558, %get3A_559] {strides = array<i32>} : memref<416x64xf32, #tpu.memory_space<vmem>>, vector<1x16xf32>,
          %get3A_561 = vector.shape_cast %get3A_560 : vector<1x16xf32> to vector<16xf32>
          %mul3A_562 = arith.mulf %get3A_436, %get3A_561 : vector<16xf32>
          %add3A_563 = arith.addf %add3A_557, %mul3A_562 : vector<16xf32>
          %get3A_564 = arith.index_cast %add3A_546 : i32 to index
          %get3A_565 = arith.constant 48 : index
          %get3A_566 = tpu.vector_load %arg17[%get3A_564, %get3A_565] {strides = array<i32>} : memref<416x64xf32, #tpu.memory_space<vmem>>, vector<1x16xf32>,
          %get3A_567 = vector.shape_cast %get3A_566 : vector<1x16xf32> to vector<16xf32>
          %mul3A_568 = arith.mulf %get3A_440, %get3A_567 : vector<16xf32>
          %add3A_569 = arith.addf %add3A_563, %mul3A_568 : vector<16xf32>
          %add3A_570 = arith.constant 8 : i32
          %add3A_571 = arith.addi %add3A_544, %add3A_570 : i32
          %get3A_572 = arith.index_cast %add3A_571 : i32 to index
          %get3A_573 = arith.constant 0 : index
          %get3A_574 = tpu.vector_load %arg17[%get3A_572, %get3A_573] {strides = array<i32>} : memref<416x64xf32, #tpu.memory_space<vmem>>, vector<1x16xf32>,
          %get3A_575 = vector.shape_cast %get3A_574 : vector<1x16xf32> to vector<16xf32>
          %mul3A_576 = arith.mulf %get3A_428, %get3A_575 : vector<16xf32>
          %get3A_577 = arith.index_cast %add3A_571 : i32 to index
          %get3A_578 = arith.constant 16 : index
          %get3A_579 = tpu.vector_load %arg17[%get3A_577, %get3A_578] {strides = array<i32>} : memref<416x64xf32, #tpu.memory_space<vmem>>, vector<1x16xf32>,
          %get3A_580 = vector.shape_cast %get3A_579 : vector<1x16xf32> to vector<16xf32>
          %mul3A_581 = arith.mulf %get3A_432, %get3A_580 : vector<16xf32>
          %add3A_582 = arith.addf %mul3A_576, %mul3A_581 : vector<16xf32>
          %get3A_583 = arith.index_cast %add3A_571 : i32 to index
          %get3A_584 = arith.constant 32 : index
          %get3A_585 = tpu.vector_load %arg17[%get3A_583, %get3A_584] {strides = array<i32>} : memref<416x64xf32, #tpu.memory_space<vmem>>, vector<1x16xf32>,
          %get3A_586 = vector.shape_cast %get3A_585 : vector<1x16xf32> to vector<16xf32>
          %mul3A_587 = arith.mulf %get3A_436, %get3A_586 : vector<16xf32>
          %add3A_588 = arith.addf %add3A_582, %mul3A_587 : vector<16xf32>
          %get3A_589 = arith.index_cast %add3A_571 : i32 to index
          %get3A_590 = arith.constant 48 : index
          %get3A_591 = tpu.vector_load %arg17[%get3A_589, %get3A_590] {strides = array<i32>} : memref<416x64xf32, #tpu.memory_space<vmem>>, vector<1x16xf32>,
          %get3A_592 = vector.shape_cast %get3A_591 : vector<1x16xf32> to vector<16xf32>
          %mul3A_593 = arith.mulf %get3A_440, %get3A_592 : vector<16xf32>
          %add3A_594 = arith.addf %add3A_588, %mul3A_593 : vector<16xf32>
          %add3A_595 = arith.constant 4 : i32
          %add3A_596 = arith.addi %add3A_544, %add3A_595 : i32
          %get3A_597 = arith.index_cast %add3A_596 : i32 to index
          %get3A_598 = arith.constant 0 : index
          %get3A_599 = tpu.vector_load %arg17[%get3A_597, %get3A_598] {strides = array<i32>} : memref<416x64xf32, #tpu.memory_space<vmem>>, vector<1x16xf32>,
          %get3A_600 = vector.shape_cast %get3A_599 : vector<1x16xf32> to vector<16xf32>
          %mul3A_601 = arith.mulf %get3A_428, %get3A_600 : vector<16xf32>
          %get3A_602 = arith.index_cast %add3A_596 : i32 to index
          %get3A_603 = arith.constant 16 : index
          %get3A_604 = tpu.vector_load %arg17[%get3A_602, %get3A_603] {strides = array<i32>} : memref<416x64xf32, #tpu.memory_space<vmem>>, vector<1x16xf32>,
          %get3A_605 = vector.shape_cast %get3A_604 : vector<1x16xf32> to vector<16xf32>
          %mul3A_606 = arith.mulf %get3A_432, %get3A_605 : vector<16xf32>
          %add3A_607 = arith.addf %mul3A_601, %mul3A_606 : vector<16xf32>
          %get3A_608 = arith.index_cast %add3A_596 : i32 to index
          %get3A_609 = arith.constant 32 : index
          %get3A_610 = tpu.vector_load %arg17[%get3A_608, %get3A_609] {strides = array<i32>} : memref<416x64xf32, #tpu.memory_space<vmem>>, vector<1x16xf32>,
          %get3A_611 = vector.shape_cast %get3A_610 : vector<1x16xf32> to vector<16xf32>
          %mul3A_612 = arith.mulf %get3A_436, %get3A_611 : vector<16xf32>
          %add3A_613 = arith.addf %add3A_607, %mul3A_612 : vector<16xf32>
          %get3A_614 = arith.index_cast %add3A_596 : i32 to index
          %get3A_615 = arith.constant 48 : index
          %get3A_616 = tpu.vector_load %arg17[%get3A_614, %get3A_615] {strides = array<i32>} : memref<416x64xf32, #tpu.memory_space<vmem>>, vector<1x16xf32>,
          %get3A_617 = vector.shape_cast %get3A_616 : vector<1x16xf32> to vector<16xf32>
          %mul3A_618 = arith.mulf %get3A_440, %get3A_617 : vector<16xf32>
          %add3A_619 = arith.addf %add3A_613, %mul3A_618 : vector<16xf32>
          %add3A_620 = arith.constant 12 : i32
          %add3A_621 = arith.addi %add3A_544, %add3A_620 : i32
          %get3A_622 = arith.index_cast %add3A_621 : i32 to index
          %get3A_623 = arith.constant 0 : index
          %get3A_624 = tpu.vector_load %arg17[%get3A_622, %get3A_623] {strides = array<i32>} : memref<416x64xf32, #tpu.memory_space<vmem>>, vector<1x16xf32>,
          %get3A_625 = vector.shape_cast %get3A_624 : vector<1x16xf32> to vector<16xf32>
          %mul3A_626 = arith.mulf %get3A_428, %get3A_625 : vector<16xf32>
          %get3A_627 = arith.index_cast %add3A_621 : i32 to index
          %get3A_628 = arith.constant 16 : index
          %get3A_629 = tpu.vector_load %arg17[%get3A_627, %get3A_628] {strides = array<i32>} : memref<416x64xf32, #tpu.memory_space<vmem>>, vector<1x16xf32>,
          %get3A_630 = vector.shape_cast %get3A_629 : vector<1x16xf32> to vector<16xf32>
          %mul3A_631 = arith.mulf %get3A_432, %get3A_630 : vector<16xf32>
          %add3A_632 = arith.addf %mul3A_626, %mul3A_631 : vector<16xf32>
          %get3A_633 = arith.index_cast %add3A_621 : i32 to index
          %get3A_634 = arith.constant 32 : index
          %get3A_635 = tpu.vector_load %arg17[%get3A_633, %get3A_634] {strides = array<i32>} : memref<416x64xf32, #tpu.memory_space<vmem>>, vector<1x16xf32>,
          %get3A_636 = vector.shape_cast %get3A_635 : vector<1x16xf32> to vector<16xf32>
          %mul3A_637 = arith.mulf %get3A_436, %get3A_636 : vector<16xf32>
          %add3A_638 = arith.addf %add3A_632, %mul3A_637 : vector<16xf32>
          %get3A_639 = arith.index_cast %add3A_621 : i32 to index
          %get3A_640 = arith.constant 48 : index
          %get3A_641 = tpu.vector_load %arg17[%get3A_639, %get3A_640] {strides = array<i32>} : memref<416x64xf32, #tpu.memory_space<vmem>>, vector<1x16xf32>,
          %get3A_642 = vector.shape_cast %get3A_641 : vector<1x16xf32> to vector<16xf32>
          %mul3A_643 = arith.mulf %get3A_440, %get3A_642 : vector<16xf32>
          %add3A_644 = arith.addf %add3A_638, %mul3A_643 : vector<16xf32>
          %add3A_645 = arith.constant 2 : i32
          %add3A_646 = arith.addi %add3A_544, %add3A_645 : i32
          %get3A_647 = arith.index_cast %add3A_646 : i32 to index
          %get3A_648 = arith.constant 0 : index
          %get3A_649 = tpu.vector_load %arg17[%get3A_647, %get3A_648] {strides = array<i32>} : memref<416x64xf32, #tpu.memory_space<vmem>>, vector<1x16xf32>,
          %get3A_650 = vector.shape_cast %get3A_649 : vector<1x16xf32> to vector<16xf32>
          %mul3A_651 = arith.mulf %get3A_428, %get3A_650 : vector<16xf32>
          %get3A_652 = arith.index_cast %add3A_646 : i32 to index
          %get3A_653 = arith.constant 16 : index
          %get3A_654 = tpu.vector_load %arg17[%get3A_652, %get3A_653] {strides = array<i32>} : memref<416x64xf32, #tpu.memory_space<vmem>>, vector<1x16xf32>,
          %get3A_655 = vector.shape_cast %get3A_654 : vector<1x16xf32> to vector<16xf32>
          %mul3A_656 = arith.mulf %get3A_432, %get3A_655 : vector<16xf32>
          %add3A_657 = arith.addf %mul3A_651, %mul3A_656 : vector<16xf32>
          %get3A_658 = arith.index_cast %add3A_646 : i32 to index
          %get3A_659 = arith.constant 32 : index
          %get3A_660 = tpu.vector_load %arg17[%get3A_658, %get3A_659] {strides = array<i32>} : memref<416x64xf32, #tpu.memory_space<vmem>>, vector<1x16xf32>,
          %get3A_661 = vector.shape_cast %get3A_660 : vector<1x16xf32> to vector<16xf32>
          %mul3A_662 = arith.mulf %get3A_436, %get3A_661 : vector<16xf32>
          %add3A_663 = arith.addf %add3A_657, %mul3A_662 : vector<16xf32>
          %get3A_664 = arith.index_cast %add3A_646 : i32 to index
          %get3A_665 = arith.constant 48 : index
          %get3A_666 = tpu.vector_load %arg17[%get3A_664, %get3A_665] {strides = array<i32>} : memref<416x64xf32, #tpu.memory_space<vmem>>, vector<1x16xf32>,
          %get3A_667 = vector.shape_cast %get3A_666 : vector<1x16xf32> to vector<16xf32>
          %mul3A_668 = arith.mulf %get3A_440, %get3A_667 : vector<16xf32>
          %add3A_669 = arith.addf %add3A_663, %mul3A_668 : vector<16xf32>
          %add3A_670 = arith.constant 10 : i32
          %add3A_671 = arith.addi %add3A_544, %add3A_670 : i32
          %get3A_672 = arith.index_cast %add3A_671 : i32 to index
          %get3A_673 = arith.constant 0 : index
          %get3A_674 = tpu.vector_load %arg17[%get3A_672, %get3A_673] {strides = array<i32>} : memref<416x64xf32, #tpu.memory_space<vmem>>, vector<1x16xf32>,
          %get3A_675 = vector.shape_cast %get3A_674 : vector<1x16xf32> to vector<16xf32>
          %mul3A_676 = arith.mulf %get3A_428, %get3A_675 : vector<16xf32>
          %get3A_677 = arith.index_cast %add3A_671 : i32 to index
          %get3A_678 = arith.constant 16 : index
          %get3A_679 = tpu.vector_load %arg17[%get3A_677, %get3A_678] {strides = array<i32>} : memref<416x64xf32, #tpu.memory_space<vmem>>, vector<1x16xf32>,
          %get3A_680 = vector.shape_cast %get3A_679 : vector<1x16xf32> to vector<16xf32>
          %mul3A_681 = arith.mulf %get3A_432, %get3A_680 : vector<16xf32>
          %add3A_682 = arith.addf %mul3A_676, %mul3A_681 : vector<16xf32>
          %get3A_683 = arith.index_cast %add3A_671 : i32 to index
          %get3A_684 = arith.constant 32 : index
          %get3A_685 = tpu.vector_load %arg17[%get3A_683, %get3A_684] {strides = array<i32>} : memref<416x64xf32, #tpu.memory_space<vmem>>, vector<1x16xf32>,
          %get3A_686 = vector.shape_cast %get3A_685 : vector<1x16xf32> to vector<16xf32>
          %mul3A_687 = arith.mulf %get3A_436, %get3A_686 : vector<16xf32>
          %add3A_688 = arith.addf %add3A_682, %mul3A_687 : vector<16xf32>
          %get3A_689 = arith.index_cast %add3A_671 : i32 to index
          %get3A_690 = arith.constant 48 : index
          %get3A_691 = tpu.vector_load %arg17[%get3A_689, %get3A_690] {strides = array<i32>} : memref<416x64xf32, #tpu.memory_space<vmem>>, vector<1x16xf32>,
          %get3A_692 = vector.shape_cast %get3A_691 : vector<1x16xf32> to vector<16xf32>
          %mul3A_693 = arith.mulf %get3A_440, %get3A_692 : vector<16xf32>
          %add3A_694 = arith.addf %add3A_688, %mul3A_693 : vector<16xf32>
          %add3A_695 = arith.constant 6 : i32
          %add3A_696 = arith.addi %add3A_544, %add3A_695 : i32
          %get3A_697 = arith.index_cast %add3A_696 : i32 to index
          %get3A_698 = arith.constant 0 : index
          %get3A_699 = tpu.vector_load %arg17[%get3A_697, %get3A_698] {strides = array<i32>} : memref<416x64xf32, #tpu.memory_space<vmem>>, vector<1x16xf32>,
          %get3A_700 = vector.shape_cast %get3A_699 : vector<1x16xf32> to vector<16xf32>
          %mul3A_701 = arith.mulf %get3A_428, %get3A_700 : vector<16xf32>
          %get3A_702 = arith.index_cast %add3A_696 : i32 to index
          %get3A_703 = arith.constant 16 : index
          %get3A_704 = tpu.vector_load %arg17[%get3A_702, %get3A_703] {strides = array<i32>} : memref<416x64xf32, #tpu.memory_space<vmem>>, vector<1x16xf32>,
          %get3A_705 = vector.shape_cast %get3A_704 : vector<1x16xf32> to vector<16xf32>
          %mul3A_706 = arith.mulf %get3A_432, %get3A_705 : vector<16xf32>
          %add3A_707 = arith.addf %mul3A_701, %mul3A_706 : vector<16xf32>
          %get3A_708 = arith.index_cast %add3A_696 : i32 to index
          %get3A_709 = arith.constant 32 : index
          %get3A_710 = tpu.vector_load %arg17[%get3A_708, %get3A_709] {strides = array<i32>} : memref<416x64xf32, #tpu.memory_space<vmem>>, vector<1x16xf32>,
          %get3A_711 = vector.shape_cast %get3A_710 : vector<1x16xf32> to vector<16xf32>
          %mul3A_712 = arith.mulf %get3A_436, %get3A_711 : vector<16xf32>
          %add3A_713 = arith.addf %add3A_707, %mul3A_712 : vector<16xf32>
          %get3A_714 = arith.index_cast %add3A_696 : i32 to index
          %get3A_715 = arith.constant 48 : index
          %get3A_716 = tpu.vector_load %arg17[%get3A_714, %get3A_715] {strides = array<i32>} : memref<416x64xf32, #tpu.memory_space<vmem>>, vector<1x16xf32>,
          %get3A_717 = vector.shape_cast %get3A_716 : vector<1x16xf32> to vector<16xf32>
          %mul3A_718 = arith.mulf %get3A_440, %get3A_717 : vector<16xf32>
          %add3A_719 = arith.addf %add3A_713, %mul3A_718 : vector<16xf32>
          %add3A_720 = arith.constant 14 : i32
          %add3A_721 = arith.addi %add3A_544, %add3A_720 : i32
          %get3A_722 = arith.index_cast %add3A_721 : i32 to index
          %get3A_723 = arith.constant 0 : index
          %get3A_724 = tpu.vector_load %arg17[%get3A_722, %get3A_723] {strides = array<i32>} : memref<416x64xf32, #tpu.memory_space<vmem>>, vector<1x16xf32>,
          %get3A_725 = vector.shape_cast %get3A_724 : vector<1x16xf32> to vector<16xf32>
          %mul3A_726 = arith.mulf %get3A_428, %get3A_725 : vector<16xf32>
          %get3A_727 = arith.index_cast %add3A_721 : i32 to index
          %get3A_728 = arith.constant 16 : index
          %get3A_729 = tpu.vector_load %arg17[%get3A_727, %get3A_728] {strides = array<i32>} : memref<416x64xf32, #tpu.memory_space<vmem>>, vector<1x16xf32>,
          %get3A_730 = vector.shape_cast %get3A_729 : vector<1x16xf32> to vector<16xf32>
          %mul3A_731 = arith.mulf %get3A_432, %get3A_730 : vector<16xf32>
          %add3A_732 = arith.addf %mul3A_726, %mul3A_731 : vector<16xf32>
          %get3A_733 = arith.index_cast %add3A_721 : i32 to index
          %get3A_734 = arith.constant 32 : index
          %get3A_735 = tpu.vector_load %arg17[%get3A_733, %get3A_734] {strides = array<i32>} : memref<416x64xf32, #tpu.memory_space<vmem>>, vector<1x16xf32>,
          %get3A_736 = vector.shape_cast %get3A_735 : vector<1x16xf32> to vector<16xf32>
          %mul3A_737 = arith.mulf %get3A_436, %get3A_736 : vector<16xf32>
          %add3A_738 = arith.addf %add3A_732, %mul3A_737 : vector<16xf32>
          %get3A_739 = arith.index_cast %add3A_721 : i32 to index
          %get3A_740 = arith.constant 48 : index
          %get3A_741 = tpu.vector_load %arg17[%get3A_739, %get3A_740] {strides = array<i32>} : memref<416x64xf32, #tpu.memory_space<vmem>>, vector<1x16xf32>,
          %get3A_742 = vector.shape_cast %get3A_741 : vector<1x16xf32> to vector<16xf32>
          %mul3A_743 = arith.mulf %get3A_440, %get3A_742 : vector<16xf32>
          %add3A_744 = arith.addf %add3A_738, %mul3A_743 : vector<16xf32>
          %add3A_745 = arith.constant 1 : i32
          %add3A_746 = arith.addi %add3A_544, %add3A_745 : i32
          %get3A_747 = arith.index_cast %add3A_746 : i32 to index
          %get3A_748 = arith.constant 0 : index
          %get3A_749 = tpu.vector_load %arg17[%get3A_747, %get3A_748] {strides = array<i32>} : memref<416x64xf32, #tpu.memory_space<vmem>>, vector<1x16xf32>,
          %get3A_750 = vector.shape_cast %get3A_749 : vector<1x16xf32> to vector<16xf32>
          %mul3A_751 = arith.mulf %get3A_428, %get3A_750 : vector<16xf32>
          %get3A_752 = arith.index_cast %add3A_746 : i32 to index
          %get3A_753 = arith.constant 16 : index
          %get3A_754 = tpu.vector_load %arg17[%get3A_752, %get3A_753] {strides = array<i32>} : memref<416x64xf32, #tpu.memory_space<vmem>>, vector<1x16xf32>,
          %get3A_755 = vector.shape_cast %get3A_754 : vector<1x16xf32> to vector<16xf32>
          %mul3A_756 = arith.mulf %get3A_432, %get3A_755 : vector<16xf32>
          %add3A_757 = arith.addf %mul3A_751, %mul3A_756 : vector<16xf32>
          %get3A_758 = arith.index_cast %add3A_746 : i32 to index
          %get3A_759 = arith.constant 32 : index
          %get3A_760 = tpu.vector_load %arg17[%get3A_758, %get3A_759] {strides = array<i32>} : memref<416x64xf32, #tpu.memory_space<vmem>>, vector<1x16xf32>,
          %get3A_761 = vector.shape_cast %get3A_760 : vector<1x16xf32> to vector<16xf32>
          %mul3A_762 = arith.mulf %get3A_436, %get3A_761 : vector<16xf32>
          %add3A_763 = arith.addf %add3A_757, %mul3A_762 : vector<16xf32>
          %get3A_764 = arith.index_cast %add3A_746 : i32 to index
          %get3A_765 = arith.constant 48 : index
          %get3A_766 = tpu.vector_load %arg17[%get3A_764, %get3A_765] {strides = array<i32>} : memref<416x64xf32, #tpu.memory_space<vmem>>, vector<1x16xf32>,
          %get3A_767 = vector.shape_cast %get3A_766 : vector<1x16xf32> to vector<16xf32>
          %mul3A_768 = arith.mulf %get3A_440, %get3A_767 : vector<16xf32>
          %add3A_769 = arith.addf %add3A_763, %mul3A_768 : vector<16xf32>
          %add3A_770 = arith.constant 9 : i32
          %add3A_771 = arith.addi %add3A_544, %add3A_770 : i32
          %get3A_772 = arith.index_cast %add3A_771 : i32 to index
          %get3A_773 = arith.constant 0 : index
          %get3A_774 = tpu.vector_load %arg17[%get3A_772, %get3A_773] {strides = array<i32>} : memref<416x64xf32, #tpu.memory_space<vmem>>, vector<1x16xf32>,
          %get3A_775 = vector.shape_cast %get3A_774 : vector<1x16xf32> to vector<16xf32>
          %mul3A_776 = arith.mulf %get3A_428, %get3A_775 : vector<16xf32>
          %get3A_777 = arith.index_cast %add3A_771 : i32 to index
          %get3A_778 = arith.constant 16 : index
          %get3A_779 = tpu.vector_load %arg17[%get3A_777, %get3A_778] {strides = array<i32>} : memref<416x64xf32, #tpu.memory_space<vmem>>, vector<1x16xf32>,
          %get3A_780 = vector.shape_cast %get3A_779 : vector<1x16xf32> to vector<16xf32>
          %mul3A_781 = arith.mulf %get3A_432, %get3A_780 : vector<16xf32>
          %add3A_782 = arith.addf %mul3A_776, %mul3A_781 : vector<16xf32>
          %get3A_783 = arith.index_cast %add3A_771 : i32 to index
          %get3A_784 = arith.constant 32 : index
          %get3A_785 = tpu.vector_load %arg17[%get3A_783, %get3A_784] {strides = array<i32>} : memref<416x64xf32, #tpu.memory_space<vmem>>, vector<1x16xf32>,
          %get3A_786 = vector.shape_cast %get3A_785 : vector<1x16xf32> to vector<16xf32>
          %mul3A_787 = arith.mulf %get3A_436, %get3A_786 : vector<16xf32>
          %add3A_788 = arith.addf %add3A_782, %mul3A_787 : vector<16xf32>
          %get3A_789 = arith.index_cast %add3A_771 : i32 to index
          %get3A_790 = arith.constant 48 : index
          %get3A_791 = tpu.vector_load %arg17[%get3A_789, %get3A_790] {strides = array<i32>} : memref<416x64xf32, #tpu.memory_space<vmem>>, vector<1x16xf32>,
          %get3A_792 = vector.shape_cast %get3A_791 : vector<1x16xf32> to vector<16xf32>
          %mul3A_793 = arith.mulf %get3A_440, %get3A_792 : vector<16xf32>
          %add3A_794 = arith.addf %add3A_788, %mul3A_793 : vector<16xf32>
          %add3A_795 = arith.constant 5 : i32
          %add3A_796 = arith.addi %add3A_544, %add3A_795 : i32
          %get3A_797 = arith.index_cast %add3A_796 : i32 to index
          %get3A_798 = arith.constant 0 : index
          %get3A_799 = tpu.vector_load %arg17[%get3A_797, %get3A_798] {strides = array<i32>} : memref<416x64xf32, #tpu.memory_space<vmem>>, vector<1x16xf32>,
          %get3A_800 = vector.shape_cast %get3A_799 : vector<1x16xf32> to vector<16xf32>
          %mul3A_801 = arith.mulf %get3A_428, %get3A_800 : vector<16xf32>
          %get3A_802 = arith.index_cast %add3A_796 : i32 to index
          %get3A_803 = arith.constant 16 : index
          %get3A_804 = tpu.vector_load %arg17[%get3A_802, %get3A_803] {strides = array<i32>} : memref<416x64xf32, #tpu.memory_space<vmem>>, vector<1x16xf32>,
          %get3A_805 = vector.shape_cast %get3A_804 : vector<1x16xf32> to vector<16xf32>
          %mul3A_806 = arith.mulf %get3A_432, %get3A_805 : vector<16xf32>
          %add3A_807 = arith.addf %mul3A_801, %mul3A_806 : vector<16xf32>
          %get3A_808 = arith.index_cast %add3A_796 : i32 to index
          %get3A_809 = arith.constant 32 : index
          %get3A_810 = tpu.vector_load %arg17[%get3A_808, %get3A_809] {strides = array<i32>} : memref<416x64xf32, #tpu.memory_space<vmem>>, vector<1x16xf32>,
          %get3A_811 = vector.shape_cast %get3A_810 : vector<1x16xf32> to vector<16xf32>
          %mul3A_812 = arith.mulf %get3A_436, %get3A_811 : vector<16xf32>
          %add3A_813 = arith.addf %add3A_807, %mul3A_812 : vector<16xf32>
          %get3A_814 = arith.index_cast %add3A_796 : i32 to index
          %get3A_815 = arith.constant 48 : index
          %get3A_816 = tpu.vector_load %arg17[%get3A_814, %get3A_815] {strides = array<i32>} : memref<416x64xf32, #tpu.memory_space<vmem>>, vector<1x16xf32>,
          %get3A_817 = vector.shape_cast %get3A_816 : vector<1x16xf32> to vector<16xf32>
          %mul3A_818 = arith.mulf %get3A_440, %get3A_817 : vector<16xf32>
          %add3A_819 = arith.addf %add3A_813, %mul3A_818 : vector<16xf32>
          %add3A_820 = arith.constant 13 : i32
          %add3A_821 = arith.addi %add3A_544, %add3A_820 : i32
          %get3A_822 = arith.index_cast %add3A_821 : i32 to index
          %get3A_823 = arith.constant 0 : index
          %get3A_824 = tpu.vector_load %arg17[%get3A_822, %get3A_823] {strides = array<i32>} : memref<416x64xf32, #tpu.memory_space<vmem>>, vector<1x16xf32>,
          %get3A_825 = vector.shape_cast %get3A_824 : vector<1x16xf32> to vector<16xf32>
          %mul3A_826 = arith.mulf %get3A_428, %get3A_825 : vector<16xf32>
          %get3A_827 = arith.index_cast %add3A_821 : i32 to index
          %get3A_828 = arith.constant 16 : index
          %get3A_829 = tpu.vector_load %arg17[%get3A_827, %get3A_828] {strides = array<i32>} : memref<416x64xf32, #tpu.memory_space<vmem>>, vector<1x16xf32>,
          %get3A_830 = vector.shape_cast %get3A_829 : vector<1x16xf32> to vector<16xf32>
          %mul3A_831 = arith.mulf %get3A_432, %get3A_830 : vector<16xf32>
          %add3A_832 = arith.addf %mul3A_826, %mul3A_831 : vector<16xf32>
          %get3A_833 = arith.index_cast %add3A_821 : i32 to index
          %get3A_834 = arith.constant 32 : index
          %get3A_835 = tpu.vector_load %arg17[%get3A_833, %get3A_834] {strides = array<i32>} : memref<416x64xf32, #tpu.memory_space<vmem>>, vector<1x16xf32>,
          %get3A_836 = vector.shape_cast %get3A_835 : vector<1x16xf32> to vector<16xf32>
          %mul3A_837 = arith.mulf %get3A_436, %get3A_836 : vector<16xf32>
          %add3A_838 = arith.addf %add3A_832, %mul3A_837 : vector<16xf32>
          %get3A_839 = arith.index_cast %add3A_821 : i32 to index
          %get3A_840 = arith.constant 48 : index
          %get3A_841 = tpu.vector_load %arg17[%get3A_839, %get3A_840] {strides = array<i32>} : memref<416x64xf32, #tpu.memory_space<vmem>>, vector<1x16xf32>,
          %get3A_842 = vector.shape_cast %get3A_841 : vector<1x16xf32> to vector<16xf32>
          %mul3A_843 = arith.mulf %get3A_440, %get3A_842 : vector<16xf32>
          %add3A_844 = arith.addf %add3A_838, %mul3A_843 : vector<16xf32>
          %add3A_845 = arith.constant 3 : i32
          %add3A_846 = arith.addi %add3A_544, %add3A_845 : i32
          %get3A_847 = arith.index_cast %add3A_846 : i32 to index
          %get3A_848 = arith.constant 0 : index
          %get3A_849 = tpu.vector_load %arg17[%get3A_847, %get3A_848] {strides = array<i32>} : memref<416x64xf32, #tpu.memory_space<vmem>>, vector<1x16xf32>,
          %get3A_850 = vector.shape_cast %get3A_849 : vector<1x16xf32> to vector<16xf32>
          %mul3A_851 = arith.mulf %get3A_428, %get3A_850 : vector<16xf32>
          %get3A_852 = arith.index_cast %add3A_846 : i32 to index
          %get3A_853 = arith.constant 16 : index
          %get3A_854 = tpu.vector_load %arg17[%get3A_852, %get3A_853] {strides = array<i32>} : memref<416x64xf32, #tpu.memory_space<vmem>>, vector<1x16xf32>,
          %get3A_855 = vector.shape_cast %get3A_854 : vector<1x16xf32> to vector<16xf32>
          %mul3A_856 = arith.mulf %get3A_432, %get3A_855 : vector<16xf32>
          %add3A_857 = arith.addf %mul3A_851, %mul3A_856 : vector<16xf32>
          %get3A_858 = arith.index_cast %add3A_846 : i32 to index
          %get3A_859 = arith.constant 32 : index
          %get3A_860 = tpu.vector_load %arg17[%get3A_858, %get3A_859] {strides = array<i32>} : memref<416x64xf32, #tpu.memory_space<vmem>>, vector<1x16xf32>,
          %get3A_861 = vector.shape_cast %get3A_860 : vector<1x16xf32> to vector<16xf32>
          %mul3A_862 = arith.mulf %get3A_436, %get3A_861 : vector<16xf32>
          %add3A_863 = arith.addf %add3A_857, %mul3A_862 : vector<16xf32>
          %get3A_864 = arith.index_cast %add3A_846 : i32 to index
          %get3A_865 = arith.constant 48 : index
          %get3A_866 = tpu.vector_load %arg17[%get3A_864, %get3A_865] {strides = array<i32>} : memref<416x64xf32, #tpu.memory_space<vmem>>, vector<1x16xf32>,
          %get3A_867 = vector.shape_cast %get3A_866 : vector<1x16xf32> to vector<16xf32>
          %mul3A_868 = arith.mulf %get3A_440, %get3A_867 : vector<16xf32>
          %add3A_869 = arith.addf %add3A_863, %mul3A_868 : vector<16xf32>
          %add3A_870 = arith.constant 11 : i32
          %add3A_871 = arith.addi %add3A_544, %add3A_870 : i32
          %get3A_872 = arith.index_cast %add3A_871 : i32 to index
          %get3A_873 = arith.constant 0 : index
          %get3A_874 = tpu.vector_load %arg17[%get3A_872, %get3A_873] {strides = array<i32>} : memref<416x64xf32, #tpu.memory_space<vmem>>, vector<1x16xf32>,
          %get3A_875 = vector.shape_cast %get3A_874 : vector<1x16xf32> to vector<16xf32>
          %mul3A_876 = arith.mulf %get3A_428, %get3A_875 : vector<16xf32>
          %get3A_877 = arith.index_cast %add3A_871 : i32 to index
          %get3A_878 = arith.constant 16 : index
          %get3A_879 = tpu.vector_load %arg17[%get3A_877, %get3A_878] {strides = array<i32>} : memref<416x64xf32, #tpu.memory_space<vmem>>, vector<1x16xf32>,
          %get3A_880 = vector.shape_cast %get3A_879 : vector<1x16xf32> to vector<16xf32>
          %mul3A_881 = arith.mulf %get3A_432, %get3A_880 : vector<16xf32>
          %add3A_882 = arith.addf %mul3A_876, %mul3A_881 : vector<16xf32>
          %get3A_883 = arith.index_cast %add3A_871 : i32 to index
          %get3A_884 = arith.constant 32 : index
          %get3A_885 = tpu.vector_load %arg17[%get3A_883, %get3A_884] {strides = array<i32>} : memref<416x64xf32, #tpu.memory_space<vmem>>, vector<1x16xf32>,
          %get3A_886 = vector.shape_cast %get3A_885 : vector<1x16xf32> to vector<16xf32>
          %mul3A_887 = arith.mulf %get3A_436, %get3A_886 : vector<16xf32>
          %add3A_888 = arith.addf %add3A_882, %mul3A_887 : vector<16xf32>
          %get3A_889 = arith.index_cast %add3A_871 : i32 to index
          %get3A_890 = arith.constant 48 : index
          %get3A_891 = tpu.vector_load %arg17[%get3A_889, %get3A_890] {strides = array<i32>} : memref<416x64xf32, #tpu.memory_space<vmem>>, vector<1x16xf32>,
          %get3A_892 = vector.shape_cast %get3A_891 : vector<1x16xf32> to vector<16xf32>
          %mul3A_893 = arith.mulf %get3A_440, %get3A_892 : vector<16xf32>
          %add3A_894 = arith.addf %add3A_888, %mul3A_893 : vector<16xf32>
          %add3A_895 = arith.constant 7 : i32
          %add3A_896 = arith.addi %add3A_544, %add3A_895 : i32
          %get3A_897 = arith.index_cast %add3A_896 : i32 to index
          %get3A_898 = arith.constant 0 : index
          %get3A_899 = tpu.vector_load %arg17[%get3A_897, %get3A_898] {strides = array<i32>} : memref<416x64xf32, #tpu.memory_space<vmem>>, vector<1x16xf32>,
          %get3A_900 = vector.shape_cast %get3A_899 : vector<1x16xf32> to vector<16xf32>
          %mul3A_901 = arith.mulf %get3A_428, %get3A_900 : vector<16xf32>
          %get3A_902 = arith.index_cast %add3A_896 : i32 to index
          %get3A_903 = arith.constant 16 : index
          %get3A_904 = tpu.vector_load %arg17[%get3A_902, %get3A_903] {strides = array<i32>} : memref<416x64xf32, #tpu.memory_space<vmem>>, vector<1x16xf32>,
          %get3A_905 = vector.shape_cast %get3A_904 : vector<1x16xf32> to vector<16xf32>
          %mul3A_906 = arith.mulf %get3A_432, %get3A_905 : vector<16xf32>
          %add3A_907 = arith.addf %mul3A_901, %mul3A_906 : vector<16xf32>
          %get3A_908 = arith.index_cast %add3A_896 : i32 to index
          %get3A_909 = arith.constant 32 : index
          %get3A_910 = tpu.vector_load %arg17[%get3A_908, %get3A_909] {strides = array<i32>} : memref<416x64xf32, #tpu.memory_space<vmem>>, vector<1x16xf32>,
          %get3A_911 = vector.shape_cast %get3A_910 : vector<1x16xf32> to vector<16xf32>
          %mul3A_912 = arith.mulf %get3A_436, %get3A_911 : vector<16xf32>
          %add3A_913 = arith.addf %add3A_907, %mul3A_912 : vector<16xf32>
          %get3A_914 = arith.index_cast %add3A_896 : i32 to index
          %get3A_915 = arith.constant 48 : index
          %get3A_916 = tpu.vector_load %arg17[%get3A_914, %get3A_915] {strides = array<i32>} : memref<416x64xf32, #tpu.memory_space<vmem>>, vector<1x16xf32>,
          %get3A_917 = vector.shape_cast %get3A_916 : vector<1x16xf32> to vector<16xf32>
          %mul3A_918 = arith.mulf %get3A_440, %get3A_917 : vector<16xf32>
          %add3A_919 = arith.addf %add3A_913, %mul3A_918 : vector<16xf32>
          %add3A_920 = arith.constant 15 : i32
          %add3A_921 = arith.addi %add3A_544, %add3A_920 : i32
          %get3A_922 = arith.index_cast %add3A_921 : i32 to index
          %get3A_923 = arith.constant 0 : index
          %get3A_924 = tpu.vector_load %arg17[%get3A_922, %get3A_923] {strides = array<i32>} : memref<416x64xf32, #tpu.memory_space<vmem>>, vector<1x16xf32>,
          %get3A_925 = vector.shape_cast %get3A_924 : vector<1x16xf32> to vector<16xf32>
          %mul3A_926 = arith.mulf %get3A_428, %get3A_925 : vector<16xf32>
          %get3A_927 = arith.index_cast %add3A_921 : i32 to index
          %get3A_928 = arith.constant 16 : index
          %get3A_929 = tpu.vector_load %arg17[%get3A_927, %get3A_928] {strides = array<i32>} : memref<416x64xf32, #tpu.memory_space<vmem>>, vector<1x16xf32>,
          %get3A_930 = vector.shape_cast %get3A_929 : vector<1x16xf32> to vector<16xf32>
          %mul3A_931 = arith.mulf %get3A_432, %get3A_930 : vector<16xf32>
          %add3A_932 = arith.addf %mul3A_926, %mul3A_931 : vector<16xf32>
          %get3A_933 = arith.index_cast %add3A_921 : i32 to index
          %get3A_934 = arith.constant 32 : index
          %get3A_935 = tpu.vector_load %arg17[%get3A_933, %get3A_934] {strides = array<i32>} : memref<416x64xf32, #tpu.memory_space<vmem>>, vector<1x16xf32>,
          %get3A_936 = vector.shape_cast %get3A_935 : vector<1x16xf32> to vector<16xf32>
          %mul3A_937 = arith.mulf %get3A_436, %get3A_936 : vector<16xf32>
          %add3A_938 = arith.addf %add3A_932, %mul3A_937 : vector<16xf32>
          %get3A_939 = arith.index_cast %add3A_921 : i32 to index
          %get3A_940 = arith.constant 48 : index
          %get3A_941 = tpu.vector_load %arg17[%get3A_939, %get3A_940] {strides = array<i32>} : memref<416x64xf32, #tpu.memory_space<vmem>>, vector<1x16xf32>,
          %get3A_942 = vector.shape_cast %get3A_941 : vector<1x16xf32> to vector<16xf32>
          %mul3A_943 = arith.mulf %get3A_440, %get3A_942 : vector<16xf32>
          %add3A_944 = arith.addf %add3A_938, %mul3A_943 : vector<16xf32>
          %iota3A_945 = tpu.iota {dimensions = array<i32: 0>} : vector<16xi32>
          %and3A = arith.constant 8 : i32
          %and3A_946 = vector.broadcast %and3A : i32 to vector<16xi32>
          %and3A_947 = arith.andi %iota3A_945, %and3A_946 : vector<16xi32>
          %eq3A_948 = arith.constant 0 : i32
          %eq3A_949 = vector.broadcast %eq3A_948 : i32 to vector<16xi32>
          %eq3A_950 = arith.cmpi eq, %and3A_947, %eq3A_949 : vector<16xi32>
          %iota3A_951 = tpu.iota {dimensions = array<i32: 0>} : vector<16xi32>
          %xor3A_952 = arith.constant 8 : i32
          %xor3A_953 = vector.broadcast %xor3A_952 : i32 to vector<16xi32>
          %xor3A_954 = arith.xori %iota3A_951, %xor3A_953 : vector<16xi32>
          %broadcast_in_dim3A_955 = vector.shape_cast %xor3A_954 : vector<16xi32> to vector<16x1xi32>
          %gather3A_956 = vector.shape_cast %broadcast_in_dim3A_955 : vector<16x1xi32> to vector<16xi32>
          %gather3A_957 = tpu.dynamic_gather %add3A_594[%gather3A_956] in [0] : vector<16xf32>, vector<16xi32> -> vector<16xf32>
          %select_n3A_958 = arith.select %eq3A_950, %add3A_569, %gather3A_957 : vector<16xi1>, vector<16xf32>
          %iota3A_959 = tpu.iota {dimensions = array<i32: 0>} : vector<16xi32>
          %xor3A_960 = arith.constant 8 : i32
          %xor3A_961 = vector.broadcast %xor3A_960 : i32 to vector<16xi32>
          %xor3A_962 = arith.xori %iota3A_959, %xor3A_961 : vector<16xi32>
          %broadcast_in_dim3A_963 = vector.shape_cast %xor3A_962 : vector<16xi32> to vector<16x1xi32>
          %gather3A_964 = vector.shape_cast %broadcast_in_dim3A_963 : vector<16x1xi32> to vector<16xi32>
          %gather3A_965 = tpu.dynamic_gather %add3A_569[%gather3A_964] in [0] : vector<16xf32>, vector<16xi32> -> vector<16xf32>
          %select_n3A_966 = arith.select %eq3A_950, %gather3A_965, %add3A_594 : vector<16xi1>, vector<16xf32>
          %add3A_967 = arith.addf %select_n3A_958, %select_n3A_966 : vector<16xf32>
          %iota3A_968 = tpu.iota {dimensions = array<i32: 0>} : vector<16xi32>
          %xor3A_969 = arith.constant 8 : i32
          %xor3A_970 = vector.broadcast %xor3A_969 : i32 to vector<16xi32>
          %xor3A_971 = arith.xori %iota3A_968, %xor3A_970 : vector<16xi32>
          %broadcast_in_dim3A_972 = vector.shape_cast %xor3A_971 : vector<16xi32> to vector<16x1xi32>
          %gather3A_973 = vector.shape_cast %broadcast_in_dim3A_972 : vector<16x1xi32> to vector<16xi32>
          %gather3A_974 = tpu.dynamic_gather %add3A_644[%gather3A_973] in [0] : vector<16xf32>, vector<16xi32> -> vector<16xf32>
          %select_n3A_975 = arith.select %eq3A_950, %add3A_619, %gather3A_974 : vector<16xi1>, vector<16xf32>
          %iota3A_976 = tpu.iota {dimensions = array<i32: 0>} : vector<16xi32>
          %xor3A_977 = arith.constant 8 : i32
          %xor3A_978 = vector.broadcast %xor3A_977 : i32 to vector<16xi32>
          %xor3A_979 = arith.xori %iota3A_976, %xor3A_978 : vector<16xi32>
          %broadcast_in_dim3A_980 = vector.shape_cast %xor3A_979 : vector<16xi32> to vector<16x1xi32>
          %gather3A_981 = vector.shape_cast %broadcast_in_dim3A_980 : vector<16x1xi32> to vector<16xi32>
          %gather3A_982 = tpu.dynamic_gather %add3A_619[%gather3A_981] in [0] : vector<16xf32>, vector<16xi32> -> vector<16xf32>
          %select_n3A_983 = arith.select %eq3A_950, %gather3A_982, %add3A_644 : vector<16xi1>, vector<16xf32>
          %add3A_984 = arith.addf %select_n3A_975, %select_n3A_983 : vector<16xf32>
          %iota3A_985 = tpu.iota {dimensions = array<i32: 0>} : vector<16xi32>
          %xor3A_986 = arith.constant 8 : i32
          %xor3A_987 = vector.broadcast %xor3A_986 : i32 to vector<16xi32>
          %xor3A_988 = arith.xori %iota3A_985, %xor3A_987 : vector<16xi32>
          %broadcast_in_dim3A_989 = vector.shape_cast %xor3A_988 : vector<16xi32> to vector<16x1xi32>
          %gather3A_990 = vector.shape_cast %broadcast_in_dim3A_989 : vector<16x1xi32> to vector<16xi32>
          %gather3A_991 = tpu.dynamic_gather %add3A_694[%gather3A_990] in [0] : vector<16xf32>, vector<16xi32> -> vector<16xf32>
          %select_n3A_992 = arith.select %eq3A_950, %add3A_669, %gather3A_991 : vector<16xi1>, vector<16xf32>
          %iota3A_993 = tpu.iota {dimensions = array<i32: 0>} : vector<16xi32>
          %xor3A_994 = arith.constant 8 : i32
          %xor3A_995 = vector.broadcast %xor3A_994 : i32 to vector<16xi32>
          %xor3A_996 = arith.xori %iota3A_993, %xor3A_995 : vector<16xi32>
          %broadcast_in_dim3A_997 = vector.shape_cast %xor3A_996 : vector<16xi32> to vector<16x1xi32>
          %gather3A_998 = vector.shape_cast %broadcast_in_dim3A_997 : vector<16x1xi32> to vector<16xi32>
          %gather3A_999 = tpu.dynamic_gather %add3A_669[%gather3A_998] in [0] : vector<16xf32>, vector<16xi32> -> vector<16xf32>
          %select_n3A_1000 = arith.select %eq3A_950, %gather3A_999, %add3A_694 : vector<16xi1>, vector<16xf32>
          %add3A_1001 = arith.addf %select_n3A_992, %select_n3A_1000 : vector<16xf32>
          %iota3A_1002 = tpu.iota {dimensions = array<i32: 0>} : vector<16xi32>
          %xor3A_1003 = arith.constant 8 : i32
          %xor3A_1004 = vector.broadcast %xor3A_1003 : i32 to vector<16xi32>
          %xor3A_1005 = arith.xori %iota3A_1002, %xor3A_1004 : vector<16xi32>
          %broadcast_in_dim3A_1006 = vector.shape_cast %xor3A_1005 : vector<16xi32> to vector<16x1xi32>
          %gather3A_1007 = vector.shape_cast %broadcast_in_dim3A_1006 : vector<16x1xi32> to vector<16xi32>
          %gather3A_1008 = tpu.dynamic_gather %add3A_744[%gather3A_1007] in [0] : vector<16xf32>, vector<16xi32> -> vector<16xf32>
          %select_n3A_1009 = arith.select %eq3A_950, %add3A_719, %gather3A_1008 : vector<16xi1>, vector<16xf32>
          %iota3A_1010 = tpu.iota {dimensions = array<i32: 0>} : vector<16xi32>
          %xor3A_1011 = arith.constant 8 : i32
          %xor3A_1012 = vector.broadcast %xor3A_1011 : i32 to vector<16xi32>
          %xor3A_1013 = arith.xori %iota3A_1010, %xor3A_1012 : vector<16xi32>
          %broadcast_in_dim3A_1014 = vector.shape_cast %xor3A_1013 : vector<16xi32> to vector<16x1xi32>
          %gather3A_1015 = vector.shape_cast %broadcast_in_dim3A_1014 : vector<16x1xi32> to vector<16xi32>
          %gather3A_1016 = tpu.dynamic_gather %add3A_719[%gather3A_1015] in [0] : vector<16xf32>, vector<16xi32> -> vector<16xf32>
          %select_n3A_1017 = arith.select %eq3A_950, %gather3A_1016, %add3A_744 : vector<16xi1>, vector<16xf32>
          %add3A_1018 = arith.addf %select_n3A_1009, %select_n3A_1017 : vector<16xf32>
          %iota3A_1019 = tpu.iota {dimensions = array<i32: 0>} : vector<16xi32>
          %xor3A_1020 = arith.constant 8 : i32
          %xor3A_1021 = vector.broadcast %xor3A_1020 : i32 to vector<16xi32>
          %xor3A_1022 = arith.xori %iota3A_1019, %xor3A_1021 : vector<16xi32>
          %broadcast_in_dim3A_1023 = vector.shape_cast %xor3A_1022 : vector<16xi32> to vector<16x1xi32>
          %gather3A_1024 = vector.shape_cast %broadcast_in_dim3A_1023 : vector<16x1xi32> to vector<16xi32>
          %gather3A_1025 = tpu.dynamic_gather %add3A_794[%gather3A_1024] in [0] : vector<16xf32>, vector<16xi32> -> vector<16xf32>
          %select_n3A_1026 = arith.select %eq3A_950, %add3A_769, %gather3A_1025 : vector<16xi1>, vector<16xf32>
          %iota3A_1027 = tpu.iota {dimensions = array<i32: 0>} : vector<16xi32>
          %xor3A_1028 = arith.constant 8 : i32
          %xor3A_1029 = vector.broadcast %xor3A_1028 : i32 to vector<16xi32>
          %xor3A_1030 = arith.xori %iota3A_1027, %xor3A_1029 : vector<16xi32>
          %broadcast_in_dim3A_1031 = vector.shape_cast %xor3A_1030 : vector<16xi32> to vector<16x1xi32>
          %gather3A_1032 = vector.shape_cast %broadcast_in_dim3A_1031 : vector<16x1xi32> to vector<16xi32>
          %gather3A_1033 = tpu.dynamic_gather %add3A_769[%gather3A_1032] in [0] : vector<16xf32>, vector<16xi32> -> vector<16xf32>
          %select_n3A_1034 = arith.select %eq3A_950, %gather3A_1033, %add3A_794 : vector<16xi1>, vector<16xf32>
          %add3A_1035 = arith.addf %select_n3A_1026, %select_n3A_1034 : vector<16xf32>
          %iota3A_1036 = tpu.iota {dimensions = array<i32: 0>} : vector<16xi32>
          %xor3A_1037 = arith.constant 8 : i32
          %xor3A_1038 = vector.broadcast %xor3A_1037 : i32 to vector<16xi32>
          %xor3A_1039 = arith.xori %iota3A_1036, %xor3A_1038 : vector<16xi32>
          %broadcast_in_dim3A_1040 = vector.shape_cast %xor3A_1039 : vector<16xi32> to vector<16x1xi32>
          %gather3A_1041 = vector.shape_cast %broadcast_in_dim3A_1040 : vector<16x1xi32> to vector<16xi32>
          %gather3A_1042 = tpu.dynamic_gather %add3A_844[%gather3A_1041] in [0] : vector<16xf32>, vector<16xi32> -> vector<16xf32>
          %select_n3A_1043 = arith.select %eq3A_950, %add3A_819, %gather3A_1042 : vector<16xi1>, vector<16xf32>
          %iota3A_1044 = tpu.iota {dimensions = array<i32: 0>} : vector<16xi32>
          %xor3A_1045 = arith.constant 8 : i32
          %xor3A_1046 = vector.broadcast %xor3A_1045 : i32 to vector<16xi32>
          %xor3A_1047 = arith.xori %iota3A_1044, %xor3A_1046 : vector<16xi32>
          %broadcast_in_dim3A_1048 = vector.shape_cast %xor3A_1047 : vector<16xi32> to vector<16x1xi32>
          %gather3A_1049 = vector.shape_cast %broadcast_in_dim3A_1048 : vector<16x1xi32> to vector<16xi32>
          %gather3A_1050 = tpu.dynamic_gather %add3A_819[%gather3A_1049] in [0] : vector<16xf32>, vector<16xi32> -> vector<16xf32>
          %select_n3A_1051 = arith.select %eq3A_950, %gather3A_1050, %add3A_844 : vector<16xi1>, vector<16xf32>
          %add3A_1052 = arith.addf %select_n3A_1043, %select_n3A_1051 : vector<16xf32>
          %iota3A_1053 = tpu.iota {dimensions = array<i32: 0>} : vector<16xi32>
          %xor3A_1054 = arith.constant 8 : i32
          %xor3A_1055 = vector.broadcast %xor3A_1054 : i32 to vector<16xi32>
          %xor3A_1056 = arith.xori %iota3A_1053, %xor3A_1055 : vector<16xi32>
          %broadcast_in_dim3A_1057 = vector.shape_cast %xor3A_1056 : vector<16xi32> to vector<16x1xi32>
          %gather3A_1058 = vector.shape_cast %broadcast_in_dim3A_1057 : vector<16x1xi32> to vector<16xi32>
          %gather3A_1059 = tpu.dynamic_gather %add3A_894[%gather3A_1058] in [0] : vector<16xf32>, vector<16xi32> -> vector<16xf32>
          %select_n3A_1060 = arith.select %eq3A_950, %add3A_869, %gather3A_1059 : vector<16xi1>, vector<16xf32>
          %iota3A_1061 = tpu.iota {dimensions = array<i32: 0>} : vector<16xi32>
          %xor3A_1062 = arith.constant 8 : i32
          %xor3A_1063 = vector.broadcast %xor3A_1062 : i32 to vector<16xi32>
          %xor3A_1064 = arith.xori %iota3A_1061, %xor3A_1063 : vector<16xi32>
          %broadcast_in_dim3A_1065 = vector.shape_cast %xor3A_1064 : vector<16xi32> to vector<16x1xi32>
          %gather3A_1066 = vector.shape_cast %broadcast_in_dim3A_1065 : vector<16x1xi32> to vector<16xi32>
          %gather3A_1067 = tpu.dynamic_gather %add3A_869[%gather3A_1066] in [0] : vector<16xf32>, vector<16xi32> -> vector<16xf32>
          %select_n3A_1068 = arith.select %eq3A_950, %gather3A_1067, %add3A_894 : vector<16xi1>, vector<16xf32>
          %add3A_1069 = arith.addf %select_n3A_1060, %select_n3A_1068 : vector<16xf32>
          %iota3A_1070 = tpu.iota {dimensions = array<i32: 0>} : vector<16xi32>
          %xor3A_1071 = arith.constant 8 : i32
          %xor3A_1072 = vector.broadcast %xor3A_1071 : i32 to vector<16xi32>
          %xor3A_1073 = arith.xori %iota3A_1070, %xor3A_1072 : vector<16xi32>
          %broadcast_in_dim3A_1074 = vector.shape_cast %xor3A_1073 : vector<16xi32> to vector<16x1xi32>
          %gather3A_1075 = vector.shape_cast %broadcast_in_dim3A_1074 : vector<16x1xi32> to vector<16xi32>
          %gather3A_1076 = tpu.dynamic_gather %add3A_944[%gather3A_1075] in [0] : vector<16xf32>, vector<16xi32> -> vector<16xf32>
          %select_n3A_1077 = arith.select %eq3A_950, %add3A_919, %gather3A_1076 : vector<16xi1>, vector<16xf32>
          %iota3A_1078 = tpu.iota {dimensions = array<i32: 0>} : vector<16xi32>
          %xor3A_1079 = arith.constant 8 : i32
          %xor3A_1080 = vector.broadcast %xor3A_1079 : i32 to vector<16xi32>
          %xor3A_1081 = arith.xori %iota3A_1078, %xor3A_1080 : vector<16xi32>
          %broadcast_in_dim3A_1082 = vector.shape_cast %xor3A_1081 : vector<16xi32> to vector<16x1xi32>
          %gather3A_1083 = vector.shape_cast %broadcast_in_dim3A_1082 : vector<16x1xi32> to vector<16xi32>
          %gather3A_1084 = tpu.dynamic_gather %add3A_919[%gather3A_1083] in [0] : vector<16xf32>, vector<16xi32> -> vector<16xf32>
          %select_n3A_1085 = arith.select %eq3A_950, %gather3A_1084, %add3A_944 : vector<16xi1>, vector<16xf32>
          %add3A_1086 = arith.addf %select_n3A_1077, %select_n3A_1085 : vector<16xf32>
          %and3A_1087 = arith.constant 4 : i32
          %and3A_1088 = vector.broadcast %and3A_1087 : i32 to vector<16xi32>
          %and3A_1089 = arith.andi %iota3A_945, %and3A_1088 : vector<16xi32>
          %eq3A_1090 = arith.constant 0 : i32
          %eq3A_1091 = vector.broadcast %eq3A_1090 : i32 to vector<16xi32>
          %eq3A_1092 = arith.cmpi eq, %and3A_1089, %eq3A_1091 : vector<16xi32>
          %iota3A_1093 = tpu.iota {dimensions = array<i32: 0>} : vector<16xi32>
          %xor3A_1094 = arith.constant 4 : i32
          %xor3A_1095 = vector.broadcast %xor3A_1094 : i32 to vector<16xi32>
          %xor3A_1096 = arith.xori %iota3A_1093, %xor3A_1095 : vector<16xi32>
          %broadcast_in_dim3A_1097 = vector.shape_cast %xor3A_1096 : vector<16xi32> to vector<16x1xi32>
          %gather3A_1098 = vector.shape_cast %broadcast_in_dim3A_1097 : vector<16x1xi32> to vector<16xi32>
          %gather3A_1099 = tpu.dynamic_gather %add3A_984[%gather3A_1098] in [0] : vector<16xf32>, vector<16xi32> -> vector<16xf32>
          %select_n3A_1100 = arith.select %eq3A_1092, %add3A_967, %gather3A_1099 : vector<16xi1>, vector<16xf32>
          %iota3A_1101 = tpu.iota {dimensions = array<i32: 0>} : vector<16xi32>
          %xor3A_1102 = arith.constant 4 : i32
          %xor3A_1103 = vector.broadcast %xor3A_1102 : i32 to vector<16xi32>
          %xor3A_1104 = arith.xori %iota3A_1101, %xor3A_1103 : vector<16xi32>
          %broadcast_in_dim3A_1105 = vector.shape_cast %xor3A_1104 : vector<16xi32> to vector<16x1xi32>
          %gather3A_1106 = vector.shape_cast %broadcast_in_dim3A_1105 : vector<16x1xi32> to vector<16xi32>
          %gather3A_1107 = tpu.dynamic_gather %add3A_967[%gather3A_1106] in [0] : vector<16xf32>, vector<16xi32> -> vector<16xf32>
          %select_n3A_1108 = arith.select %eq3A_1092, %gather3A_1107, %add3A_984 : vector<16xi1>, vector<16xf32>
          %add3A_1109 = arith.addf %select_n3A_1100, %select_n3A_1108 : vector<16xf32>
          %iota3A_1110 = tpu.iota {dimensions = array<i32: 0>} : vector<16xi32>
          %xor3A_1111 = arith.constant 4 : i32
          %xor3A_1112 = vector.broadcast %xor3A_1111 : i32 to vector<16xi32>
          %xor3A_1113 = arith.xori %iota3A_1110, %xor3A_1112 : vector<16xi32>
          %broadcast_in_dim3A_1114 = vector.shape_cast %xor3A_1113 : vector<16xi32> to vector<16x1xi32>
          %gather3A_1115 = vector.shape_cast %broadcast_in_dim3A_1114 : vector<16x1xi32> to vector<16xi32>
          %gather3A_1116 = tpu.dynamic_gather %add3A_1018[%gather3A_1115] in [0] : vector<16xf32>, vector<16xi32> -> vector<16xf32>
          %select_n3A_1117 = arith.select %eq3A_1092, %add3A_1001, %gather3A_1116 : vector<16xi1>, vector<16xf32>
          %iota3A_1118 = tpu.iota {dimensions = array<i32: 0>} : vector<16xi32>
          %xor3A_1119 = arith.constant 4 : i32
          %xor3A_1120 = vector.broadcast %xor3A_1119 : i32 to vector<16xi32>
          %xor3A_1121 = arith.xori %iota3A_1118, %xor3A_1120 : vector<16xi32>
          %broadcast_in_dim3A_1122 = vector.shape_cast %xor3A_1121 : vector<16xi32> to vector<16x1xi32>
          %gather3A_1123 = vector.shape_cast %broadcast_in_dim3A_1122 : vector<16x1xi32> to vector<16xi32>
          %gather3A_1124 = tpu.dynamic_gather %add3A_1001[%gather3A_1123] in [0] : vector<16xf32>, vector<16xi32> -> vector<16xf32>
          %select_n3A_1125 = arith.select %eq3A_1092, %gather3A_1124, %add3A_1018 : vector<16xi1>, vector<16xf32>
          %add3A_1126 = arith.addf %select_n3A_1117, %select_n3A_1125 : vector<16xf32>
          %iota3A_1127 = tpu.iota {dimensions = array<i32: 0>} : vector<16xi32>
          %xor3A_1128 = arith.constant 4 : i32
          %xor3A_1129 = vector.broadcast %xor3A_1128 : i32 to vector<16xi32>
          %xor3A_1130 = arith.xori %iota3A_1127, %xor3A_1129 : vector<16xi32>
          %broadcast_in_dim3A_1131 = vector.shape_cast %xor3A_1130 : vector<16xi32> to vector<16x1xi32>
          %gather3A_1132 = vector.shape_cast %broadcast_in_dim3A_1131 : vector<16x1xi32> to vector<16xi32>
          %gather3A_1133 = tpu.dynamic_gather %add3A_1052[%gather3A_1132] in [0] : vector<16xf32>, vector<16xi32> -> vector<16xf32>
          %select_n3A_1134 = arith.select %eq3A_1092, %add3A_1035, %gather3A_1133 : vector<16xi1>, vector<16xf32>
          %iota3A_1135 = tpu.iota {dimensions = array<i32: 0>} : vector<16xi32>
          %xor3A_1136 = arith.constant 4 : i32
          %xor3A_1137 = vector.broadcast %xor3A_1136 : i32 to vector<16xi32>
          %xor3A_1138 = arith.xori %iota3A_1135, %xor3A_1137 : vector<16xi32>
          %broadcast_in_dim3A_1139 = vector.shape_cast %xor3A_1138 : vector<16xi32> to vector<16x1xi32>
          %gather3A_1140 = vector.shape_cast %broadcast_in_dim3A_1139 : vector<16x1xi32> to vector<16xi32>
          %gather3A_1141 = tpu.dynamic_gather %add3A_1035[%gather3A_1140] in [0] : vector<16xf32>, vector<16xi32> -> vector<16xf32>
          %select_n3A_1142 = arith.select %eq3A_1092, %gather3A_1141, %add3A_1052 : vector<16xi1>, vector<16xf32>
          %add3A_1143 = arith.addf %select_n3A_1134, %select_n3A_1142 : vector<16xf32>
          %iota3A_1144 = tpu.iota {dimensions = array<i32: 0>} : vector<16xi32>
          %xor3A_1145 = arith.constant 4 : i32
          %xor3A_1146 = vector.broadcast %xor3A_1145 : i32 to vector<16xi32>
          %xor3A_1147 = arith.xori %iota3A_1144, %xor3A_1146 : vector<16xi32>
          %broadcast_in_dim3A_1148 = vector.shape_cast %xor3A_1147 : vector<16xi32> to vector<16x1xi32>
          %gather3A_1149 = vector.shape_cast %broadcast_in_dim3A_1148 : vector<16x1xi32> to vector<16xi32>
          %gather3A_1150 = tpu.dynamic_gather %add3A_1086[%gather3A_1149] in [0] : vector<16xf32>, vector<16xi32> -> vector<16xf32>
          %select_n3A_1151 = arith.select %eq3A_1092, %add3A_1069, %gather3A_1150 : vector<16xi1>, vector<16xf32>
          %iota3A_1152 = tpu.iota {dimensions = array<i32: 0>} : vector<16xi32>
          %xor3A_1153 = arith.constant 4 : i32
          %xor3A_1154 = vector.broadcast %xor3A_1153 : i32 to vector<16xi32>
          %xor3A_1155 = arith.xori %iota3A_1152, %xor3A_1154 : vector<16xi32>
          %broadcast_in_dim3A_1156 = vector.shape_cast %xor3A_1155 : vector<16xi32> to vector<16x1xi32>
          %gather3A_1157 = vector.shape_cast %broadcast_in_dim3A_1156 : vector<16x1xi32> to vector<16xi32>
          %gather3A_1158 = tpu.dynamic_gather %add3A_1069[%gather3A_1157] in [0] : vector<16xf32>, vector<16xi32> -> vector<16xf32>
          %select_n3A_1159 = arith.select %eq3A_1092, %gather3A_1158, %add3A_1086 : vector<16xi1>, vector<16xf32>
          %add3A_1160 = arith.addf %select_n3A_1151, %select_n3A_1159 : vector<16xf32>
          %and3A_1161 = arith.constant 2 : i32
          %and3A_1162 = vector.broadcast %and3A_1161 : i32 to vector<16xi32>
          %and3A_1163 = arith.andi %iota3A_945, %and3A_1162 : vector<16xi32>
          %eq3A_1164 = arith.constant 0 : i32
          %eq3A_1165 = vector.broadcast %eq3A_1164 : i32 to vector<16xi32>
          %eq3A_1166 = arith.cmpi eq, %and3A_1163, %eq3A_1165 : vector<16xi32>
          %iota3A_1167 = tpu.iota {dimensions = array<i32: 0>} : vector<16xi32>
          %xor3A_1168 = arith.constant 2 : i32
          %xor3A_1169 = vector.broadcast %xor3A_1168 : i32 to vector<16xi32>
          %xor3A_1170 = arith.xori %iota3A_1167, %xor3A_1169 : vector<16xi32>
          %broadcast_in_dim3A_1171 = vector.shape_cast %xor3A_1170 : vector<16xi32> to vector<16x1xi32>
          %gather3A_1172 = vector.shape_cast %broadcast_in_dim3A_1171 : vector<16x1xi32> to vector<16xi32>
          %gather3A_1173 = tpu.dynamic_gather %add3A_1126[%gather3A_1172] in [0] : vector<16xf32>, vector<16xi32> -> vector<16xf32>
          %select_n3A_1174 = arith.select %eq3A_1166, %add3A_1109, %gather3A_1173 : vector<16xi1>, vector<16xf32>
          %iota3A_1175 = tpu.iota {dimensions = array<i32: 0>} : vector<16xi32>
          %xor3A_1176 = arith.constant 2 : i32
          %xor3A_1177 = vector.broadcast %xor3A_1176 : i32 to vector<16xi32>
          %xor3A_1178 = arith.xori %iota3A_1175, %xor3A_1177 : vector<16xi32>
          %broadcast_in_dim3A_1179 = vector.shape_cast %xor3A_1178 : vector<16xi32> to vector<16x1xi32>
          %gather3A_1180 = vector.shape_cast %broadcast_in_dim3A_1179 : vector<16x1xi32> to vector<16xi32>
          %gather3A_1181 = tpu.dynamic_gather %add3A_1109[%gather3A_1180] in [0] : vector<16xf32>, vector<16xi32> -> vector<16xf32>
          %select_n3A_1182 = arith.select %eq3A_1166, %gather3A_1181, %add3A_1126 : vector<16xi1>, vector<16xf32>
          %add3A_1183 = arith.addf %select_n3A_1174, %select_n3A_1182 : vector<16xf32>
          %iota3A_1184 = tpu.iota {dimensions = array<i32: 0>} : vector<16xi32>
          %xor3A_1185 = arith.constant 2 : i32
          %xor3A_1186 = vector.broadcast %xor3A_1185 : i32 to vector<16xi32>
          %xor3A_1187 = arith.xori %iota3A_1184, %xor3A_1186 : vector<16xi32>
          %broadcast_in_dim3A_1188 = vector.shape_cast %xor3A_1187 : vector<16xi32> to vector<16x1xi32>
          %gather3A_1189 = vector.shape_cast %broadcast_in_dim3A_1188 : vector<16x1xi32> to vector<16xi32>
          %gather3A_1190 = tpu.dynamic_gather %add3A_1160[%gather3A_1189] in [0] : vector<16xf32>, vector<16xi32> -> vector<16xf32>
          %select_n3A_1191 = arith.select %eq3A_1166, %add3A_1143, %gather3A_1190 : vector<16xi1>, vector<16xf32>
          %iota3A_1192 = tpu.iota {dimensions = array<i32: 0>} : vector<16xi32>
          %xor3A_1193 = arith.constant 2 : i32
          %xor3A_1194 = vector.broadcast %xor3A_1193 : i32 to vector<16xi32>
          %xor3A_1195 = arith.xori %iota3A_1192, %xor3A_1194 : vector<16xi32>
          %broadcast_in_dim3A_1196 = vector.shape_cast %xor3A_1195 : vector<16xi32> to vector<16x1xi32>
          %gather3A_1197 = vector.shape_cast %broadcast_in_dim3A_1196 : vector<16x1xi32> to vector<16xi32>
          %gather3A_1198 = tpu.dynamic_gather %add3A_1143[%gather3A_1197] in [0] : vector<16xf32>, vector<16xi32> -> vector<16xf32>
          %select_n3A_1199 = arith.select %eq3A_1166, %gather3A_1198, %add3A_1160 : vector<16xi1>, vector<16xf32>
          %add3A_1200 = arith.addf %select_n3A_1191, %select_n3A_1199 : vector<16xf32>
          %and3A_1201 = arith.constant 1 : i32
          %and3A_1202 = vector.broadcast %and3A_1201 : i32 to vector<16xi32>
          %and3A_1203 = arith.andi %iota3A_945, %and3A_1202 : vector<16xi32>
          %eq3A_1204 = arith.constant 0 : i32
          %eq3A_1205 = vector.broadcast %eq3A_1204 : i32 to vector<16xi32>
          %eq3A_1206 = arith.cmpi eq, %and3A_1203, %eq3A_1205 : vector<16xi32>
          %iota3A_1207 = tpu.iota {dimensions = array<i32: 0>} : vector<16xi32>
          %xor3A_1208 = arith.constant 1 : i32
          %xor3A_1209 = vector.broadcast %xor3A_1208 : i32 to vector<16xi32>
          %xor3A_1210 = arith.xori %iota3A_1207, %xor3A_1209 : vector<16xi32>
          %broadcast_in_dim3A_1211 = vector.shape_cast %xor3A_1210 : vector<16xi32> to vector<16x1xi32>
          %gather3A_1212 = vector.shape_cast %broadcast_in_dim3A_1211 : vector<16x1xi32> to vector<16xi32>
          %gather3A_1213 = tpu.dynamic_gather %add3A_1200[%gather3A_1212] in [0] : vector<16xf32>, vector<16xi32> -> vector<16xf32>
          %select_n3A_1214 = arith.select %eq3A_1206, %add3A_1183, %gather3A_1213 : vector<16xi1>, vector<16xf32>
          %iota3A_1215 = tpu.iota {dimensions = array<i32: 0>} : vector<16xi32>
          %xor3A_1216 = arith.constant 1 : i32
          %xor3A_1217 = vector.broadcast %xor3A_1216 : i32 to vector<16xi32>
          %xor3A_1218 = arith.xori %iota3A_1215, %xor3A_1217 : vector<16xi32>
          %broadcast_in_dim3A_1219 = vector.shape_cast %xor3A_1218 : vector<16xi32> to vector<16x1xi32>
          %gather3A_1220 = vector.shape_cast %broadcast_in_dim3A_1219 : vector<16x1xi32> to vector<16xi32>
          %gather3A_1221 = tpu.dynamic_gather %add3A_1183[%gather3A_1220] in [0] : vector<16xf32>, vector<16xi32> -> vector<16xf32>
          %select_n3A_1222 = arith.select %eq3A_1206, %gather3A_1221, %add3A_1200 : vector<16xi1>, vector<16xf32>
          %add3A_1223 = arith.addf %select_n3A_1214, %select_n3A_1222 : vector<16xf32>
          %exp3A = math.exp %add3A_1223 : vector<16xf32>
          %eq3A_1224 = arith.constant 3 : i32
          %eq3A_1225 = arith.cmpi eq, %scan3A_538, %eq3A_1224 : i32
          %jit3A = arith.constant 2 : i32
          %jit3A_1226 = arith.constant 16 : i32
          %select_n3A_1227 = arith.select %eq3A_1225, %jit3A, %jit3A_1226 : i32
          %lt3A = vector.broadcast %select_n3A_1227 : i32 to vector<16xi32>
          %lt3A_1228 = arith.cmpi slt, %iota3A, %lt3A : vector<16xi32>
          %jit3A_1229 = arith.constant 0.000000e+00 : f32
          %broadcast_in_dim3A_1230 = vector.broadcast %jit3A_1229 : f32 to vector<16xf32>
          %select_n3A_1231 = arith.select %lt3A_1228, %exp3A, %broadcast_in_dim3A_1230 : vector<16xi1>, vector<16xf32>
          %add3A_1232 = arith.addf %scan3A_539, %select_n3A_1231 : vector<16xf32>
          scf.yield %add3A_1232 : vector<16xf32>
        }
        %scan3A_501 = arith.constant 4 : i32
        %iota3A_502 = tpu.iota {dimensions = array<i32: 0>} : vector<16xi32>
        %xor3A_503 = arith.constant 8 : i32
        %xor3A_504 = vector.broadcast %xor3A_503 : i32 to vector<16xi32>
        %xor3A_505 = arith.xori %iota3A_502, %xor3A_504 : vector<16xi32>
        %broadcast_in_dim3A_506 = vector.shape_cast %xor3A_505 : vector<16xi32> to vector<16x1xi32>
        %gather3A_507 = vector.shape_cast %broadcast_in_dim3A_506 : vector<16x1xi32> to vector<16xi32>
        %gather3A_508 = tpu.dynamic_gather %scan3A_500[%gather3A_507] in [0] : vector<16xf32>, vector<16xi32> -> vector<16xf32>
        %add3A_509 = arith.addf %scan3A_500, %gather3A_508 : vector<16xf32>
        %iota3A_510 = tpu.iota {dimensions = array<i32: 0>} : vector<16xi32>
        %xor3A_511 = arith.constant 4 : i32
        %xor3A_512 = vector.broadcast %xor3A_511 : i32 to vector<16xi32>
        %xor3A_513 = arith.xori %iota3A_510, %xor3A_512 : vector<16xi32>
        %broadcast_in_dim3A_514 = vector.shape_cast %xor3A_513 : vector<16xi32> to vector<16x1xi32>
        %gather3A_515 = vector.shape_cast %broadcast_in_dim3A_514 : vector<16x1xi32> to vector<16xi32>
        %gather3A_516 = tpu.dynamic_gather %add3A_509[%gather3A_515] in [0] : vector<16xf32>, vector<16xi32> -> vector<16xf32>
        %add3A_517 = arith.addf %add3A_509, %gather3A_516 : vector<16xf32>
        %iota3A_518 = tpu.iota {dimensions = array<i32: 0>} : vector<16xi32>
        %xor3A_519 = arith.constant 2 : i32
        %xor3A_520 = vector.broadcast %xor3A_519 : i32 to vector<16xi32>
        %xor3A_521 = arith.xori %iota3A_518, %xor3A_520 : vector<16xi32>
        %broadcast_in_dim3A_522 = vector.shape_cast %xor3A_521 : vector<16xi32> to vector<16x1xi32>
        %gather3A_523 = vector.shape_cast %broadcast_in_dim3A_522 : vector<16x1xi32> to vector<16xi32>
        %gather3A_524 = tpu.dynamic_gather %add3A_517[%gather3A_523] in [0] : vector<16xf32>, vector<16xi32> -> vector<16xf32>
        %add3A_525 = arith.addf %add3A_517, %gather3A_524 : vector<16xf32>
        %iota3A_526 = tpu.iota {dimensions = array<i32: 0>} : vector<16xi32>
        %xor3A_527 = arith.constant 1 : i32
        %xor3A_528 = vector.broadcast %xor3A_527 : i32 to vector<16xi32>
        %xor3A_529 = arith.xori %iota3A_526, %xor3A_528 : vector<16xi32>
        %broadcast_in_dim3A_530 = vector.shape_cast %xor3A_529 : vector<16xi32> to vector<16x1xi32>
        %gather3A_531 = vector.shape_cast %broadcast_in_dim3A_530 : vector<16x1xi32> to vector<16xi32>
        %gather3A_532 = tpu.dynamic_gather %add3A_525[%gather3A_531] in [0] : vector<16xf32>, vector<16xi32> -> vector<16xf32>
        %add3A_533 = arith.addf %add3A_525, %gather3A_532 : vector<16xf32>
        %add3A_534 = arith.constant 8 : i32
        %add3A_535 = arith.addi %scan3A_423, %add3A_534 : i32
        %eq3A = vector.broadcast %add3A_535 : i32 to vector<16xi32>
        %eq3A_536 = arith.cmpi eq, %iota3A, %eq3A : vector<16xi32>
        %select_n3A = arith.select %eq3A_536, %add3A_493, %scan3A_424 : vector<16xi1>, vector<16xf32>
        %select_n3A_537 = arith.select %eq3A_536, %add3A_533, %scan3A_425 : vector<16xi1>, vector<16xf32>
        scf.yield %select_n3A, %select_n3A_537 : vector<16xf32>, vector<16xf32>
      }
      %scan3A_409 = arith.constant 8 : i32
      %mul3A_410 = arith.constant 16 : i32
      %mul3A_411 = arith.muli %scan3A_129, %mul3A_410 : i32
      %swap3A_412 = arith.index_cast %mul3A_411 : i32 to index
      %swap3A_413 = tpu.vector_load %arg18[%swap3A_412] {strides = array<i32>} : memref<512xf32, #tpu.memory_space<vmem>>, vector<16xf32>,
      %swap3A_414 = vector.shape_cast %swap3A_413 : vector<16xf32> to vector<16xf32>
      %swap3A_415 = vector.shape_cast %scan3A_408#0 : vector<16xf32> to vector<16xf32>
      tpu.vector_store %arg18[%swap3A_412], %swap3A_415 {strides = array<i32>} : memref<512xf32, #tpu.memory_space<vmem>>, vector<16xf32>,
      %mul3A_416 = arith.constant 16 : i32
      %mul3A_417 = arith.muli %scan3A_129, %mul3A_416 : i32
      %swap3A_418 = arith.index_cast %mul3A_417 : i32 to index
      %swap3A_419 = tpu.vector_load %arg19[%swap3A_418] {strides = array<i32>} : memref<512xf32, #tpu.memory_space<vmem>>, vector<16xf32>,
      %swap3A_420 = vector.shape_cast %swap3A_419 : vector<16xf32> to vector<16xf32>
      %swap3A_421 = vector.shape_cast %scan3A_408#1 : vector<16xf32> to vector<16xf32>
      tpu.vector_store %arg19[%swap3A_418], %swap3A_421 {strides = array<i32>} : memref<512xf32, #tpu.memory_space<vmem>>, vector<16xf32>,
      %scan3A_422 = arith.constant 0 : i32
      scf.yield %scan3A_422 : i32
    }
    %scan3A_71 = arith.constant 32 : i32
    %dma_wait3A = arith.constant 0 : i32
    %dma_wait3A_72 = tpu.memref_slice %arg9[%dma_wait3A] : memref<512xi32, #tpu.memory_space<vmem>> -> memref<8xi32, #tpu.memory_space<vmem>>
    %dma_wait3A_73 = arith.constant 0 : i32
    %dma_wait3A_74 = arith.constant 0 : i32
    %dma_wait3A_75 = tpu.memref_slice %arg5[%dma_wait3A_73, %dma_wait3A_74] : memref<100000x64xf32, #tpu.memory_space<hbm>> -> memref<100000x64xf32, #tpu.memory_space<hbm>>
    tpu.wait_indirect_dma semaphore(%arg20 : memref<!tpu.dma_semaphore, #tpu.memory_space<semaphore_mem>>) src(%dma_wait3A_75 : memref<100000x64xf32, #tpu.memory_space<hbm>>) dst(%arg12 : memref<8x64xf32, #tpu.memory_space<vmem>>)
    %dma_wait3A_76 = arith.constant 0 : i32
    %dma_wait3A_77 = tpu.memref_slice %arg10[%dma_wait3A_76] : memref<512xi32, #tpu.memory_space<vmem>> -> memref<8xi32, #tpu.memory_space<vmem>>
    %dma_wait3A_78 = arith.constant 0 : i32
    %dma_wait3A_79 = arith.constant 0 : i32
    %dma_wait3A_80 = tpu.memref_slice %arg6[%dma_wait3A_78, %dma_wait3A_79] : memref<100000x64xf32, #tpu.memory_space<hbm>> -> memref<100000x64xf32, #tpu.memory_space<hbm>>
    tpu.wait_indirect_dma semaphore(%arg20 : memref<!tpu.dma_semaphore, #tpu.memory_space<semaphore_mem>>) src(%dma_wait3A_80 : memref<100000x64xf32, #tpu.memory_space<hbm>>) dst(%arg13 : memref<8x64xf32, #tpu.memory_space<vmem>>)
    %dma_wait3A_81 = arith.constant 0 : i32
    %dma_wait3A_82 = arith.constant 0 : i32
    %dma_wait3A_83 = tpu.memref_slice %arg14[%dma_wait3A_81, %dma_wait3A_82] : memref<416x64xf32, #tpu.memory_space<vmem>> -> memref<64x64xf32, #tpu.memory_space<vmem>>
    %dma_wait3A_84 = arith.constant 0 : i32
    %dma_wait3A_85 = tpu.memref_slice %arg11[%dma_wait3A_84] : memref<25664xi32, #tpu.memory_space<vmem>> -> memref<64xi32, #tpu.memory_space<vmem>>
    %dma_wait3A_86 = arith.constant 0 : i32
    %dma_wait3A_87 = arith.constant 0 : i32
    %dma_wait3A_88 = tpu.memref_slice %arg6[%dma_wait3A_86, %dma_wait3A_87] : memref<100000x64xf32, #tpu.memory_space<hbm>> -> memref<100000x64xf32, #tpu.memory_space<hbm>>
    tpu.wait_indirect_dma semaphore(%arg20 : memref<!tpu.dma_semaphore, #tpu.memory_space<semaphore_mem>>) src(%dma_wait3A_88 : memref<100000x64xf32, #tpu.memory_space<hbm>>) dst(%dma_wait3A_83 : memref<64x64xf32, #tpu.memory_space<vmem>>)
    %dma_wait3A_89 = arith.constant 64 : i32
    %dma_wait3A_90 = arith.constant 0 : i32
    %dma_wait3A_91 = tpu.memref_slice %arg14[%dma_wait3A_89, %dma_wait3A_90] : memref<416x64xf32, #tpu.memory_space<vmem>> -> memref<64x64xf32, #tpu.memory_space<vmem>>
    %dma_wait3A_92 = arith.constant 64 : i32
    %dma_wait3A_93 = tpu.memref_slice %arg11[%dma_wait3A_92] : memref<25664xi32, #tpu.memory_space<vmem>> -> memref<64xi32, #tpu.memory_space<vmem>>
    %dma_wait3A_94 = arith.constant 0 : i32
    %dma_wait3A_95 = arith.constant 0 : i32
    %dma_wait3A_96 = tpu.memref_slice %arg6[%dma_wait3A_94, %dma_wait3A_95] : memref<100000x64xf32, #tpu.memory_space<hbm>> -> memref<100000x64xf32, #tpu.memory_space<hbm>>
    tpu.wait_indirect_dma semaphore(%arg20 : memref<!tpu.dma_semaphore, #tpu.memory_space<semaphore_mem>>) src(%dma_wait3A_96 : memref<100000x64xf32, #tpu.memory_space<hbm>>) dst(%dma_wait3A_91 : memref<64x64xf32, #tpu.memory_space<vmem>>)
    %dma_wait3A_97 = arith.constant 128 : i32
    %dma_wait3A_98 = arith.constant 0 : i32
    %dma_wait3A_99 = tpu.memref_slice %arg14[%dma_wait3A_97, %dma_wait3A_98] : memref<416x64xf32, #tpu.memory_space<vmem>> -> memref<64x64xf32, #tpu.memory_space<vmem>>
    %dma_wait3A_100 = arith.constant 128 : i32
    %dma_wait3A_101 = tpu.memref_slice %arg11[%dma_wait3A_100] : memref<25664xi32, #tpu.memory_space<vmem>> -> memref<64xi32, #tpu.memory_space<vmem>>
    %dma_wait3A_102 = arith.constant 0 : i32
    %dma_wait3A_103 = arith.constant 0 : i32
    %dma_wait3A_104 = tpu.memref_slice %arg6[%dma_wait3A_102, %dma_wait3A_103] : memref<100000x64xf32, #tpu.memory_space<hbm>> -> memref<100000x64xf32, #tpu.memory_space<hbm>>
    tpu.wait_indirect_dma semaphore(%arg20 : memref<!tpu.dma_semaphore, #tpu.memory_space<semaphore_mem>>) src(%dma_wait3A_104 : memref<100000x64xf32, #tpu.memory_space<hbm>>) dst(%dma_wait3A_99 : memref<64x64xf32, #tpu.memory_space<vmem>>)
    %dma_wait3A_105 = arith.constant 192 : i32
    %dma_wait3A_106 = arith.constant 0 : i32
    %dma_wait3A_107 = tpu.memref_slice %arg14[%dma_wait3A_105, %dma_wait3A_106] : memref<416x64xf32, #tpu.memory_space<vmem>> -> memref<64x64xf32, #tpu.memory_space<vmem>>
    %dma_wait3A_108 = arith.constant 192 : i32
    %dma_wait3A_109 = tpu.memref_slice %arg11[%dma_wait3A_108] : memref<25664xi32, #tpu.memory_space<vmem>> -> memref<64xi32, #tpu.memory_space<vmem>>
    %dma_wait3A_110 = arith.constant 0 : i32
    %dma_wait3A_111 = arith.constant 0 : i32
    %dma_wait3A_112 = tpu.memref_slice %arg6[%dma_wait3A_110, %dma_wait3A_111] : memref<100000x64xf32, #tpu.memory_space<hbm>> -> memref<100000x64xf32, #tpu.memory_space<hbm>>
    tpu.wait_indirect_dma semaphore(%arg20 : memref<!tpu.dma_semaphore, #tpu.memory_space<semaphore_mem>>) src(%dma_wait3A_112 : memref<100000x64xf32, #tpu.memory_space<hbm>>) dst(%dma_wait3A_107 : memref<64x64xf32, #tpu.memory_space<vmem>>)
    %dma_wait3A_113 = arith.constant 256 : i32
    %dma_wait3A_114 = arith.constant 0 : i32
    %dma_wait3A_115 = tpu.memref_slice %arg14[%dma_wait3A_113, %dma_wait3A_114] : memref<416x64xf32, #tpu.memory_space<vmem>> -> memref<64x64xf32, #tpu.memory_space<vmem>>
    %dma_wait3A_116 = arith.constant 256 : i32
    %dma_wait3A_117 = tpu.memref_slice %arg11[%dma_wait3A_116] : memref<25664xi32, #tpu.memory_space<vmem>> -> memref<64xi32, #tpu.memory_space<vmem>>
    %dma_wait3A_118 = arith.constant 0 : i32
    %dma_wait3A_119 = arith.constant 0 : i32
    %dma_wait3A_120 = tpu.memref_slice %arg6[%dma_wait3A_118, %dma_wait3A_119] : memref<100000x64xf32, #tpu.memory_space<hbm>> -> memref<100000x64xf32, #tpu.memory_space<hbm>>
    tpu.wait_indirect_dma semaphore(%arg20 : memref<!tpu.dma_semaphore, #tpu.memory_space<semaphore_mem>>) src(%dma_wait3A_120 : memref<100000x64xf32, #tpu.memory_space<hbm>>) dst(%dma_wait3A_115 : memref<64x64xf32, #tpu.memory_space<vmem>>)
    %dma_wait3A_121 = arith.constant 320 : i32
    %dma_wait3A_122 = arith.constant 0 : i32
    %dma_wait3A_123 = tpu.memref_slice %arg14[%dma_wait3A_121, %dma_wait3A_122] : memref<416x64xf32, #tpu.memory_space<vmem>> -> memref<64x64xf32, #tpu.memory_space<vmem>>
    %dma_wait3A_124 = arith.constant 320 : i32
    %dma_wait3A_125 = tpu.memref_slice %arg11[%dma_wait3A_124] : memref<25664xi32, #tpu.memory_space<vmem>> -> memref<64xi32, #tpu.memory_space<vmem>>
    %dma_wait3A_126 = arith.constant 0 : i32
    %dma_wait3A_127 = arith.constant 0 : i32
    %dma_wait3A_128 = tpu.memref_slice %arg6[%dma_wait3A_126, %dma_wait3A_127] : memref<100000x64xf32, #tpu.memory_space<hbm>> -> memref<100000x64xf32, #tpu.memory_space<hbm>>
    tpu.wait_indirect_dma semaphore(%arg20 : memref<!tpu.dma_semaphore, #tpu.memory_space<semaphore_mem>>) src(%dma_wait3A_128 : memref<100000x64xf32, #tpu.memory_space<hbm>>) dst(%dma_wait3A_123 : memref<64x64xf32, #tpu.memory_space<vmem>>)
    "tpu.region"() ({
      %run_scoped3A = tpu.sem_alloc : memref<!tpu.dma_semaphore, #tpu.memory_space<semaphore_mem>>
      %dma_start3A_129 = tpu.memref_slice %arg7[%mul3A_2] : memref<16384xf32, #tpu.memory_space<hbm>> -> memref<512xf32, #tpu.memory_space<hbm>>
      %dma_start3A_130 = tpu.memref_slice %arg7[%mul3A_2] : memref<16384xf32, #tpu.memory_space<hbm>> -> memref<512xf32, #tpu.memory_space<hbm>>
      tpu.enqueue_dma source(%arg18 : memref<512xf32, #tpu.memory_space<vmem>>) target(%dma_start3A_130 : memref<512xf32, #tpu.memory_space<hbm>>) target_semaphore(%run_scoped3A : memref<!tpu.dma_semaphore, #tpu.memory_space<semaphore_mem>>)
      %dma_wait3A_131 = tpu.memref_slice %arg7[%mul3A_2] : memref<16384xf32, #tpu.memory_space<hbm>> -> memref<512xf32, #tpu.memory_space<hbm>>
      %dma_wait3A_132 = tpu.memref_slice %arg7[%mul3A_2] : memref<16384xf32, #tpu.memory_space<hbm>> -> memref<512xf32, #tpu.memory_space<hbm>>
      tpu.wait_dma2 semaphore(%run_scoped3A : memref<!tpu.dma_semaphore, #tpu.memory_space<semaphore_mem>>) src(%arg18 : memref<512xf32, #tpu.memory_space<vmem>>) dst(%dma_wait3A_132 : memref<512xf32, #tpu.memory_space<hbm>>)
      tpu.yield
    }) : () -> ()
    "tpu.region"() ({
      %run_scoped3A = tpu.sem_alloc : memref<!tpu.dma_semaphore, #tpu.memory_space<semaphore_mem>>
      %dma_start3A_129 = tpu.memref_slice %arg8[%mul3A_2] : memref<16384xf32, #tpu.memory_space<hbm>> -> memref<512xf32, #tpu.memory_space<hbm>>
      %dma_start3A_130 = tpu.memref_slice %arg8[%mul3A_2] : memref<16384xf32, #tpu.memory_space<hbm>> -> memref<512xf32, #tpu.memory_space<hbm>>
      tpu.enqueue_dma source(%arg19 : memref<512xf32, #tpu.memory_space<vmem>>) target(%dma_start3A_130 : memref<512xf32, #tpu.memory_space<hbm>>) target_semaphore(%run_scoped3A : memref<!tpu.dma_semaphore, #tpu.memory_space<semaphore_mem>>)
      %dma_wait3A_131 = tpu.memref_slice %arg8[%mul3A_2] : memref<16384xf32, #tpu.memory_space<hbm>> -> memref<512xf32, #tpu.memory_space<hbm>>
      %dma_wait3A_132 = tpu.memref_slice %arg8[%mul3A_2] : memref<16384xf32, #tpu.memory_space<hbm>> -> memref<512xf32, #tpu.memory_space<hbm>>
      tpu.wait_dma2 semaphore(%run_scoped3A : memref<!tpu.dma_semaphore, #tpu.memory_space<semaphore_mem>>) src(%arg19 : memref<512xf32, #tpu.memory_space<vmem>>) dst(%dma_wait3A_132 : memref<512xf32, #tpu.memory_space<hbm>>)
      tpu.yield
    }) : () -> ()
    return
  }
}

module attributes {stable_mosaic.version = 14 : i64} {
  func.func @_loss_body(%arg0: memref<128x128xf32, #tpu.memory_space<vmem>>, %arg1: memref<128x128xf32, #tpu.memory_space<vmem>>, %arg2: memref<1x1xf32, #tpu.memory_space<vmem>>) attributes {dimension_semantics = [], scalar_prefetch = 0 : i64, scratch_operands = 0 : i64, tpu.core_type = #tpu.core_type<tc>} {
    %get3A = arith.constant 0 : index
    %get3A_0 = arith.constant 0 : index
    %get3A_1 = vector.load %arg0[%get3A, %get3A_0] : memref<128x128xf32, #tpu.memory_space<vmem>>, vector<128x128xf32>
    %get3A_2 = arith.constant 0 : index
    %get3A_3 = arith.constant 0 : index
    %get3A_4 = vector.load %arg1[%get3A_2, %get3A_3] : memref<128x128xf32, #tpu.memory_space<vmem>>, vector<128x128xf32>
    %log3A = math.log %get3A_4 : vector<128x128xf32>
    %sub3A = arith.subf %get3A_1, %log3A : vector<128x128xf32>
    %reduce_sum3A = vector.shape_cast %sub3A : vector<128x128xf32> to vector<1x128x128xf32>
    %reduce_sum3A_5 = arith.constant dense<0.000000e+00> : vector<1xf32>
    %reduce_sum3A_6 = vector.multi_reduction <add>, %reduce_sum3A, %reduce_sum3A_5 [1, 2] : vector<1x128x128xf32> to vector<1xf32>
    %reduce_sum3A_7 = vector.shape_cast %reduce_sum3A_6 : vector<1xf32> to vector<1x1x1xf32>
    %reduce_sum3A_8 = vector.extract %reduce_sum3A_7[0, 0, 0] : f32 from vector<1x1x1xf32>
    %div3A = arith.constant 1.638400e+04 : f32
    %div3A_9 = arith.divf %reduce_sum3A_8, %div3A : f32
    %neg3A = arith.constant 0.000000e+00 : f32
    %neg3A_10 = arith.subf %neg3A, %div3A_9 : f32
    %broadcast_in_dim3A = vector.broadcast %neg3A_10 : f32 to vector<1x1xf32>
    %swap3A = arith.constant 0 : index
    %swap3A_11 = arith.constant 0 : index
    %swap3A_12 = vector.load %arg2[%swap3A, %swap3A_11] : memref<1x1xf32, #tpu.memory_space<vmem>>, vector<1x1xf32>
    tpu.vector_store %arg2[%swap3A, %swap3A_11], %broadcast_in_dim3A {strides = array<i32>} : memref<1x1xf32, #tpu.memory_space<vmem>>, vector<1x1xf32>,
    return
  }
}

</mosaic_0001>

<sc_bundles>
// kernel: kernel.4.cloned.1.call-start
scs
__scs_entry_jumppad:
0x0: {  	(pc) =	sbr.rel $0x88, $3  }
0x1: {  	(tag) =	ssettag $0x0;
	lr =	simm.s32 $0x1  }
0x2: {  	[smem:$0x3F9C] =	sst lr;
	_ =	strace $0xD0000000  }
0x3: {  	_ = 	snop  }
0x4: {  	_ = 	snop  }
0x5: {  	_ = 	snop  }
0x6: {  	_ = 	snop  }
0x7: {  	_ = 	snop  }
__scs_overlays_trampoline_lowered:
0x8: {  	[smem:$0x3FAB] =	sst s0  }
0x9: {  	[smem:$0x3FAC] =	sst s1  }
0xa: {  	[smem:$0x3FAD] =	sst s2  }
0xb: {  	[smem:$0x3FAE] =	sst s3  }
0xc: {  	[smem:$0x3FAF] =	sst s4  }
0xd: {  	[smem:$0x3FB0] =	sst s5  }
0xe: {  	[smem:$0x3FB1] =	sst s6  }
0xf: {  	[smem:$0x3FB2] =	sst s7  }
0x10: {  	[smem:$0x3FB3] =	sst s8  }
0x11: {  	[smem:$0x3FB4] =	sst s9;
	s0 =	simm.s32 @!p0 $0x0  }
0x12: {  	s1 =	sld [smem:$0x3F9A];
	s0 =	simm.s32 @p0 $0x1  }
0x13: {  	[smem:$0x3FB5] =	sst s0;
	s0 =	simm.s32 @!p1 $0x0  }
0x14: {  	s2 =	sld [smem:$0x3F99];
	s0 =	simm.s32 @p1 $0x1  }
0x15: {  	[smem:$0x3FB6] =	sst s0;
	s0 =	simm.s32 @!p2 $0x0  }
0x16: {  	s3 =	sld [smem:$0x3FDB];
	s0 =	simm.s32 @p2 $0x1  }
0x17: {  	s4 =	simm.s32 $0x1BF5;
	[smem:$0x3FB8] =	sst s0  }
0x18: {  	s0 =	sld [smem:$0x3F9B];
	_ =	swait.ge [sflag:s4], $0x0  }
0x19: {  	s7 =	sld [smem:$0x3F9C]  }
0x1a: {  	s8 =	sadd.s32 $0xFFFFE003, lr  }
0x1b: {  	s9 =	sadd.s32 $0xFFFFFEF7, lr;
	s5 =	simm.s32 $0xFFFFFFFF;
	p2 =	slt.u32 s8, $0xFFFFF086  }
0x1c: {  	p1 =	slt.u32 s9, $0xF7A;
	s5 =	simm.s32 @!p2 $0x0  }
0x1d: {  	s5 =	simm.s32 @p1 $0x1;
	p0 =	seq.s32 s7, s2  }
0x1e: {  	s7 =	smul.u32 @!p0 $0xF7A, s2;
	p2 =	seq.s32 @!p0 s5, $0x0  }
0x1f: {  	s9 =	smul.u32 $0xF7A, s1;
	s8 =	simm.s32 @!p0 $0x1BF5;
	p2 =	por !p2, p0  }
0x20: {  	[sflag:s8] =	ssyncset.s32 @!p0 $0xFFFFF086;
	s6 =	sadd.s32 @!p0 s3, s7;
	s7 =	simm.s32 @!p0 $0x108  }
0x21: {  	s3 =	sadd.s32 s3, s9;
	s6 =	sadd.s32 @!p0 $0x88, s6;
	s7 =	simm.s32 @p2 $0x1082  }
0x22: {  	[simem:s7], [sflag:s8] =	dma.local @!p0 [hbm:s6], $0xF7A  }
0x23: {  	s9 =	sor.u32 $0xD0000000, s2;
	s6 =	simm.s32 $0x108;
	_ =	swait.ge @!p0 [sflag:s8], $0x0  }
0x24: {  	s3 =	sadd.s32 $0x88, s3;
	s6 =	simm.s32 @!p1 $0x1082;
	[sflag:s4] =	ssyncset.s32 $0xFFFFF086  }
0x25: {  	[simem:s6], [sflag:s4] =	dma.local [hbm:s3], $0xF7A  }
0x26: {  	[smem:$0x3F9C] =	sst s1;
	(tag) =	ssettag s2;
	_ =	strace s9  }
0x27: {  	s1 =	sld [smem:$0x3FAC]  }
0x28: {  	s2 =	sld [smem:$0x3FAD]  }
0x29: {  	s4 =	sld [smem:$0x3FAF]  }
0x2a: {  	p0 =	seq.s32 s5, $0x0;
	s5 =	sld [smem:$0x3FB0]  }
0x2b: {  	s6 =	sld [smem:$0x3FB1]  }
0x2c: {  	s7 =	sld [smem:$0x3FB2]  }
0x2d: {  	s3 =	simm.s32 $0x108;
	s8 =	sld [smem:$0x3FB3]  }
0x2e: {  	s3 =	simm.s32 @!p0 $0x1082;
	s9 =	sld [smem:$0x3FB4]  }
0x2f: {  	lr =	sadd.s32 s0, s3;
	s0 =	sld [smem:$0x3FAB]  }
0x30: {  	s3 =	sld [smem:$0x3FAE]  }
0x31: {  	[smem:$0x3FB7] =	sst s10  }
0x32: {  	s10 =	sld [smem:$0x3FB5];
	_ =	sdelay $0x3  }
0x33: {  	p0 =	seq.s32 s10, $0x1;
	s10 =	sld [smem:$0x3FB7];
	_ =	sdelay $0x3  }
0x34: {  	[smem:$0x3FB7] =	sst s10  }
0x35: {  	s10 =	sld [smem:$0x3FB6];
	_ =	sdelay $0x3  }
0x36: {  	p1 =	seq.s32 s10, $0x1;
	s10 =	sld [smem:$0x3FB7];
	_ =	sdelay $0x3  }
0x37: {  	[smem:$0x3FB7] =	sst s10  }
0x38: {  	s10 =	sld [smem:$0x3FB8]  }
0x39: {  	_ = 	snop;
	(pc) =	sbr.ind lr, $3  }
0x3a: {  	_ = 	snop  }
0x3b: {  	_ = 	snop  }
0x3c: {  	p2 =	seq.s32 s10, $0x1;
	s10 =	sld [smem:$0x3FB7]  }
0x3d: {  	_ =	shalt  }
0x3e: {  	_ =	shalt  }
0x3f: {  	_ =	shalt  }
0x40: {  	_ =	shalt  }
0x41: {  	_ =	shalt  }
0x42: {  	_ =	shalt  }
0x43: {  	_ =	shalt  }
0x44: {  	_ =	shalt  }
0x45: {  	_ =	shalt  }
0x46: {  	_ =	shalt  }
0x47: {  	_ =	shalt  }
0x48: {  	_ =	shalt  }
0x49: {  	_ =	shalt  }
0x4a: {  	_ =	shalt  }
0x4b: {  	_ =	shalt  }
0x4c: {  	_ =	shalt  }
0x4d: {  	_ =	shalt  }
0x4e: {  	_ =	shalt  }
0x4f: {  	_ =	shalt  }
0x50: {  	_ =	shalt  }
0x51: {  	_ =	shalt  }
0x52: {  	_ =	shalt  }
0x53: {  	_ =	shalt  }
0x54: {  	_ =	shalt  }
0x55: {  	_ =	shalt  }
0x56: {  	_ =	shalt  }
0x57: {  	_ =	shalt  }
0x58: {  	_ =	shalt  }
0x59: {  	_ =	shalt  }
0x5a: {  	_ =	shalt  }
0x5b: {  	_ =	shalt  }
0x5c: {  	_ =	shalt  }
0x5d: {  	_ =	shalt  }
0x5e: {  	_ =	shalt  }
0x5f: {  	_ =	shalt  }
0x60: {  	_ =	shalt  }
0x61: {  	_ =	shalt  }
0x62: {  	_ =	shalt  }
0x63: {  	_ =	shalt  }
0x64: {  	_ =	shalt  }
0x65: {  	_ =	shalt  }
0x66: {  	_ =	shalt  }
0x67: {  	_ =	shalt  }
0x68: {  	_ =	shalt  }
0x69: {  	_ =	shalt  }
0x6a: {  	_ =	shalt  }
0x6b: {  	_ =	shalt  }
0x6c: {  	_ =	shalt  }
0x6d: {  	_ =	shalt  }
0x6e: {  	_ =	shalt  }
0x6f: {  	_ =	shalt  }
0x70: {  	_ =	shalt  }
0x71: {  	_ =	shalt  }
0x72: {  	_ =	shalt  }
0x73: {  	_ =	shalt  }
0x74: {  	_ =	shalt  }
0x75: {  	_ =	shalt  }
0x76: {  	_ =	shalt  }
0x77: {  	_ =	shalt  }
0x78: {  	_ =	shalt  }
0x79: {  	_ =	shalt  }
0x7a: {  	_ =	shalt  }
0x7b: {  	_ =	shalt  }
0x7c: {  	_ =	shalt  }
0x7d: {  	_ =	shalt  }
0x7e: {  	_ =	shalt  }
0x7f: {  	_ =	shalt  }
0x80: {  	_ =	shalt  }
0x81: {  	_ =	shalt  }
0x82: {  	_ =	shalt  }
0x83: {  	_ =	shalt  }
0x84: {  	_ =	shalt  }
0x85: {  	_ =	shalt  }
0x86: {  	_ =	shalt  }
0x87: {  	_ =	shalt  }
.Lfunc_end0:
.L_simem_size_0:
called_computation_lowered:
.L_overlay_start_0:
0x88: {  	s2 =	sld [smem:$0x3FD9]  }
0x89: {  	s3 =	sld [smem:$0x3FFE];
	_ =	sdelay $0x1  }
0x8a: {  	s1 =	srdreg.scid  }
0x8b: {  	s0 =	sand.u32 $0x1, s1  }
0x8c: {  	s17 =	sshll.u32 s0, $0xA;
	s2 =	sadd.s32 s3, s2  }
0x8d: {  	s2 =	sadd.s32 s2, s17  }
0x8e: {  	[smem:$0x3FC3] =	sst s2  }
0x8f: {  	_ = 	snop  }
0x90: {  	s2 =	sld [smem:$0x3FC9]  }
0x91: {  	s18 =	sld [smem:$0x3FC8];
	(tm) =	ssettm $0x1  }
0x92: {  	s4 =	sld [smem:$0x3FFB];
	_ =	sdelay $0x3  }
0x93: {  	_ =	strace s4  }
0x94: {  	s4 =	sld [smem:$0x3FFC];
	_ =	sdelay $0x3  }
0x95: {  	_ =	strace s4  }
0x96: {  	s4 =	sld [smem:$0x3FFD];
	_ =	sdelay $0x3  }
0x97: {  	_ =	strace s4  }
0x98: {  	_ =	strace $0x8FFFFFFF  }
0x99: {  	s19 =	sld [smem:$0x3FDB];
	_ =	sdelay $0x1  }
0x9a: {  	s5 =	simm.s32 $_scs_section_size  }
0x9b: {  	s6 =	simm.s32 $_size__tile_overlayer_lowered;
	s7 =	simm.s32 $_tile_overlayer_lowered  }
0x9c: {  	s22 =	simm.s32 $0x1BFF;
	s21 =	sshll.u32 s7, $0x1;
	s4 =	sadd.s32 s5, s19  }
0x9d: {  	s8 =	simm.s32 $0x0;
	s20 =	sshll.u32 s6, $0x1;
	s6 =	sadd.s32 s21, s4  }
0x9e: {  	[timem:s8], [sflag:s22] =	dma.local [hbm:s6], s20  }
0x9f: {  	_ =	swait.ge [sflag:s22], s20  }
0xa0: {  	s5 =	ssub.s32 $0x0, s20;
	[sflag:s22] =	ssyncset.done $0x0  }
0xa1: {  	[sflag:s22] =	ssyncadd.s32 s5;
	_ =	sdelay $0x1  }
0xa2: {  	s23 =	simm.s32 $0x1B8B  }
0xa3: {  	_ =	swait.ge [sflag:s23], $0x1  }
0xa4: {  	[sflag:s23] =	ssyncset.done $0x0  }
0xa5: {  	s25 =	simm.s32 $0x1B8E;
	s24 =	sld [smem:$0x3FFE];
	[sflag:s23] =	ssyncadd.s32 $0xFFFFFFFF  }
0xa6: {  	s26 =	simm.s32 $execute0_lowered;
	[smem:$0x3FD2] =	sst s25  }
0xa7: {  	s6 =	sshll.u32 s26, $0x1;
	_ =	strace $0x80000046;
	[dreg:$0x1] =	wrdreg $0xFFFFFFFF  }
0xa8: {  	s28 =	simm.s32 $_size_execute0_lowered;
	s4 =	sadd.s32 s4, s6;
	[dreg:$0x0] =	wrdreg $0x0  }
0xa9: {  	s6 =	sshll.u32 s28, $0x1;
	[dreg:$0x2] =	wrdreg s4  }
0xaa: {  	[dreg:$0x3] =	wrdreg s6  }
0xab: {  	[dreg:$0x4] =	wrdreg $0xC0  }
0xac: {  	_ =	task [dreg:s8], $0x5FFFF  }
0xad: {  	[dreg:$0x1] =	wrdreg $0xFFFFFFFF  }
0xae: {  	[dreg:$0x0] =	wrdreg $0x60  }
0xaf: {  	[dreg:$0x2] =	wrdreg s2  }
0xb0: {  	[dreg:$0x3] =	wrdreg s18  }
0xb1: {  	[dreg:$0x4] =	wrdreg s24  }
0xb2: {  	[dreg:$0x5] =	wrdreg $0x9  }
0xb3: {  	_ =	task.clear_ibuf [dreg:s8], $0x6FFFF;
	_ =	strace $0x90000046  }
0xb4: {  	s29 =	simm.s32 $0x9;
	_ =	strace $0x80000048  }
0xb5: {  	_ =	swait.ge [sflag:s29], $0x1  }
0xb6: {  	[sflag:s29] =	ssyncadd.s32 $0xFFFFFFFF  }
0xb7: {  	_ =	strace $0x90000048  }
0xb8: {  	_ =	sfence  }
0xb9: {  	s30 =	sld [smem:$0x0];
	_ =	sdelay $0x2  }
0xba: {  	s31 =	sshll.u32 s1, $0xD;
	s1 =	sshrl.u32 s1, $0x2  }
0xbb: {  	s3 =	sand.u32 $0x4000, s31;
	s1 =	sadd.s32 s1, s30  }
0xbc: {  	s0 =	sor.u32 s3, s0;
	s1 =	sshll.u32 s1, $0x11  }
0xbd: {  	s0 =	sor.u32 s1, s0  }
0xbe: {  	s0 =	sadd.s32 $0x8F2B, s0  }
0xbf: {  	[sflag:s0] =	ssyncadd.remote.s32 $0x1  }
0xc0: {  	_ =	sfence.sel $0xFFFF  }
0xc1: {  	[dreg:$0x0] =	wrdreg $0xFFFFFFFF;
	(pc) =	sbr.abs _section_cstart, $3  }
0xc2: {  	[dreg:$0x1] =	wrdreg $0xFFFFFFFF  }
0xc3: {  	_ =	task.clear_ibuf [dreg:s8], $0x2FFFF;
	_ =	strace $0x9FFFFFFF  }
0xc4: {  	(tm) =	ssettm $0x7FFFFFFF  }
0xc5: {  	_ =	shalt  }
tec
execute0_lowered:
.L_overlay_start_1:
0x0: {  	(tag) =	ssettag $0x1  }
0x1: {  	v0 =	vimm.s32 $0xFEDCBA98;
	v1 =	vimm.s32 $0x76543210  }
0x2: {  	s0 =	rddreg [dreg:$0x0];
	v2 =	vimm.s32 $0xBA98FEDC;
	v3 =	vimm.s32 $0x32107654;
	v4 =	vimm.s32 $0xDCFE98BA  }
0x3: {  	s1 =	rddreg [dreg:$0x1];
	s2 =	srdreg.scid;
	v5 =	vimm.s32 $0x54761032;
	v6 =	vimm.s32 $0xEFCDAB89;
	v7 =	vimm.s32 $0x67452301  }
0x4: {  	s3 =	stileid.u32;
	s5 =	rddreg [dreg:$0x2];
	s9 =	simm.s32 $0x0;
	vm0 =	vcmask $0x2F20;
	vm1 =	vcmask $0xF00;
	vm2 =	vcmask $0x1710  }
0x5: {  	s11 =	simm.s32 $0x3;
	s14 =	simm.s32 $0x8;
	vm3 =	vcmask $0x700;
	s15 =	simm.s32 $0x6840;
	vm4 =	vcmask $0x300;
	v8 =	vlaneseq.u32  }
0x6: {  	s16 =	simm.s32 $0x6A40;
	s17 =	simm.s32 $0x40;
	s18 =	simm.s32 $0x6C40;
	v0 =	vunpack.c.l.s4.s8 v0;
	v1 =	vunpack.c.l.s4.s8 v1;
	v2 =	vunpack.c.l.s4.s8 v2  }
0x7: {  	s20 =	simm.s32 $0x7C40;
	s29 =	simm.s32 $0xBC40;
	s30 =	simm.s32 $0xD440;
	v3 =	vunpack.c.l.s4.s8 v3;
	v4 =	vunpack.c.l.s4.s8 v4;
	v5 =	vunpack.c.l.s4.s8 v5  }
0x8: {  	s31 =	simm.s32 $0xD640;
	s19 =	simm.s32 $0xF840;
	s21 =	simm.s32 $0x10840;
	v6 =	vunpack.c.l.s4.s8 v6;
	v7 =	vunpack.c.l.s4.s8 v7;
	vm0 =	vmor vm1, vm0  }
0x9: {  	s28 =	simm.s32 $0x1;
	s12 =	simm.s32 $0x2;
	s2 =	sand.u32 $0x1, s2;
	vm1 =	vmor vm3, vm2;
	vm2 =	vcmask $0x2720;
	vm3 =	vcmask $0xB08  }
0xa: {  	s3 =	sshll.u32 s3, $0x1;
	[smem:$0x7FF] =	sst s9;
	s4 =	sadd.s32 $0x189400, s5;
	vm1 =	vmor vm1, vm2;
	vm2 =	vmor vm4, vm3;
	vm3 =	vcmask $0x1310  }
0xb: {  	s6 =	sor.u32 s2, s3;
	_ =	strace $0x80000047;
	s2 =	ssub.s32 $0x2, s2;
	vm4 =	vcmask $0x3730;
	v0 =	vunpack.c.0.s8.s32 v0;
	v1 =	vunpack.c.0.s8.s32 v1  }
0xc: {  	s3 =	smul.u32 $0xC80, s6;
	v2 =	vunpack.c.0.s8.s32 v2;
	v3 =	vunpack.c.0.s8.s32 v3;
	v4 =	vunpack.c.0.s8.s32 v4;
	s6 =	sshll.u32 s6, $0x6;
	s8 =	sshrl.u32 s2, $0x1  }
0xd: {  	v5 =	vunpack.c.0.s8.s32 v5;
	vm2 =	vmor vm2, vm3;
	vm3 =	vcmask $0x1B18;
	s2 =	ssub.s32 s2, s8;
	s0 =	sadd.s32 s0, s6;
	s22 =	sadd.s32 s1, s6  }
0xe: {  	vm1 =	vmor vm1, vm4;
	vm4 =	vcmask $0x2320;
	vm3 =	vmor vm2, vm3;
	s1 =	simm.s32 $0xD840;
	s7 =	sadd.s32 s3, s5;
	[dreg:$0x4] =	wrdreg s0  }
0xf: {  	vm2 =	vmmov $0xff;
	v0 =	vand.u32 $0xF, v0;
	s3 =	sadd.s32 $0x24CA00, s5;
	[dreg:$0x5] =	wrdreg s22;
	v38 =	vcombine.low v3, v2;
	s26 =	smax.u32 s2, $0x1  }
0x10: {  	s5 =	sadd.s32 s6, s5;
	v42 =	vcombine.low v5, v4;
	v4 =	vunpack.c.0.s8.s32 v6;
	v5 =	vunpack.c.0.s8.s32 v7;
	s23 =	sadd.s32 $0x2A00, s7;
	[dreg:$0x9] =	wrdreg s26  }
0x11: {  	s22 =	simm.s32 $0x8C40;
	vm3 =	vmor vm3, vm4;
	vm4 =	vcmask $0x2B28;
	v0 =	vcombine.low v0, v1;
	s24 =	sadd.s32 $0x1BA00, s5;
	[dreg:$0x6] =	wrdreg s23  }
0x12: {  	s0 =	simm.s32 $0xE840;
	s25 =	sadd.s32 $0x1C200, s5;
	vm3 =	vmor vm3, vm4;
	vm4 =	vcmask $0x3330;
	[dreg:$0x7] =	wrdreg s24;
	v46 =	vcombine.low v5, v4;
	[tilespmem:$0x1FFD0] =	vst v38  }
0x13: {  	s26 =	simm.s32 $0xAC40;
	s5 =	simm.s32 $0x0;
	[dreg:$0x8] =	wrdreg s25;
	v5 =	vand.u32 $0xF, v38;
	vm3 =	vmor vm3, vm4;
	vm4 =	vcmask $0x3B38;
	[tilespmem:$0x1FFE0] =	vst v42  }
0x14: {  	s24 =	simm.s32 $0x9C40;
	s23 =	simm.s32 $0x11840;
	v6 =	vand.u32 $0xF, v42;
	s25 =	simm.s32 $0x12840;
	vm3 =	vmor vm3, vm4;
	v7 =	vand.u32 $0xF, v46;
	[tilespmem:$0x1FFF0] =	vst v46  }
.LBB2_1:
0x15: {  	[dreg:$0xa] =	wrdreg s5  }
0x16: {  	s2 =	rddreg [dreg:$0x4]  }
0x17: {  	[tilespmem:s9], [sflag:$0x3] =	stream.linear.gather [hbm4b:s2+s9], $0x200, $0x38;
	[tilespmem:$0x14440] =	vst v63  }
0x18: {  	_ =	swait.ge [sflag:s11], $0x200  }
0x19: {  	[sflag:s11] =	ssyncset.done $0x0  }
0x1a: {  	s10 =	simm.s32 $0x200;
	s8 =	rddreg [dreg:$0x5];
	[sflag:s11] =	ssyncadd.s32 $0xFFFFFE00  }
0x1b: {  	[tilespmem:s10], [sflag:$0x3] =	stream.linear.gather [hbm4b:s8+s9], $0x200, $0x38;
	[tilespmem:$0x14440] =	vst v63  }
0x1c: {  	_ =	swait.ge [sflag:s11], $0x200  }
0x1d: {  	[sflag:s11] =	ssyncset.done $0x0  }
0x1e: {  	s6 =	simm.s32 $0x400;
	s13 =	rddreg [dreg:$0x6];
	[sflag:s11] =	ssyncadd.s32 $0xFFFFFE00  }
0x1f: {  	[tilespmem:s6], [sflag:$0x3] =	stream.linear.gather [hbm4b:s13+s9], $0x6400, $0x38;
	[tilespmem:$0x14440] =	vst v63  }
0x20: {  	_ =	swait.ge [sflag:s11], $0x6400  }
0x21: {  	[sflag:s11] =	ssyncset.done $0x0  }
0x22: {  	v1 =	vimm.s32 $0x0;
	[sflag:s11] =	ssyncadd.s32 $0xFFFF9C00  }
0x23: {  	[tilespmem:$0x6800] =	vst v1  }
0x24: {  	[tilespmem:s15], [sflag:$0x1] =	stream.indirect.gather [hbm4b:s3+s14], $0x40, s9, s14, $0xb8;
	[tilespmem:$0x14440] =	vst v63  }
0x25: {  	_ = 	snop  }
0x26: {  	[tilespmem:s16], [sflag:$0x1] =	stream.indirect.gather [hbm4b:s4+s14], $0x40, s10, s14, $0xb8;
	[tilespmem:$0x14440] =	vst v63  }
0x27: {  	_ = 	snop  }
0x28: {  	[tilespmem:s18], [sflag:$0x1] =	stream.indirect.gather [hbm4b:s4+s17], $0x40, s6, s17, $0xb8;
	[tilespmem:$0x14440] =	vst v63  }
0x29: {  	s7 =	simm.s32 $0x440  }
0x2a: {  	[tilespmem:s20], [sflag:$0x1] =	stream.indirect.gather [hbm4b:s4+s17], $0x40, s7, s17, $0xb8;
	[tilespmem:$0x14440] =	vst v63  }
0x2b: {  	s8 =	simm.s32 $0x480  }
0x2c: {  	[tilespmem:s22], [sflag:$0x1] =	stream.indirect.gather [hbm4b:s4+s17], $0x40, s8, s17, $0xb8;
	[tilespmem:$0x14440] =	vst v63  }
0x2d: {  	s9 =	simm.s32 $0x4C0  }
0x2e: {  	[tilespmem:s24], [sflag:$0x1] =	stream.indirect.gather [hbm4b:s4+s17], $0x40, s9, s17, $0xb8;
	[tilespmem:$0x14440] =	vst v63  }
0x2f: {  	s10 =	simm.s32 $0x500  }
0x30: {  	[tilespmem:s26], [sflag:$0x1] =	stream.indirect.gather [hbm4b:s4+s17], $0x40, s10, s17, $0xb8;
	[tilespmem:$0x14440] =	vst v63  }
0x31: {  	s5 =	simm.s32 $0x0;
	s13 =	simm.s32 $0x540  }
0x32: {  	[tilespmem:s29], [sflag:$0x1] =	stream.indirect.gather [hbm4b:s4+s17], $0x40, s13, s17, $0xb8;
	[tilespmem:$0x14440] =	vst v63  }
.LBB2_2:
0x33: {  	s2 =	sshllo.u32 s5, $0x1  }
0x34: {  	s6 =	sshll.u32 s2, $0x3;
	s2 =	smul.u32 $0x640, s2  }
0x35: {  	[tilespmem:s30], [sflag:$0x2] =	stream.indirect.gather [hbm4b:s3+s14], $0x40, s6, s14, $0xb8;
	[tilespmem:$0x14440] =	vst v63  }
0x36: {  	s6 =	sadd.s32 $0x200, s6;
	s2 =	sshra.s32 s2, $0x2  }
0x37: {  	[tilespmem:s31], [sflag:$0x2] =	stream.indirect.gather [hbm4b:s4+s14], $0x40, s6, s14, $0xb8;
	[tilespmem:$0x14440] =	vst v63  }
0x38: {  	s7 =	sadd.s32 $0x400, s2  }
0x39: {  	[tilespmem:s1], [sflag:$0x2] =	stream.indirect.gather [hbm4b:s4+s17], $0x40, s7, s17, $0xb8;
	[tilespmem:$0x14440] =	vst v63  }
0x3a: {  	s8 =	sadd.s32 $0x440, s2  }
0x3b: {  	[tilespmem:s0], [sflag:$0x2] =	stream.indirect.gather [hbm4b:s4+s17], $0x40, s8, s17, $0xb8;
	[tilespmem:$0x14440] =	vst v63  }
0x3c: {  	s9 =	sadd.s32 $0x480, s2  }
0x3d: {  	[tilespmem:s19], [sflag:$0x2] =	stream.indirect.gather [hbm4b:s4+s17], $0x40, s9, s17, $0xb8;
	[tilespmem:$0x14440] =	vst v63  }
0x3e: {  	s10 =	sadd.s32 $0x4C0, s2  }
0x3f: {  	[tilespmem:s21], [sflag:$0x2] =	stream.indirect.gather [hbm4b:s4+s17], $0x40, s10, s17, $0xb8;
	[tilespmem:$0x14440] =	vst v63  }
0x40: {  	s13 =	sadd.s32 $0x500, s2  }
0x41: {  	[tilespmem:s23], [sflag:$0x2] =	stream.indirect.gather [hbm4b:s4+s17], $0x40, s13, s17, $0xb8;
	[tilespmem:$0x14440] =	vst v63  }
0x42: {  	s2 =	sadd.s32 $0x540, s2  }
0x43: {  	[tilespmem:s25], [sflag:$0x2] =	stream.indirect.gather [hbm4b:s4+s17], $0x40, s2, s17, $0xb8;
	[tilespmem:$0x14440] =	vst v63  }
0x44: {  	_ =	swait.ge [sflag:s28], $0x200  }
0x45: {  	[sflag:s28] =	ssyncset.done $0x0  }
0x46: {  	[sflag:s28] =	ssyncadd.s32 $0xFFFFFE00  }
0x47: {  	_ =	swait.ge [sflag:s28], $0x200  }
0x48: {  	[sflag:s28] =	ssyncset.done $0x0  }
0x49: {  	[sflag:s28] =	ssyncadd.s32 $0xFFFFFE00  }
0x4a: {  	_ =	swait.ge [sflag:s28], $0x1000  }
0x4b: {  	[sflag:s28] =	ssyncset.done $0x0  }
0x4c: {  	[sflag:s28] =	ssyncadd.s32 $0xFFFFF000  }
0x4d: {  	_ =	swait.ge [sflag:s28], $0x1000  }
0x4e: {  	[sflag:s28] =	ssyncset.done $0x0  }
0x4f: {  	[sflag:s28] =	ssyncadd.s32 $0xFFFFF000  }
0x50: {  	_ =	swait.ge [sflag:s28], $0x1000  }
0x51: {  	[sflag:s28] =	ssyncset.done $0x0  }
0x52: {  	[sflag:s28] =	ssyncadd.s32 $0xFFFFF000  }
0x53: {  	_ =	swait.ge [sflag:s28], $0x1000  }
0x54: {  	[sflag:s28] =	ssyncset.done $0x0  }
0x55: {  	[sflag:s28] =	ssyncadd.s32 $0xFFFFF000  }
0x56: {  	_ =	swait.ge [sflag:s28], $0x1000  }
0x57: {  	[sflag:s28] =	ssyncset.done $0x0  }
0x58: {  	[sflag:s28] =	ssyncadd.s32 $0xFFFFF000  }
0x59: {  	_ =	swait.ge [sflag:s28], $0x1000  }
0x5a: {  	s6 =	sshll.u32 s5, $0x1;
	[sflag:s28] =	ssyncset.done $0x0  }
0x5b: {  	v9 =	vimm.f32 $0.0e+00;
	v10 =	vimm.f32 $0.0e+00;
	s7 =	simm.s32 $0x0;
	s8 =	simm.s32 $0x6E40;
	[sflag:s28] =	ssyncadd.s32 $0xFFFFF000  }
.LBB2_3:
0x5c: {  	s2 =	sshll.u32 s7, $0x6  }
0x5d: {  	v13 =	vld [tilespmem:s2+$0x6840]  }
0x5e: {  	v14 =	vld [tilespmem:s2+$0x6850]  }
0x5f: {  	v15 =	vld [tilespmem:s2+$0x6860]  }
0x60: {  	v17 =	vmov s8;
	v16 =	vld [tilespmem:s2+$0x6870]  }
0x61: {  	v11 =	vld [tilespmem:s2+$0x6A40]  }
0x62: {  	v12 =	vld [tilespmem:s2+$0x6A50]  }
0x63: {  	v18 =	vld [tilespmem:s2+$0x6A60]  }
0x64: {  	s13 =	simm.s32 $0x0;
	v19 =	vld [tilespmem:s2+$0x6A70]  }
0x65: {  	v20 =	vld.idx.msk [tilespmem:v17+s13+$0xFFFFFE30 ss:$0x1], $0xffff  }
0x66: {  	v21 =	vld.idx.msk [tilespmem:v17+s13+$0x30 ss:$0x1], $0xffff  }
0x67: {  	v22 =	vld.idx.msk [tilespmem:v17+s13+$0xFFFFFF30 ss:$0x1], $0xffff  }
0x68: {  	v23 =	vld.idx.msk [tilespmem:v17+s13+$0x130 ss:$0x1], $0xffff  }
0x69: {  	v24 =	vld.idx.msk [tilespmem:v17+s13+$0xFFFFFEB0 ss:$0x1], $0xffff  }
0x6a: {  	v25 =	vld.idx.msk [tilespmem:v17+s13+$0xB0 ss:$0x1], $0xffff  }
0x6b: {  	v26 =	vld.idx.msk [tilespmem:v17+s13+$0xFFFFFFB0 ss:$0x1], $0xffff  }
0x6c: {  	v27 =	vld.idx.msk [tilespmem:v17+s13+$0x1B0 ss:$0x1], $0xffff  }
0x6d: {  	v28 =	vld.idx.msk [tilespmem:v17+s13+$0xFFFFFE70 ss:$0x1], $0xffff  }
0x6e: {  	v29 =	vld.idx.msk [tilespmem:v17+s13+$0xFFFFFE20 ss:$0x1], $0xffff  }
0x6f: {  	v30 =	vld.idx.msk [tilespmem:v17+s13+$0x20 ss:$0x1], $0xffff  }
0x70: {  	v31 =	vld.idx.msk [tilespmem:v17+s13+$0xFFFFFF20 ss:$0x1], $0xffff  }
0x71: {  	v32 =	vld.idx.msk [tilespmem:v17+s13+$0x120 ss:$0x1], $0xffff  }
0x72: {  	v33 =	vld.idx.msk [tilespmem:v17+s13+$0xFFFFFEA0 ss:$0x1], $0xffff  }
0x73: {  	v34 =	vld.idx.msk [tilespmem:v17+s13+$0xA0 ss:$0x1], $0xffff  }
0x74: {  	v35 =	vld.idx.msk [tilespmem:v17+s13+$0xFFFFFFA0 ss:$0x1], $0xffff  }
0x75: {  	v36 =	vld.idx.msk [tilespmem:v17+s13+$0x1A0 ss:$0x1], $0xffff  }
0x76: {  	v37 =	vld.idx.msk [tilespmem:v17+s13+$0xFFFFFE00 ss:$0x1], $0xffff  }
0x77: {  	v58 =	vld.idx.msk [tilespmem:v17+s13+$0xFFFFFE10 ss:$0x1], $0xffff  }
0x78: {  	v39 =	vld.idx.msk [tilespmem:v17+s13+$0x0 ss:$0x1], $0xffff  }
0x79: {  	v40 =	vld.idx.msk [tilespmem:v17+s13+$0x10 ss:$0x1], $0xffff  }
0x7a: {  	v41 =	vld.idx.msk [tilespmem:v17+s13+$0xFFFFFF00 ss:$0x1], $0xffff;
	v11 =	vmul.f32 v11, v13;
	v12 =	vmul.f32 v12, v14  }
0x7b: {  	v59 =	vld.idx.msk [tilespmem:v17+s13+$0xFFFFFF10 ss:$0x1], $0xffff  }
0x7c: {  	v43 =	vld.idx.msk [tilespmem:v17+s13+$0x100 ss:$0x1], $0xffff;
	v11 =	vadd.f32 v12, v11;
	v12 =	vmul.f32 v18, v15  }
0x7d: {  	v44 =	vld.idx.msk [tilespmem:v17+s13+$0x110 ss:$0x1], $0xffff  }
0x7e: {  	v45 =	vld.idx.msk [tilespmem:v17+s13+$0xFFFFFE80 ss:$0x1], $0xffff;
	v11 =	vadd.f32 v12, v11;
	v12 =	vmul.f32 v19, v16  }
0x7f: {  	v60 =	vld.idx.msk [tilespmem:v17+s13+$0xFFFFFE90 ss:$0x1], $0xffff;
	v18 =	vmul.f32 v20, v16;
	v21 =	vmul.f32 v21, v16  }
0x80: {  	v47 =	vld.idx.msk [tilespmem:v17+s13+$0xFFFFFF80 ss:$0x1], $0xffff;
	v19 =	vmul.f32 v22, v16;
	v23 =	vmul.f32 v23, v16  }
0x81: {  	v48 =	vld.idx.msk [tilespmem:v17+s13+$0xFFFFFF90 ss:$0x1], $0xffff;
	v20 =	vmul.f32 v24, v16;
	v25 =	vmul.f32 v25, v16  }
0x82: {  	v50 =	vld.idx.msk [tilespmem:v17+s13+$0x190 ss:$0x1], $0xffff;
	v26 =	vmul.f32 v26, v16;
	v49 =	vmul.f32 v28, v16  }
0x83: {  	v51 =	vld.idx.msk [tilespmem:v17+s13+$0xFFFFFE40 ss:$0x1], $0xffff;
	v28 =	vmul.f32 v29, v15;
	v29 =	vmul.f32 v30, v15  }
0x84: {  	v52 =	vld.idx.msk [tilespmem:v17+s13+$0xFFFFFE50 ss:$0x1], $0xffff;
	v31 =	vmul.f32 v31, v15;
	v32 =	vmul.f32 v32, v15  }
0x85: {  	v53 =	vld.idx.msk [tilespmem:v17+s13+$0x40 ss:$0x1], $0xffff;
	v33 =	vmul.f32 v33, v15;
	v34 =	vmul.f32 v34, v15  }
0x86: {  	v54 =	vld.idx.msk [tilespmem:v17+s13+$0x50 ss:$0x1], $0xffff;
	v35 =	vmul.f32 v35, v15;
	v36 =	vmul.f32 v36, v15  }
0x87: {  	v55 =	vld.idx.msk [tilespmem:v17+s13+$0xFFFFFF40 ss:$0x1], $0xffff;
	v37 =	vmul.f32 v37, v13;
	v39 =	vmul.f32 v39, v13  }
0x88: {  	v61 =	vld.idx.msk [tilespmem:v17+s13+$0xC0 ss:$0x1], $0xffff;
	v40 =	vmul.f32 v40, v14;
	v41 =	vmul.f32 v41, v13  }
0x89: {  	v62 =	vld.idx.msk [tilespmem:v17+s13+$0xD0 ss:$0x1], $0xffff;
	v43 =	vmul.f32 v43, v13;
	v44 =	vmul.f32 v44, v14  }
0x8a: {  	v1 =	vld.idx.msk [tilespmem:v17+s13+$0xFFFFFFD0 ss:$0x1], $0xffff;
	v45 =	vmul.f32 v45, v13;
	v47 =	vmul.f32 v47, v13;
	v11 =	vadd.f32 v12, v11  }
0x8b: {  	v22 =	vld.idx.msk [tilespmem:v17+s13+$0x80 ss:$0x1], $0xffff;
	v48 =	vmul.f32 v48, v14;
	v50 =	vmul.f32 v50, v14  }
0x8c: {  	v24 =	vld.idx.msk [tilespmem:v17+s13+$0x90 ss:$0x1], $0xffff;
	v51 =	vmul.f32 v51, v13;
	v12 =	vperm.xlane v11, v0  }
0x8d: {  	v30 =	vld.idx.msk [tilespmem:v17+s13+$0x180 ss:$0x1], $0xffff;
	v52 =	vmul.f32 v52, v14;
	v53 =	vmul.f32 v53, v13  }
0x8e: {  	v63 =	vld.idx.msk [tilespmem:v17+s13+$0xFFFFFFC0 ss:$0x1], $0xffff;
	v54 =	vmul.f32 v54, v14;
	v55 =	vmul.f32 v55, v13;
	v11 =	vadd.f32 v11, v12  }
0x8f: {  	v56 =	vld.idx.msk [tilespmem:v17+s13+$0xFFFFFF50 ss:$0x1], $0xffff;
	v1 =	vmul.f32 v1, v14;
	v39 =	vadd.f32 v40, v39;
	v40 =	vmul.f32 v61, v13  }
0x90: {  	v57 =	vld.idx.msk [tilespmem:v17+s13+$0x140 ss:$0x1], $0xffff;
	v43 =	vadd.f32 v44, v43;
	v61 =	vmul.f32 v62, v14;
	v12 =	vperm.xlane v11, v38  }
0x91: {  	v2 =	vld.idx.msk [tilespmem:v17+s13+$0x1C0 ss:$0x1], $0xffff;
	v47 =	vadd.f32 v48, v47;
	v22 =	vmul.f32 v22, v13;
	v24 =	vmul.f32 v24, v14  }
0x92: {  	v62 =	vld.idx.msk [tilespmem:v17+s13+$0x60 ss:$0x1], $0xffff;
	v40 =	vadd.f32 v61, v40;
	v30 =	vmul.f32 v30, v13;
	v11 =	vadd.f32 v11, v12  }
0x93: {  	v22 =	vadd.f32 v24, v22;
	v24 =	vmul.f32 v63, v13;
	v63 =	vld.idx.msk [tilespmem:v17+s13+$0x160 ss:$0x1], $0xffff;
	v38 =	vmul.f32 v58, v14  }
0x94: {  	v47 =	vadd.f32 v35, v47;
	v30 =	vadd.f32 v50, v30;
	v58 =	vld.idx.msk [tilespmem:v17+s13+$0x150 ss:$0x1], $0xffff;
	v12 =	vperm.xlane v11, v42  }
0x95: {  	v56 =	vmul.f32 v56, v14;
	v50 =	vadd.f32 v52, v51;
	v37 =	vadd.f32 v38, v37;
	v38 =	vld.idx.msk [tilespmem:v17+s13+$0x1D0 ss:$0x1], $0xffff  }
0x96: {  	v57 =	vmul.f32 v57, v13;
	v1 =	vadd.f32 v1, v24;
	v24 =	vld.idx.msk [tilespmem:v17+s13+$0xFFFFFFE0 ss:$0x1], $0xffff;
	v11 =	vadd.f32 v11, v12  }
0x97: {  	v52 =	vadd.f32 v54, v53;
	v61 =	vmul.f32 v62, v15;
	v42 =	vmul.f32 v59, v14;
	v59 =	vld.idx.msk [tilespmem:v17+s13+$0xFFFFFEC0 ss:$0x1], $0xffff  }
0x98: {  	v53 =	vadd.f32 v56, v55;
	v12 =	vperm.xlane v11, v46;
	v46 =	vmul.f32 v60, v14;
	v60 =	vld.idx.msk [tilespmem:v17+s13+$0xFFFFFED0 ss:$0x1], $0xffff  }
0x99: {  	v2 =	vmul.f32 v2, v13;
	v48 =	vld.idx.msk [tilespmem:v17+s13+$0xFFFFFF60 ss:$0x1], $0xffff;
	v36 =	vadd.f32 v36, v30;
	v44 =	vadd.f32 v61, v52  }
0x9a: {  	v58 =	vmul.f32 v58, v14;
	v41 =	vadd.f32 v42, v41;
	v42 =	vld.idx.msk [tilespmem:v17+s13+$0xFFFFFE60 ss:$0x1], $0xffff;
	v38 =	vmul.f32 v38, v14  }
0x9b: {  	v62 =	vld.idx.msk [tilespmem:v17+s13+$0x1E0 ss:$0x1], $0xffff;
	v28 =	vadd.f32 v28, v37;
	v63 =	vmul.f32 v63, v15;
	v24 =	vmul.f32 v24, v15  }
0x9c: {  	v54 =	vld.idx.msk [tilespmem:v17+s13+$0xFFFFFEE0 ss:$0x1], $0xffff;
	v55 =	vadd.f32 v58, v57;
	v59 =	vmul.f32 v59, v13;
	v2 =	vadd.f32 v38, v2  }
0x9d: {  	v38 =	vadd.f32 v29, v39;
	v39 =	vadd.f32 v31, v41;
	v31 =	vld.idx.msk [tilespmem:v17+s13+$0x70 ss:$0x1], $0xffff;
	v60 =	vmul.f32 v60, v14  }
0x9e: {  	v61 =	vld.idx.msk [tilespmem:v17+s13+$0xF0 ss:$0x1], $0xffff;
	v58 =	vadd.f32 v34, v22;
	v29 =	vmul.f32 v48, v15;
	v41 =	vadd.f32 v32, v43  }
0x9f: {  	v45 =	vadd.f32 v46, v45;
	v42 =	vmul.f32 v42, v15;
	v56 =	vadd.f32 v60, v59;
	v60 =	vld.idx.msk [tilespmem:v17+s13+$0xE0 ss:$0x1], $0xffff  }
0xa0: {  	v34 =	vadd.f32 v63, v55;
	v35 =	vadd.f32 v29, v53;
	v29 =	vmul.f32 v62, v15;
	v62 =	vld.idx.msk [tilespmem:v17+s13+$0xFFFFFFF0 ss:$0x1], $0xffff  }
0xa1: {  	v22 =	vmul.f32 v54, v15;
	v43 =	vadd.f32 v33, v45;
	v45 =	vld.idx.msk [tilespmem:v17+s13+$0xFFFFFF70 ss:$0x1], $0xffff;
	v42 =	vadd.f32 v42, v50  }
0xa2: {  	v21 =	vadd.f32 v21, v38;
	v63 =	vmul.f32 v31, v16;
	v31 =	vadd.f32 v24, v1;
	v59 =	vld.idx.msk [tilespmem:v17+s13+$0x170 ss:$0x1], $0xffff  }
0xa3: {  	v27 =	vmul.f32 v27, v16;
	v1 =	vld.idx.msk [tilespmem:v17+s13+$0x1F0 ss:$0x1], $0xffff;
	v24 =	vadd.f32 v26, v47;
	v26 =	vadd.f32 v49, v42  }
0xa4: {  	v33 =	vadd.f32 v22, v56;
	v22 =	vadd.f32 v20, v43;
	v30 =	vmul.f32 v60, v15;
	v60 =	vld.idx.msk [tilespmem:v17+s13+$0xFFFFFEF0 ss:$0x1], $0xffff  }
0xa5: {  	v38 =	vmul.f32 v61, v16;
	v20 =	vadd.f32 v25, v58;
	v25 =	vadd.f32 v63, v44  }
0xa6: {  	v37 =	vmul.f32 v45, v16;
	v32 =	vadd.f32 v30, v40;
	v30 =	vadd.f32 v29, v2  }
0xa7: {  	v29 =	vadd.f32 v18, v28;
	v40 =	vmul.f32 v59, v16;
	v28 =	vadd.f32 v19, v39  }
0xa8: {  	v19 =	vadd.f32 v23, v41;
	v23 =	vadd.f32 v27, v36;
	v36 =	vmul.f32 v62, v16  }
0xa9: {  	s10 =	simm.s32 $0x1000;
	s9 =	simm.s32 $0x0;
	v27 =	vmul.f32 v1, v16;
	v18 =	vimm.f32 $0.0e+00;
	v39 =	vmul.f32 v60, v16  }
.LBB2_4:
0xaa: {  	s2 =	sshra.s32 s10, $0x2;
	p0 =	sne.s32 s10, $0x3000;
	v1 =	vadd.f32 v37, v35;
	v2 =	vperm.xlane v21, v0;
	v35 =	vperm.xlane v29, v0  }
0xab: {  	v34 =	vadd.f32 v40, v34;
	v40 =	vperm.xlane v19, v0;
	v41 =	vperm.xlane v28, v0;
	v37 =	vld.idx.msk [tilespmem:v17+s2+$0xFFFFFE30 ss:$0x1], $0xffff  }
0xac: {  	v33 =	vadd.f32 v39, v33;
	v39 =	vperm.xlane v20, v0;
	v43 =	vperm.xlane v22, v0;
	v42 =	vld.idx.msk [tilespmem:v17+s2+$0x30 ss:$0x1], $0xffff  }
0xad: {  	v32 =	vadd.f32 v38, v32;
	v38 =	vperm.xlane v23, v0;
	v45 =	vperm.xlane v24, v0;
	v44 =	vld.idx.msk [tilespmem:v17+s2+$0xFFFFFF30 ss:$0x1], $0xffff  }
0xae: {  	v31 =	vadd.f32 v36, v31;
	v36 =	vperm.xlane v25, v0;
	v47 =	vperm.xlane v26, v0;
	v46 =	vld.idx.msk [tilespmem:v17+s2+$0x130 ss:$0x1], $0xffff  }
0xaf: {  	v27 =	vadd.f32 v27, v30;
	v30 =	vperm.xlane v34, v0;
	v49 =	vperm.xlane v1, v0;
	v48 =	vld.idx.msk [tilespmem:v17+s2+$0xFFFFFEB0 ss:$0x1], $0xffff  }
0xb0: {  	v51 =	vperm.xlane v32, v0;
	v52 =	vperm.xlane v33, v0;
	v50 =	vld.idx.msk [tilespmem:v17+s2+$0xB0 ss:$0x1], $0xffff  }
0xb1: {  	v2 =	vsel vm2, v29, v2;
	v54 =	vperm.xlane v31, v0;
	v29 =	vperm.xlane v27, v0;
	v53 =	vld.idx.msk [tilespmem:v17+s2+$0xFFFFFFB0 ss:$0x1], $0xffff  }
0xb2: {  	v21 =	vsel vm2, v35, v21;
	v28 =	vsel vm2, v28, v40;
	v19 =	vsel vm2, v41, v19;
	v55 =	vld.idx.msk [tilespmem:v17+s2+$0x1B0 ss:$0x1], $0xffff  }
0xb3: {  	v22 =	vsel vm2, v22, v39;
	v20 =	vsel vm2, v43, v20;
	v24 =	vsel vm2, v24, v38;
	v35 =	vld.idx.msk [tilespmem:v17+s2+$0xFFFFFE70 ss:$0x1], $0xffff  }
0xb4: {  	v23 =	vsel vm2, v45, v23;
	v26 =	vsel vm2, v26, v36;
	v25 =	vsel vm2, v47, v25;
	v38 =	vld.idx.msk [tilespmem:v17+s2+$0xFFFFFE20 ss:$0x1], $0xffff  }
0xb5: {  	v1 =	vsel vm2, v1, v30;
	v30 =	vsel vm2, v49, v34;
	v33 =	vsel vm2, v33, v51;
	v36 =	vld.idx.msk [tilespmem:v17+s2+$0x20 ss:$0x1], $0xffff  }
0xb6: {  	v2 =	vadd.f32 v21, v2;
	v19 =	vadd.f32 v19, v28;
	v21 =	vsel vm2, v52, v32;
	v34 =	vld.idx.msk [tilespmem:v17+s2+$0xFFFFFF20 ss:$0x1], $0xffff  }
0xb7: {  	v20 =	vadd.f32 v20, v22;
	v22 =	vadd.f32 v23, v24;
	v23 =	vsel vm2, v31, v29;
	v28 =	vld.idx.msk [tilespmem:v17+s2+$0x120 ss:$0x1], $0xffff  }
0xb8: {  	v24 =	vadd.f32 v25, v26;
	v25 =	vsel vm2, v54, v27;
	v1 =	vadd.f32 v30, v1;
	v29 =	vld.idx.msk [tilespmem:v17+s2+$0xFFFFFEA0 ss:$0x1], $0xffff  }
0xb9: {  	v21 =	vadd.f32 v21, v33;
	v26 =	vperm.xlane v19, v5;
	v27 =	vperm.xlane v2, v5;
	v30 =	vld.idx.msk [tilespmem:v17+s2+$0xA0 ss:$0x1], $0xffff  }
0xba: {  	v32 =	vperm.xlane v20, v5;
	v23 =	vadd.f32 v25, v23;
	v25 =	vperm.xlane v22, v5;
	v31 =	vld.idx.msk [tilespmem:v17+s2+$0xFFFFFFA0 ss:$0x1], $0xffff  }
0xbb: {  	v40 =	vperm.xlane v24, v5;
	v39 =	vperm.xlane v1, v5;
	v33 =	vld.idx.msk [tilespmem:v17+s2+$0x1A0 ss:$0x1], $0xffff  }
0xbc: {  	v2 =	vsel vm0, v2, v26;
	v43 =	vperm.xlane v21, v5;
	v26 =	vperm.xlane v23, v5;
	v41 =	vld.idx.msk [tilespmem:v17+s2+$0xFFFFFE00 ss:$0x1], $0xffff  }
0xbd: {  	v19 =	vsel vm0, v27, v19;
	v22 =	vsel vm0, v32, v22;
	v20 =	vsel vm0, v20, v25;
	v45 =	vld.idx.msk [tilespmem:v17+s2+$0xFFFFFE10 ss:$0x1], $0xffff  }
0xbe: {  	v1 =	vsel vm0, v40, v1;
	v24 =	vsel vm0, v24, v39;
	v21 =	vsel vm0, v21, v26;
	v32 =	vld.idx.msk [tilespmem:v17+s2+$0x0 ss:$0x1], $0xffff  }
0xbf: {  	v2 =	vadd.f32 v19, v2;
	v22 =	vadd.f32 v22, v20;
	v20 =	vsel vm0, v43, v23;
	v39 =	vld.idx.msk [tilespmem:v17+s2+$0x10 ss:$0x1], $0xffff  }
0xc0: {  	v19 =	vmul.f32 v37, v16;
	v1 =	vadd.f32 v1, v24;
	v23 =	vadd.f32 v20, v21;
	v37 =	vld.idx.msk [tilespmem:v17+s2+$0xFFFFFF00 ss:$0x1], $0xffff  }
0xc1: {  	v25 =	vperm.xlane v2, v6;
	v24 =	vperm.xlane v22, v6;
	v40 =	vld.idx.msk [tilespmem:v17+s2+$0xFFFFFF10 ss:$0x1], $0xffff  }
0xc2: {  	v27 =	vperm.xlane v1, v6;
	v26 =	vperm.xlane v23, v6;
	v43 =	vld.idx.msk [tilespmem:v17+s2+$0x100 ss:$0x1], $0xffff  }
0xc3: {  	v21 =	vmul.f32 v42, v16;
	v20 =	vmul.f32 v44, v16;
	v2 =	vsel vm1, v2, v24;
	v42 =	vld.idx.msk [tilespmem:v17+s2+$0x110 ss:$0x1], $0xffff  }
0xc4: {  	v24 =	vsel vm1, v25, v22;
	v23 =	vsel vm1, v27, v23;
	v1 =	vsel vm1, v1, v26;
	v44 =	vld.idx.msk [tilespmem:v17+s2+$0xFFFFFE80 ss:$0x1], $0xffff  }
0xc5: {  	v22 =	vmul.f32 v46, v16;
	v2 =	vadd.f32 v24, v2;
	v1 =	vadd.f32 v23, v1;
	v46 =	vld.idx.msk [tilespmem:v17+s2+$0xFFFFFE90 ss:$0x1], $0xffff  }
0xc6: {  	v24 =	vmul.f32 v50, v16;
	v23 =	vmul.f32 v48, v16;
	v47 =	vld.idx.msk [tilespmem:v17+s2+$0x80 ss:$0x1], $0xffff  }
0xc7: {  	v50 =	vperm.xlane v2, v7;
	v49 =	vperm.xlane v1, v7;
	v48 =	vld.idx.msk [tilespmem:v17+s2+$0x90 ss:$0x1], $0xffff  }
0xc8: {  	v25 =	vmul.f32 v53, v16;
	v26 =	vmul.f32 v55, v16;
	v51 =	vld.idx.msk [tilespmem:v17+s2+$0xFFFFFF80 ss:$0x1], $0xffff  }
0xc9: {  	v27 =	vmul.f32 v35, v16;
	v1 =	vsel vm3, v50, v1;
	v2 =	vsel vm3, v2, v49;
	v52 =	vld.idx.msk [tilespmem:v17+s2+$0xFFFFFF90 ss:$0x1], $0xffff  }
0xca: {  	v35 =	vmul.f32 v38, v15;
	v36 =	vmul.f32 v36, v15;
	v1 =	vadd.f32 v1, v2;
	v38 =	vld.idx.msk [tilespmem:v17+s2+$0x180 ss:$0x1], $0xffff  }
0xcb: {  	v28 =	vmul.f32 v28, v15;
	v2 =	vmul.f32 v34, v15;
	v34 =	vld.idx.msk [tilespmem:v17+s2+$0x190 ss:$0x1], $0xffff  }
0xcc: {  	v29 =	vmul.f32 v29, v15;
	v1 =	vmul.f32 $1.442695020e+00, v1;
	v49 =	vld.idx.msk [tilespmem:v17+s2+$0xFFFFFE40 ss:$0x1], $0xffff  }
0xcd: {  	v30 =	vmul.f32 v30, v15;
	v31 =	vmul.f32 v31, v15;
	v50 =	vld.idx.msk [tilespmem:v17+s2+$0xFFFFFE50 ss:$0x1], $0xffff  }
0xce: {  	v33 =	vmul.f32 v33, v15;
	v53 =	vld.idx.msk [tilespmem:v17+s2+$0x40 ss:$0x1], $0xffff;
	(erf) = vpow2.f32 v1  }
0xcf: {  	v1 =	vmul.f32 v41, v13;
	v41 =	vmul.f32 v45, v14;
	v45 =	vld.idx.msk [tilespmem:v17+s2+$0x50 ss:$0x1], $0xffff  }
0xd0: {  	v32 =	vmul.f32 v32, v13;
	v39 =	vmul.f32 v39, v14;
	v54 =	vld.idx.msk [tilespmem:v17+s2+$0xFFFFFF40 ss:$0x1], $0xffff  }
0xd1: {  	v37 =	vmul.f32 v37, v13;
	v40 =	vmul.f32 v40, v14;
	v55 =	vld.idx.msk [tilespmem:v17+s2+$0xFFFFFF50 ss:$0x1], $0xffff  }
0xd2: {  	v43 =	vmul.f32 v43, v13;
	v42 =	vmul.f32 v42, v14;
	v56 =	vld.idx.msk [tilespmem:v17+s2+$0x140 ss:$0x1], $0xffff  }
0xd3: {  	v44 =	vmul.f32 v44, v13;
	v46 =	vmul.f32 v46, v14;
	v57 =	vld.idx.msk [tilespmem:v17+s2+$0x150 ss:$0x1], $0xffff  }
0xd4: {  	p1 =	seq.s32 s9, $0x3000;
	s9 =	smov.u32 s10;
	s13 =	simm.s32 $0x2;
	v47 =	vmul.f32 v47, v13;
	v48 =	vmul.f32 v48, v14;
	v58 =	vld.idx.msk [tilespmem:v17+s2+$0xFFFFFEC0 ss:$0x1], $0xffff  }
0xd5: {  	s13 =	simm.s32 @!p1 $0x10;
	v51 =	vmul.f32 v51, v13;
	v52 =	vmul.f32 v52, v14;
	v59 =	vld.idx.msk [tilespmem:v17+s2+$0xFFFFFED0 ss:$0x1], $0xffff  }
0xd6: {  	v3 =	vmov s13;
	v38 =	vmul.f32 v38, v13;
	v34 =	vmul.f32 v34, v14;
	v60 =	vld.idx.msk [tilespmem:v17+s2+$0xC0 ss:$0x1], $0xffff  }
0xd7: {  	vm4 =	vgt.u32 v3, v8;
	v49 =	vmul.f32 v49, v13;
	v50 =	vmul.f32 v50, v14;
	v62 =	vld.idx.msk [tilespmem:v17+s2+$0xD0 ss:$0x1], $0xffff;
	v61 =	vpop (erf)  }
0xd8: {  	v53 =	vmul.f32 v53, v13;
	v45 =	vmul.f32 v45, v14;
	v63 =	vld.idx.msk [tilespmem:v17+s2+$0xFFFFFFC0 ss:$0x1], $0xffff;
	v61 =	vnsel vm4, $0x0, v61  }
0xd9: {  	v54 =	vmul.f32 v54, v13;
	v55 =	vmul.f32 v55, v14;
	v3 =	vld.idx.msk [tilespmem:v17+s2+$0xFFFFFFD0 ss:$0x1], $0xffff;
	v18 =	vadd.f32 v61, v18  }
0xda: {  	v56 =	vmul.f32 v56, v13;
	v57 =	vmul.f32 v57, v14;
	v61 =	vld.idx.msk [tilespmem:v17+s2+$0x1C0 ss:$0x1], $0xffff  }
0xdb: {  	v58 =	vmul.f32 v58, v13;
	v59 =	vmul.f32 v59, v14;
	v4 =	vld.idx.msk [tilespmem:v17+s2+$0x1D0 ss:$0x1], $0xffff  }
0xdc: {  	v32 =	vadd.f32 v39, v32;
	v1 =	vadd.f32 v41, v1;
	v41 =	vmul.f32 v60, v13;
	v39 =	vld.idx.msk [tilespmem:v17+s2+$0xFFFFFE60 ss:$0x1], $0xffff  }
0xdd: {  	v37 =	vadd.f32 v40, v37;
	v40 =	vadd.f32 v42, v43;
	v43 =	vmul.f32 v62, v14;
	v42 =	vld.idx.msk [tilespmem:v17+s2+$0x60 ss:$0x1], $0xffff  }
0xde: {  	v44 =	vadd.f32 v46, v44;
	v46 =	vadd.f32 v48, v47;
	v48 =	vmul.f32 v63, v13;
	v47 =	vld.idx.msk [tilespmem:v17+s2+$0xFFFFFF60 ss:$0x1], $0xffff  }
0xdf: {  	v51 =	vadd.f32 v52, v51;
	v34 =	vadd.f32 v34, v38;
	v3 =	vmul.f32 v3, v14;
	v38 =	vld.idx.msk [tilespmem:v17+s2+$0x160 ss:$0x1], $0xffff  }
0xe0: {  	v49 =	vadd.f32 v50, v49;
	v45 =	vadd.f32 v45, v53;
	v52 =	vmul.f32 v61, v13;
	v50 =	vld.idx.msk [tilespmem:v17+s2+$0xFFFFFEE0 ss:$0x1], $0xffff  }
0xe1: {  	v53 =	vadd.f32 v55, v54;
	v54 =	vadd.f32 v57, v56;
	v4 =	vmul.f32 v4, v14;
	v55 =	vld.idx.msk [tilespmem:v17+s2+$0xE0 ss:$0x1], $0xffff  }
0xe2: {  	v56 =	vadd.f32 v59, v58;
	v41 =	vadd.f32 v43, v41;
	v39 =	vmul.f32 v39, v15;
	v43 =	vld.idx.msk [tilespmem:v17+s2+$0xFFFFFFE0 ss:$0x1], $0xffff  }
0xe3: {  	v3 =	vadd.f32 v3, v48;
	v42 =	vmul.f32 v42, v15;
	v4 =	vadd.f32 v4, v52;
	v48 =	vld.idx.msk [tilespmem:v17+s2+$0x1E0 ss:$0x1], $0xffff  }
0xe4: {  	v36 =	vadd.f32 v36, v32;
	v1 =	vadd.f32 v35, v1;
	v35 =	vmul.f32 v47, v15;
	v32 =	vld.idx.msk [tilespmem:v17+s2+$0x70 ss:$0x1], $0xffff  }
0xe5: {  	v2 =	vadd.f32 v2, v37;
	v47 =	vadd.f32 v28, v40;
	v37 =	vmul.f32 v38, v15;
	v28 =	vld.idx.msk [tilespmem:v17+s2+$0xFFFFFF70 ss:$0x1], $0xffff  }
0xe6: {  	v38 =	vadd.f32 v29, v44;
	v44 =	vadd.f32 v30, v46;
	v29 =	vmul.f32 v50, v15;
	v40 =	vld.idx.msk [tilespmem:v17+s2+$0x170 ss:$0x1], $0xffff  }
0xe7: {  	v46 =	vadd.f32 v31, v51;
	v50 =	vadd.f32 v33, v34;
	v30 =	vmul.f32 v55, v15;
	v51 =	vld.idx.msk [tilespmem:v17+s2+$0xFFFFFEF0 ss:$0x1], $0xffff  }
0xe8: {  	v49 =	vadd.f32 v39, v49;
	v42 =	vadd.f32 v42, v45;
	v31 =	vmul.f32 v43, v15;
	v45 =	vld.idx.msk [tilespmem:v17+s2+$0xF0 ss:$0x1], $0xffff  }
0xe9: {  	v35 =	vadd.f32 v35, v53;
	v34 =	vadd.f32 v37, v54;
	v39 =	vmul.f32 v48, v15;
	v43 =	vld.idx.msk [tilespmem:v17+s2+$0xFFFFFFF0 ss:$0x1], $0xffff  }
0xea: {  	v33 =	vadd.f32 v29, v56;
	v48 =	vmul.f32 v32, v16;
	v32 =	vadd.f32 v30, v41;
	v41 =	vld.idx.msk [tilespmem:v17+s2+$0x1F0 ss:$0x1], $0xffff  }
0xeb: {  	v31 =	vadd.f32 v31, v3;
	v37 =	vmul.f32 v28, v16;
	v30 =	vadd.f32 v39, v4  }
.Ltmp0:
0xec: {  	v21 =	vadd.f32 v21, v36;
	v29 =	vadd.f32 v19, v1;
	v40 =	vmul.f32 v40, v16;
	(pc) =	sbr.rel @p0 .LBB2_4-.Ltmp0, $4  }
0xed: {  	v19 =	vadd.f32 v22, v47;
	v28 =	vadd.f32 v20, v2;
	v39 =	vmul.f32 v51, v16  }
0xee: {  	v22 =	vadd.f32 v23, v38;
	v20 =	vadd.f32 v24, v44;
	v38 =	vmul.f32 v45, v16  }
0xef: {  	v23 =	vadd.f32 v26, v50;
	v24 =	vadd.f32 v25, v46;
	v36 =	vmul.f32 v43, v16  }
0xf0: {  	s10 =	sadd.s32 $0x1000, s10;
	v26 =	vadd.f32 v27, v49;
	v25 =	vadd.f32 v48, v42;
	v27 =	vmul.f32 v41, v16  }
0xf1: {  	v2 =	vperm.xlane v21, v0  }
0xf2: {  	v1 =	vadd.f32 v37, v35;
	v3 =	vperm.xlane v29, v0;
	v13 =	vperm.xlane v19, v0  }
0xf3: {  	v4 =	vadd.f32 v40, v34;
	v14 =	vperm.xlane v28, v0;
	v16 =	vperm.xlane v20, v0  }
0xf4: {  	v15 =	vadd.f32 v39, v33;
	v17 =	vperm.xlane v22, v0;
	v57 =	vperm.xlane v23, v0  }
0xf5: {  	v32 =	vadd.f32 v38, v32;
	v58 =	vperm.xlane v24, v0;
	v59 =	vperm.xlane v25, v0  }
0xf6: {  	v31 =	vadd.f32 v36, v31;
	v60 =	vperm.xlane v26, v0;
	v61 =	vperm.xlane v4, v0  }
0xf7: {  	v27 =	vadd.f32 v27, v30;
	v37 =	vperm.xlane v1, v0;
	v38 =	vperm.xlane v32, v0  }
0xf8: {  	v39 =	vperm.xlane v15, v0;
	v2 =	vsel vm2, v29, v2;
	v63 =	vperm.xlane v31, v0  }
0xf9: {  	v3 =	vsel vm2, v3, v21;
	v13 =	vsel vm2, v28, v13;
	v14 =	vsel vm2, v14, v19  }
0xfa: {  	v16 =	vsel vm2, v22, v16;
	v17 =	vsel vm2, v17, v20;
	v42 =	vsel vm2, v24, v57  }
0xfb: {  	v43 =	vsel vm2, v58, v23;
	v62 =	vperm.xlane v27, v0;
	v44 =	vsel vm2, v26, v59  }
0xfc: {  	v45 =	vsel vm2, v60, v25;
	v2 =	vadd.f32 v3, v2;
	v3 =	vadd.f32 v14, v13  }
0xfd: {  	v47 =	vadd.f32 v17, v16;
	v48 =	vadd.f32 v43, v42;
	v1 =	vsel vm2, v1, v61  }
0xfe: {  	v4 =	vsel vm2, v37, v4;
	v15 =	vsel vm2, v15, v38;
	v46 =	vsel vm2, v39, v32  }
0xff: {  	v50 =	vadd.f32 v45, v44;
	v49 =	vsel vm2, v31, v62;
	v1 =	vadd.f32 v4, v1  }
0x100: {  	v4 =	vsel vm2, v63, v27;
	v51 =	vperm.xlane v3, v5;
	v52 =	vperm.xlane v2, v5  }
0x101: {  	v13 =	vadd.f32 v46, v15;
	v53 =	vperm.xlane v48, v5;
	v54 =	vperm.xlane v47, v5  }
0x102: {  	v4 =	vadd.f32 v4, v49;
	v56 =	vperm.xlane v50, v5;
	v55 =	vperm.xlane v1, v5  }
0x103: {  	v2 =	vsel vm0, v2, v51;
	v58 =	vperm.xlane v13, v5;
	v3 =	vsel vm0, v52, v3  }
0x104: {  	v14 =	vsel vm0, v47, v53;
	v16 =	vsel vm0, v54, v48;
	v57 =	vperm.xlane v4, v5  }
0x105: {  	v1 =	vsel vm0, v56, v1;
	v2 =	vadd.f32 v3, v2;
	v3 =	vadd.f32 v16, v14  }
0x106: {  	v59 =	vsel vm0, v50, v55;
	v4 =	vsel vm0, v58, v4;
	v13 =	vsel vm0, v13, v57  }
0x107: {  	v1 =	vadd.f32 v1, v59;
	v4 =	vadd.f32 v4, v13  }
0x108: {  	v60 =	vperm.xlane v3, v6;
	v61 =	vperm.xlane v2, v6  }
0x109: {  	v63 =	vperm.xlane v1, v6;
	v62 =	vperm.xlane v4, v6  }
0x10a: {  	v2 =	vsel vm1, v2, v60  }
0x10b: {  	v3 =	vsel vm1, v61, v3;
	v4 =	vsel vm1, v63, v4;
	v1 =	vsel vm1, v1, v62  }
0x10c: {  	v2 =	vadd.f32 v3, v2;
	v1 =	vadd.f32 v4, v1;
	_ =	sdelay $0x1  }
0x10d: {  	v4 =	vperm.xlane v2, v7;
	v3 =	vperm.xlane v1, v7;
	_ =	sdelay $0x1  }
0x10e: {  	v1 =	vsel vm3, v4, v1;
	v2 =	vsel vm3, v2, v3  }
0x10f: {  	v1 =	vadd.f32 v1, v2;
	_ =	sdelay $0x1  }
0x110: {  	v1 =	vmul.f32 $1.442695020e+00, v1;
	_ =	sdelay $0x1  }
0x111: {  	(erf) = vpow2.f32 v1;
	_ =	sdelay $0x3  }
0x112: {  	p0 =	seq.s32 s9, $0x3000;
	s2 =	simm.s32 $0x2  }
0x113: {  	s2 =	simm.s32 @!p0 $0x10  }
0x114: {  	v1 =	vmov s2;
	_ =	sdelay $0x2  }
0x115: {  	vm4 =	vgt.u32 v1, v8;
	v1 =	vpop (erf)  }
0x116: {  	v1 =	vnsel vm4, $0x0, v1  }
0x117: {  	v1 =	vadd.f32 v1, v18  }
0x118: {  	v38 =	vld [tilespmem:$0x1FFD0]  }
0x119: {  	v2 =	vperm.xlane v1, v0;
	_ =	sdelay $0x1  }
0x11a: {  	v1 =	vadd.f32 v2, v1  }
0x11b: {  	v42 =	vld [tilespmem:$0x1FFE0]  }
0x11c: {  	v2 =	vperm.xlane v1, v38;
	_ =	sdelay $0x1  }
0x11d: {  	v1 =	vadd.f32 v2, v1  }
0x11e: {  	v46 =	vld [tilespmem:$0x1FFF0]  }
0x11f: {  	v2 =	vperm.xlane v1, v42;
	_ =	sdelay $0x1  }
0x120: {  	v3 =	vmov s7;
	s7 =	sadd.s32 $0x1, s7;
	v1 =	vadd.f32 v2, v1  }
0x121: {  	p0 =	sne.s32 s7, $0x8  }
.Ltmp1:
0x122: {  	v2 =	vperm.xlane v1, v46;
	(pc) =	sbr.rel @p0 .LBB2_3-.Ltmp1, $4  }
0x123: {  	_ = 	snop  }
0x124: {  	v4 =	vadd.f32 v11, v12;
	v1 =	vadd.f32 v2, v1  }
0x125: {  	vm4 =	veq.s32 v3, v8  }
0x126: {  	s8 =	sadd.s32 $0xC80, s8;
	v10 =	vsel vm4, v4, v10;
	v9 =	vsel vm4, v1, v9  }
0x127: {  	s2 =	smin.u32 s6, $0x3D  }
0x128: {  	s2 =	sadd.s32 $0x2, s2  }
0x129: {  	s13 =	sshll.u32 s2, $0x3;
	s2 =	smul.u32 $0x640, s2  }
0x12a: {  	[tilespmem:s15], [sflag:$0x1] =	stream.indirect.gather [hbm4b:s3+s14], $0x40, s13, s14, $0xb8;
	[tilespmem:$0x14440] =	vst v63  }
0x12b: {  	s6 =	sadd.s32 $0x200, s13;
	s2 =	sshrl.u32 s2, $0x2  }
0x12c: {  	[tilespmem:s16], [sflag:$0x1] =	stream.indirect.gather [hbm4b:s4+s14], $0x40, s6, s14, $0xb8;
	[tilespmem:$0x14440] =	vst v63  }
0x12d: {  	s7 =	sadd.s32 $0x400, s2  }
0x12e: {  	[tilespmem:s18], [sflag:$0x1] =	stream.indirect.gather [hbm4b:s4+s17], $0x40, s7, s17, $0xb8;
	[tilespmem:$0x14440] =	vst v63  }
0x12f: {  	s8 =	sadd.s32 $0x440, s2  }
0x130: {  	[tilespmem:s20], [sflag:$0x1] =	stream.indirect.gather [hbm4b:s4+s17], $0x40, s8, s17, $0xb8;
	[tilespmem:$0x14440] =	vst v63  }
0x131: {  	s9 =	sadd.s32 $0x480, s2  }
0x132: {  	[tilespmem:s22], [sflag:$0x1] =	stream.indirect.gather [hbm4b:s4+s17], $0x40, s9, s17, $0xb8;
	[tilespmem:$0x14440] =	vst v63  }
0x133: {  	s10 =	sadd.s32 $0x4C0, s2  }
0x134: {  	[tilespmem:s24], [sflag:$0x1] =	stream.indirect.gather [hbm4b:s4+s17], $0x40, s10, s17, $0xb8;
	[tilespmem:$0x14440] =	vst v63  }
0x135: {  	s13 =	sadd.s32 $0x500, s2  }
0x136: {  	[tilespmem:s26], [sflag:$0x1] =	stream.indirect.gather [hbm4b:s4+s17], $0x40, s13, s17, $0xb8;
	[tilespmem:$0x14440] =	vst v63  }
0x137: {  	s2 =	sadd.s32 $0x540, s2  }
0x138: {  	[tilespmem:s29], [sflag:$0x1] =	stream.indirect.gather [hbm4b:s4+s17], $0x40, s2, s17, $0xb8;
	[tilespmem:$0x14440] =	vst v63  }
0x139: {  	_ =	swait.ge [sflag:s12], $0x200  }
0x13a: {  	[sflag:s12] =	ssyncset.done $0x0  }
0x13b: {  	[sflag:s12] =	ssyncadd.s32 $0xFFFFFE00  }
0x13c: {  	_ =	swait.ge [sflag:s12], $0x200  }
0x13d: {  	[sflag:s12] =	ssyncset.done $0x0  }
0x13e: {  	[sflag:s12] =	ssyncadd.s32 $0xFFFFFE00  }
0x13f: {  	_ =	swait.ge [sflag:s12], $0x1000  }
0x140: {  	[sflag:s12] =	ssyncset.done $0x0  }
0x141: {  	[sflag:s12] =	ssyncadd.s32 $0xFFFFF000  }
0x142: {  	_ =	swait.ge [sflag:s12], $0x1000  }
0x143: {  	[sflag:s12] =	ssyncset.done $0x0  }
0x144: {  	[sflag:s12] =	ssyncadd.s32 $0xFFFFF000  }
0x145: {  	_ =	swait.ge [sflag:s12], $0x1000  }
0x146: {  	[sflag:s12] =	ssyncset.done $0x0  }
0x147: {  	[sflag:s12] =	ssyncadd.s32 $0xFFFFF000  }
0x148: {  	_ =	swait.ge [sflag:s12], $0x1000  }
0x149: {  	[sflag:s12] =	ssyncset.done $0x0  }
0x14a: {  	[sflag:s12] =	ssyncadd.s32 $0xFFFFF000  }
0x14b: {  	_ =	swait.ge [sflag:s12], $0x1000  }
0x14c: {  	[sflag:s12] =	ssyncset.done $0x0  }
0x14d: {  	[sflag:s12] =	ssyncadd.s32 $0xFFFFF000  }
0x14e: {  	_ =	swait.ge [sflag:s12], $0x1000  }
0x14f: {  	[sflag:s12] =	ssyncset.done $0x0  }
0x150: {  	s6 =	simm.s32 $0x0;
	s7 =	simm.s32 $0xDA40;
	[sflag:s12] =	ssyncadd.s32 $0xFFFFF000  }
.LBB2_7:
0x151: {  	s2 =	sshll.u32 s6, $0x6  }
0x152: {  	v13 =	vld [tilespmem:s2+$0xD440]  }
0x153: {  	v14 =	vld [tilespmem:s2+$0xD450]  }
0x154: {  	v15 =	vld [tilespmem:s2+$0xD460]  }
0x155: {  	v17 =	vmov s7;
	v16 =	vld [tilespmem:s2+$0xD470]  }
0x156: {  	v1 =	vld [tilespmem:s2+$0xD640]  }
0x157: {  	v2 =	vld [tilespmem:s2+$0xD650]  }
0x158: {  	v3 =	vld [tilespmem:s2+$0xD660]  }
0x159: {  	s13 =	simm.s32 $0x0;
	v4 =	vld [tilespmem:s2+$0xD670]  }
0x15a: {  	v18 =	vld.idx.msk [tilespmem:v17+s13+$0xFFFFFE30 ss:$0x1], $0xffff  }
0x15b: {  	v20 =	vld.idx.msk [tilespmem:v17+s13+$0x30 ss:$0x1], $0xffff  }
0x15c: {  	v21 =	vld.idx.msk [tilespmem:v17+s13+$0xFFFFFF30 ss:$0x1], $0xffff  }
0x15d: {  	v23 =	vld.idx.msk [tilespmem:v17+s13+$0x130 ss:$0x1], $0xffff  }
0x15e: {  	v24 =	vld.idx.msk [tilespmem:v17+s13+$0xFFFFFEB0 ss:$0x1], $0xffff  }
0x15f: {  	v25 =	vld.idx.msk [tilespmem:v17+s13+$0xB0 ss:$0x1], $0xffff  }
0x160: {  	v26 =	vld.idx.msk [tilespmem:v17+s13+$0xFFFFFFB0 ss:$0x1], $0xffff  }
0x161: {  	v27 =	vld.idx.msk [tilespmem:v17+s13+$0x1B0 ss:$0x1], $0xffff  }
0x162: {  	v28 =	vld.idx.msk [tilespmem:v17+s13+$0xFFFFFE20 ss:$0x1], $0xffff  }
0x163: {  	v29 =	vld.idx.msk [tilespmem:v17+s13+$0xFFFFFF20 ss:$0x1], $0xffff  }
0x164: {  	v30 =	vld.idx.msk [tilespmem:v17+s13+$0xFFFFFEA0 ss:$0x1], $0xffff  }
0x165: {  	v31 =	vld.idx.msk [tilespmem:v17+s13+$0xA0 ss:$0x1], $0xffff  }
0x166: {  	v32 =	vld.idx.msk [tilespmem:v17+s13+$0xFFFFFFA0 ss:$0x1], $0xffff  }
0x167: {  	v33 =	vld.idx.msk [tilespmem:v17+s13+$0x1A0 ss:$0x1], $0xffff  }
0x168: {  	v34 =	vld.idx.msk [tilespmem:v17+s13+$0xFFFFFE00 ss:$0x1], $0xffff  }
0x169: {  	v35 =	vld.idx.msk [tilespmem:v17+s13+$0xFFFFFE10 ss:$0x1], $0xffff  }
0x16a: {  	v36 =	vld.idx.msk [tilespmem:v17+s13+$0x0 ss:$0x1], $0xffff  }
0x16b: {  	v37 =	vld.idx.msk [tilespmem:v17+s13+$0x10 ss:$0x1], $0xffff  }
0x16c: {  	v59 =	vld.idx.msk [tilespmem:v17+s13+$0xFFFFFF00 ss:$0x1], $0xffff  }
0x16d: {  	v39 =	vld.idx.msk [tilespmem:v17+s13+$0xFFFFFF10 ss:$0x1], $0xffff  }
0x16e: {  	v40 =	vld.idx.msk [tilespmem:v17+s13+$0x100 ss:$0x1], $0xffff  }
0x16f: {  	v41 =	vld.idx.msk [tilespmem:v17+s13+$0xFFFFFE80 ss:$0x1], $0xffff;
	v1 =	vmul.f32 v1, v13;
	v2 =	vmul.f32 v2, v14  }
0x170: {  	v60 =	vld.idx.msk [tilespmem:v17+s13+$0x80 ss:$0x1], $0xffff  }
0x171: {  	v43 =	vld.idx.msk [tilespmem:v17+s13+$0x90 ss:$0x1], $0xffff;
	v1 =	vadd.f32 v2, v1;
	v2 =	vmul.f32 v3, v15  }
0x172: {  	v44 =	vld.idx.msk [tilespmem:v17+s13+$0xFFFFFF80 ss:$0x1], $0xffff  }
0x173: {  	v45 =	vld.idx.msk [tilespmem:v17+s13+$0xFFFFFF90 ss:$0x1], $0xffff;
	v1 =	vadd.f32 v2, v1;
	v2 =	vmul.f32 v4, v16;
	v19 =	vmul.f32 v18, v16  }
0x174: {  	v61 =	vld.idx.msk [tilespmem:v17+s13+$0x190 ss:$0x1], $0xffff;
	v22 =	vmul.f32 v20, v16;
	v20 =	vmul.f32 v21, v16  }
0x175: {  	v47 =	vld.idx.msk [tilespmem:v17+s13+$0xFFFFFE40 ss:$0x1], $0xffff;
	v23 =	vmul.f32 v23, v16;
	v21 =	vmul.f32 v24, v16  }
0x176: {  	v48 =	vld.idx.msk [tilespmem:v17+s13+$0xFFFFFE50 ss:$0x1], $0xffff;
	v24 =	vmul.f32 v25, v16;
	v25 =	vmul.f32 v26, v16  }
0x177: {  	v49 =	vld.idx.msk [tilespmem:v17+s13+$0x40 ss:$0x1], $0xffff;
	v26 =	vmul.f32 v27, v16;
	v29 =	vmul.f32 v29, v15  }
0x178: {  	v50 =	vld.idx.msk [tilespmem:v17+s13+$0x50 ss:$0x1], $0xffff;
	v30 =	vmul.f32 v30, v15;
	v31 =	vmul.f32 v31, v15  }
0x179: {  	v51 =	vld.idx.msk [tilespmem:v17+s13+$0xFFFFFF40 ss:$0x1], $0xffff;
	v32 =	vmul.f32 v32, v15;
	v33 =	vmul.f32 v33, v15  }
0x17a: {  	v52 =	vld.idx.msk [tilespmem:v17+s13+$0xFFFFFF50 ss:$0x1], $0xffff;
	v34 =	vmul.f32 v34, v13;
	v35 =	vmul.f32 v35, v14  }
0x17b: {  	v53 =	vld.idx.msk [tilespmem:v17+s13+$0x140 ss:$0x1], $0xffff;
	v36 =	vmul.f32 v36, v13;
	v37 =	vmul.f32 v37, v14  }
0x17c: {  	v55 =	vld.idx.msk [tilespmem:v17+s13+$0xFFFFFEC0 ss:$0x1], $0xffff;
	v39 =	vmul.f32 v39, v14;
	v40 =	vmul.f32 v40, v13  }
0x17d: {  	v56 =	vld.idx.msk [tilespmem:v17+s13+$0xFFFFFED0 ss:$0x1], $0xffff;
	v41 =	vmul.f32 v41, v13;
	v43 =	vmul.f32 v43, v14  }
0x17e: {  	v57 =	vld.idx.msk [tilespmem:v17+s13+$0xC0 ss:$0x1], $0xffff;
	v44 =	vmul.f32 v44, v13;
	v45 =	vmul.f32 v45, v14  }
0x17f: {  	v62 =	vld.idx.msk [tilespmem:v17+s13+$0x1C0 ss:$0x1], $0xffff;
	v47 =	vmul.f32 v47, v13;
	v48 =	vmul.f32 v48, v14  }
0x180: {  	v63 =	vld.idx.msk [tilespmem:v17+s13+$0x1D0 ss:$0x1], $0xffff;
	v49 =	vmul.f32 v49, v13;
	v50 =	vmul.f32 v50, v14  }
0x181: {  	v58 =	vld.idx.msk [tilespmem:v17+s13+$0xD0 ss:$0x1], $0xffff;
	v51 =	vmul.f32 v51, v13;
	v52 =	vmul.f32 v52, v14;
	v1 =	vadd.f32 v2, v1  }
0x182: {  	v3 =	vld.idx.msk [tilespmem:v17+s13+$0xFFFFFE70 ss:$0x1], $0xffff;
	v53 =	vmul.f32 v53, v13;
	v55 =	vmul.f32 v55, v13  }
0x183: {  	v18 =	vld.idx.msk [tilespmem:v17+s13+$0xFFFFFE90 ss:$0x1], $0xffff;
	v56 =	vmul.f32 v56, v14;
	v11 =	vperm.xlane v1, v0  }
0x184: {  	v4 =	vld.idx.msk [tilespmem:v17+s13+$0x20 ss:$0x1], $0xffff;
	v62 =	vmul.f32 v62, v13;
	v34 =	vadd.f32 v35, v34;
	v35 =	vadd.f32 v37, v36  }
0x185: {  	v63 =	vmul.f32 v63, v14;
	v2 =	vld.idx.msk [tilespmem:v17+s13+$0x120 ss:$0x1], $0xffff;
	v44 =	vadd.f32 v45, v44;
	v1 =	vadd.f32 v1, v11  }
0x186: {  	v36 =	vmul.f32 v57, v13;
	v37 =	vld.idx.msk [tilespmem:v17+s13+$0xFFFFFE60 ss:$0x1], $0xffff;
	v47 =	vadd.f32 v48, v47;
	v48 =	vadd.f32 v50, v49  }
0x187: {  	v50 =	vld.idx.msk [tilespmem:v17+s13+$0xFFFFFEE0 ss:$0x1], $0xffff;
	v51 =	vadd.f32 v52, v51;
	v27 =	vmul.f32 v3, v16;
	v11 =	vperm.xlane v1, v38  }
0x188: {  	v57 =	vld.idx.msk [tilespmem:v17+s13+$0xE0 ss:$0x1], $0xffff;
	v55 =	vadd.f32 v56, v55;
	v3 =	vmul.f32 v28, v15;
	v54 =	vmul.f32 v18, v14  }
0x189: {  	v28 =	vld.idx.msk [tilespmem:v17+s13+$0x180 ss:$0x1], $0xffff;
	v44 =	vadd.f32 v32, v44;
	v4 =	vmul.f32 v4, v15;
	v1 =	vadd.f32 v1, v11  }
0x18a: {  	v18 =	vld.idx.msk [tilespmem:v17+s13+$0x150 ss:$0x1], $0xffff;
	v2 =	vmul.f32 v2, v15;
	v41 =	vadd.f32 v54, v41;
	v38 =	vmul.f32 v59, v13  }
0x18b: {  	v3 =	vadd.f32 v3, v34;
	v11 =	vperm.xlane v1, v42;
	v42 =	vmul.f32 v60, v13;
	v60 =	vld.idx.msk [tilespmem:v17+s13+$0xFFFFFFD0 ss:$0x1], $0xffff  }
0x18c: {  	v37 =	vmul.f32 v37, v15;
	v4 =	vadd.f32 v4, v35;
	v59 =	vld.idx.msk [tilespmem:v17+s13+$0xFFFFFFC0 ss:$0x1], $0xffff;
	v41 =	vadd.f32 v30, v41  }
0x18d: {  	v30 =	vmul.f32 v50, v15;
	v38 =	vadd.f32 v39, v38;
	v11 =	vadd.f32 v1, v11;
	v1 =	vld.idx.msk [tilespmem:v17+s13+$0x110 ss:$0x1], $0xffff  }
0x18e: {  	v54 =	vld.idx.msk [tilespmem:v17+s13+$0xFFFFFF60 ss:$0x1], $0xffff;
	v28 =	vmul.f32 v28, v13;
	v47 =	vadd.f32 v37, v47;
	v39 =	vmul.f32 v58, v14  }
0x18f: {  	v34 =	vadd.f32 v30, v55;
	v38 =	vadd.f32 v29, v38;
	v29 =	vld.idx.msk [tilespmem:v17+s13+$0xFFFFFF70 ss:$0x1], $0xffff;
	v12 =	vperm.xlane v11, v46  }
0x190: {  	v42 =	vadd.f32 v43, v42;
	v46 =	vmul.f32 v61, v14;
	v45 =	vmul.f32 v60, v14;
	v60 =	vld.idx.msk [tilespmem:v17+s13+$0xFFFFFFE0 ss:$0x1], $0xffff  }
0x191: {  	v36 =	vadd.f32 v39, v36;
	v43 =	vmul.f32 v59, v13;
	v59 =	vld.idx.msk [tilespmem:v17+s13+$0xFFFFFEF0 ss:$0x1], $0xffff;
	v61 =	vmul.f32 v18, v14  }
0x192: {  	v42 =	vadd.f32 v31, v42;
	v28 =	vadd.f32 v46, v28;
	v46 =	vld.idx.msk [tilespmem:v17+s13+$0x160 ss:$0x1], $0xffff;
	v1 =	vmul.f32 v1, v14  }
0x193: {  	v43 =	vadd.f32 v45, v43;
	v45 =	vadd.f32 v63, v62;
	v62 =	vmul.f32 v54, v15;
	v63 =	vld.idx.msk [tilespmem:v17+s13+$0x70 ss:$0x1], $0xffff  }
0x194: {  	v52 =	vadd.f32 v61, v53;
	v61 =	vld.idx.msk [tilespmem:v17+s13+$0x1E0 ss:$0x1], $0xffff;
	v58 =	vadd.f32 v33, v28;
	v28 =	vmul.f32 v57, v15  }
0x195: {  	v1 =	vadd.f32 v1, v40;
	v40 =	vld.idx.msk [tilespmem:v17+s13+$0x60 ss:$0x1], $0xffff;
	v35 =	vadd.f32 v62, v51;
	v31 =	vmul.f32 v60, v15  }
0x196: {  	v60 =	vld.idx.msk [tilespmem:v17+s13+$0xF0 ss:$0x1], $0xffff;
	v32 =	vadd.f32 v28, v36;
	v36 =	vmul.f32 v29, v16;
	v29 =	vadd.f32 v19, v3  }
0x197: {  	v19 =	vadd.f32 v22, v4;
	v1 =	vadd.f32 v2, v1;
	v2 =	vmul.f32 v46, v15;
	v46 =	vld.idx.msk [tilespmem:v17+s13+$0x170 ss:$0x1], $0xffff  }
0x198: {  	v28 =	vadd.f32 v20, v38;
	v22 =	vadd.f32 v21, v41;
	v62 =	vmul.f32 v63, v16;
	v63 =	vld.idx.msk [tilespmem:v17+s13+$0x1F0 ss:$0x1], $0xffff  }
0x199: {  	v21 =	vadd.f32 v24, v42;
	v33 =	vadd.f32 v2, v52;
	v2 =	vmul.f32 v61, v15;
	v61 =	vld.idx.msk [tilespmem:v17+s13+$0xFFFFFFF0 ss:$0x1], $0xffff  }
0x19a: {  	v24 =	vadd.f32 v25, v44;
	v31 =	vadd.f32 v31, v43;
	v40 =	vmul.f32 v40, v15  }
0x19b: {  	v18 =	vimm.f32 $0.0e+00;
	v20 =	vadd.f32 v23, v1;
	v23 =	vadd.f32 v26, v58  }
0x19c: {  	v39 =	vmul.f32 v59, v16;
	v26 =	vadd.f32 v27, v47;
	v48 =	vadd.f32 v40, v48  }
0x19d: {  	v30 =	vadd.f32 v2, v45;
	v38 =	vmul.f32 v60, v16;
	v40 =	vmul.f32 v46, v16  }
0x19e: {  	s9 =	simm.s32 $0x1000;
	s8 =	simm.s32 $0x0;
	v27 =	vmul.f32 v63, v16;
	v37 =	vmul.f32 v61, v16;
	v25 =	vadd.f32 v62, v48  }
.LBB2_8:
0x19f: {  	s2 =	sshra.s32 s9, $0x2;
	p0 =	sne.s32 s9, $0x3000;
	v1 =	vadd.f32 v36, v35;
	v2 =	vperm.xlane v19, v0;
	v3 =	vperm.xlane v29, v0  }
0x1a0: {  	v33 =	vadd.f32 v40, v33;
	v35 =	vperm.xlane v20, v0;
	v36 =	vperm.xlane v28, v0;
	v4 =	vld.idx.msk [tilespmem:v17+s2+$0xFFFFFE30 ss:$0x1], $0xffff  }
0x1a1: {  	v34 =	vadd.f32 v39, v34;
	v39 =	vperm.xlane v21, v0;
	v41 =	vperm.xlane v22, v0;
	v40 =	vld.idx.msk [tilespmem:v17+s2+$0x30 ss:$0x1], $0xffff  }
0x1a2: {  	v32 =	vadd.f32 v38, v32;
	v38 =	vperm.xlane v23, v0;
	v43 =	vperm.xlane v24, v0;
	v42 =	vld.idx.msk [tilespmem:v17+s2+$0xFFFFFF30 ss:$0x1], $0xffff  }
0x1a3: {  	v31 =	vadd.f32 v37, v31;
	v37 =	vperm.xlane v25, v0;
	v45 =	vperm.xlane v26, v0;
	v44 =	vld.idx.msk [tilespmem:v17+s2+$0x130 ss:$0x1], $0xffff  }
0x1a4: {  	v27 =	vadd.f32 v27, v30;
	v30 =	vperm.xlane v33, v0;
	v47 =	vperm.xlane v1, v0;
	v46 =	vld.idx.msk [tilespmem:v17+s2+$0xFFFFFEB0 ss:$0x1], $0xffff  }
0x1a5: {  	v49 =	vperm.xlane v32, v0;
	v50 =	vperm.xlane v34, v0;
	v48 =	vld.idx.msk [tilespmem:v17+s2+$0xB0 ss:$0x1], $0xffff  }
0x1a6: {  	v2 =	vsel vm2, v29, v2;
	v52 =	vperm.xlane v31, v0;
	v29 =	vperm.xlane v27, v0;
	v51 =	vld.idx.msk [tilespmem:v17+s2+$0xFFFFFFB0 ss:$0x1], $0xffff  }
0x1a7: {  	v3 =	vsel vm2, v3, v19;
	v19 =	vsel vm2, v28, v35;
	v20 =	vsel vm2, v36, v20;
	v53 =	vld.idx.msk [tilespmem:v17+s2+$0x1B0 ss:$0x1], $0xffff  }
0x1a8: {  	v22 =	vsel vm2, v22, v39;
	v21 =	vsel vm2, v41, v21;
	v24 =	vsel vm2, v24, v38;
	v28 =	vld.idx.msk [tilespmem:v17+s2+$0xFFFFFE70 ss:$0x1], $0xffff  }
0x1a9: {  	v23 =	vsel vm2, v43, v23;
	v26 =	vsel vm2, v26, v37;
	v25 =	vsel vm2, v45, v25;
	v35 =	vld.idx.msk [tilespmem:v17+s2+$0xFFFFFE20 ss:$0x1], $0xffff  }
0x1aa: {  	v1 =	vsel vm2, v1, v30;
	v30 =	vsel vm2, v47, v33;
	v33 =	vsel vm2, v34, v49;
	v36 =	vld.idx.msk [tilespmem:v17+s2+$0x20 ss:$0x1], $0xffff  }
0x1ab: {  	v2 =	vadd.f32 v3, v2;
	v3 =	vadd.f32 v20, v19;
	v19 =	vsel vm2, v50, v32;
	v34 =	vld.idx.msk [tilespmem:v17+s2+$0xFFFFFF20 ss:$0x1], $0xffff  }
0x1ac: {  	v20 =	vadd.f32 v21, v22;
	v21 =	vadd.f32 v23, v24;
	v22 =	vsel vm2, v31, v29;
	v32 =	vld.idx.msk [tilespmem:v17+s2+$0x120 ss:$0x1], $0xffff  }
0x1ad: {  	v23 =	vadd.f32 v25, v26;
	v24 =	vsel vm2, v52, v27;
	v1 =	vadd.f32 v30, v1;
	v29 =	vld.idx.msk [tilespmem:v17+s2+$0xFFFFFEA0 ss:$0x1], $0xffff  }
0x1ae: {  	v19 =	vadd.f32 v19, v33;
	v25 =	vperm.xlane v3, v5;
	v26 =	vperm.xlane v2, v5;
	v30 =	vld.idx.msk [tilespmem:v17+s2+$0xA0 ss:$0x1], $0xffff  }
0x1af: {  	v27 =	vperm.xlane v20, v5;
	v22 =	vadd.f32 v24, v22;
	v24 =	vperm.xlane v21, v5;
	v31 =	vld.idx.msk [tilespmem:v17+s2+$0xFFFFFFA0 ss:$0x1], $0xffff  }
0x1b0: {  	v38 =	vperm.xlane v23, v5;
	v37 =	vperm.xlane v1, v5;
	v33 =	vld.idx.msk [tilespmem:v17+s2+$0x1A0 ss:$0x1], $0xffff  }
0x1b1: {  	v2 =	vsel vm0, v2, v25;
	v41 =	vperm.xlane v19, v5;
	v25 =	vperm.xlane v22, v5;
	v39 =	vld.idx.msk [tilespmem:v17+s2+$0xFFFFFE00 ss:$0x1], $0xffff  }
0x1b2: {  	v3 =	vsel vm0, v26, v3;
	v21 =	vsel vm0, v27, v21;
	v20 =	vsel vm0, v20, v24;
	v43 =	vld.idx.msk [tilespmem:v17+s2+$0xFFFFFE10 ss:$0x1], $0xffff  }
0x1b3: {  	v1 =	vsel vm0, v38, v1;
	v23 =	vsel vm0, v23, v37;
	v24 =	vsel vm0, v19, v25;
	v45 =	vld.idx.msk [tilespmem:v17+s2+$0x0 ss:$0x1], $0xffff  }
0x1b4: {  	v2 =	vadd.f32 v3, v2;
	v3 =	vadd.f32 v21, v20;
	v20 =	vsel vm0, v41, v22;
	v37 =	vld.idx.msk [tilespmem:v17+s2+$0x10 ss:$0x1], $0xffff  }
0x1b5: {  	v19 =	vmul.f32 v4, v16;
	v1 =	vadd.f32 v1, v23;
	v22 =	vadd.f32 v20, v24;
	v4 =	vld.idx.msk [tilespmem:v17+s2+$0xFFFFFF00 ss:$0x1], $0xffff  }
0x1b6: {  	v23 =	vperm.xlane v3, v6;
	v24 =	vperm.xlane v2, v6;
	v38 =	vld.idx.msk [tilespmem:v17+s2+$0xFFFFFF10 ss:$0x1], $0xffff  }
0x1b7: {  	v26 =	vperm.xlane v1, v6;
	v25 =	vperm.xlane v22, v6;
	v41 =	vld.idx.msk [tilespmem:v17+s2+$0x100 ss:$0x1], $0xffff  }
0x1b8: {  	v21 =	vmul.f32 v40, v16;
	v20 =	vmul.f32 v42, v16;
	v2 =	vsel vm1, v2, v23;
	v40 =	vld.idx.msk [tilespmem:v17+s2+$0x110 ss:$0x1], $0xffff  }
0x1b9: {  	v3 =	vsel vm1, v24, v3;
	v23 =	vsel vm1, v26, v22;
	v1 =	vsel vm1, v1, v25;
	v42 =	vld.idx.msk [tilespmem:v17+s2+$0xFFFFFE80 ss:$0x1], $0xffff  }
0x1ba: {  	v22 =	vmul.f32 v44, v16;
	v2 =	vadd.f32 v3, v2;
	v1 =	vadd.f32 v23, v1;
	v44 =	vld.idx.msk [tilespmem:v17+s2+$0xFFFFFE90 ss:$0x1], $0xffff  }
0x1bb: {  	v24 =	vmul.f32 v48, v16;
	v23 =	vmul.f32 v46, v16;
	v3 =	vld.idx.msk [tilespmem:v17+s2+$0x80 ss:$0x1], $0xffff  }
0x1bc: {  	v48 =	vperm.xlane v2, v7;
	v47 =	vperm.xlane v1, v7;
	v46 =	vld.idx.msk [tilespmem:v17+s2+$0x90 ss:$0x1], $0xffff  }
0x1bd: {  	v26 =	vmul.f32 v53, v16;
	v25 =	vmul.f32 v51, v16;
	v49 =	vld.idx.msk [tilespmem:v17+s2+$0xFFFFFF80 ss:$0x1], $0xffff  }
0x1be: {  	v27 =	vmul.f32 v28, v16;
	v1 =	vsel vm3, v48, v1;
	v2 =	vsel vm3, v2, v47;
	v50 =	vld.idx.msk [tilespmem:v17+s2+$0xFFFFFF90 ss:$0x1], $0xffff  }
0x1bf: {  	v28 =	vmul.f32 v35, v15;
	v35 =	vmul.f32 v36, v15;
	v1 =	vadd.f32 v1, v2;
	v36 =	vld.idx.msk [tilespmem:v17+s2+$0x180 ss:$0x1], $0xffff  }
0x1c0: {  	v32 =	vmul.f32 v32, v15;
	v2 =	vmul.f32 v34, v15;
	v34 =	vld.idx.msk [tilespmem:v17+s2+$0x190 ss:$0x1], $0xffff  }
0x1c1: {  	v29 =	vmul.f32 v29, v15;
	v1 =	vmul.f32 $1.442695020e+00, v1;
	v47 =	vld.idx.msk [tilespmem:v17+s2+$0xFFFFFE40 ss:$0x1], $0xffff  }
0x1c2: {  	v30 =	vmul.f32 v30, v15;
	v31 =	vmul.f32 v31, v15;
	v48 =	vld.idx.msk [tilespmem:v17+s2+$0xFFFFFE50 ss:$0x1], $0xffff  }
0x1c3: {  	v33 =	vmul.f32 v33, v15;
	v51 =	vld.idx.msk [tilespmem:v17+s2+$0x40 ss:$0x1], $0xffff;
	(erf) = vpow2.f32 v1  }
0x1c4: {  	v1 =	vmul.f32 v39, v13;
	v39 =	vmul.f32 v43, v14;
	v43 =	vld.idx.msk [tilespmem:v17+s2+$0x50 ss:$0x1], $0xffff  }
0x1c5: {  	v45 =	vmul.f32 v45, v13;
	v37 =	vmul.f32 v37, v14;
	v52 =	vld.idx.msk [tilespmem:v17+s2+$0xFFFFFF40 ss:$0x1], $0xffff  }
0x1c6: {  	v4 =	vmul.f32 v4, v13;
	v38 =	vmul.f32 v38, v14;
	v53 =	vld.idx.msk [tilespmem:v17+s2+$0xFFFFFF50 ss:$0x1], $0xffff  }
0x1c7: {  	v41 =	vmul.f32 v41, v13;
	v40 =	vmul.f32 v40, v14;
	v54 =	vld.idx.msk [tilespmem:v17+s2+$0x140 ss:$0x1], $0xffff  }
0x1c8: {  	v42 =	vmul.f32 v42, v13;
	v44 =	vmul.f32 v44, v14;
	v55 =	vld.idx.msk [tilespmem:v17+s2+$0x150 ss:$0x1], $0xffff  }
0x1c9: {  	p1 =	seq.s32 s8, $0x3000;
	s8 =	smov.u32 s9;
	s10 =	simm.s32 $0x2;
	v3 =	vmul.f32 v3, v13;
	v46 =	vmul.f32 v46, v14;
	v56 =	vld.idx.msk [tilespmem:v17+s2+$0xFFFFFEC0 ss:$0x1], $0xffff  }
0x1ca: {  	s10 =	simm.s32 @!p1 $0x10;
	v49 =	vmul.f32 v49, v13;
	v50 =	vmul.f32 v50, v14;
	v57 =	vld.idx.msk [tilespmem:v17+s2+$0xFFFFFED0 ss:$0x1], $0xffff  }
0x1cb: {  	v61 =	vmov s10;
	v36 =	vmul.f32 v36, v13;
	v34 =	vmul.f32 v34, v14;
	v58 =	vld.idx.msk [tilespmem:v17+s2+$0xC0 ss:$0x1], $0xffff  }
0x1cc: {  	vm4 =	vgt.u32 v61, v8;
	v47 =	vmul.f32 v47, v13;
	v48 =	vmul.f32 v48, v14;
	v60 =	vld.idx.msk [tilespmem:v17+s2+$0xD0 ss:$0x1], $0xffff;
	v59 =	vpop (erf)  }
0x1cd: {  	v51 =	vmul.f32 v51, v13;
	v43 =	vmul.f32 v43, v14;
	v61 =	vld.idx.msk [tilespmem:v17+s2+$0xFFFFFFC0 ss:$0x1], $0xffff;
	v59 =	vnsel vm4, $0x0, v59  }
0x1ce: {  	v52 =	vmul.f32 v52, v13;
	v53 =	vmul.f32 v53, v14;
	v62 =	vld.idx.msk [tilespmem:v17+s2+$0xFFFFFFD0 ss:$0x1], $0xffff;
	v18 =	vadd.f32 v59, v18  }
0x1cf: {  	v54 =	vmul.f32 v54, v13;
	v55 =	vmul.f32 v55, v14;
	v59 =	vld.idx.msk [tilespmem:v17+s2+$0x1C0 ss:$0x1], $0xffff  }
0x1d0: {  	v56 =	vmul.f32 v56, v13;
	v57 =	vmul.f32 v57, v14;
	v63 =	vld.idx.msk [tilespmem:v17+s2+$0x1D0 ss:$0x1], $0xffff  }
0x1d1: {  	v37 =	vadd.f32 v37, v45;
	v1 =	vadd.f32 v39, v1;
	v45 =	vmul.f32 v58, v13;
	v39 =	vld.idx.msk [tilespmem:v17+s2+$0xFFFFFE60 ss:$0x1], $0xffff  }
0x1d2: {  	v4 =	vadd.f32 v38, v4;
	v38 =	vadd.f32 v40, v41;
	v41 =	vmul.f32 v60, v14;
	v40 =	vld.idx.msk [tilespmem:v17+s2+$0x60 ss:$0x1], $0xffff  }
0x1d3: {  	v42 =	vadd.f32 v44, v42;
	v3 =	vadd.f32 v46, v3;
	v46 =	vmul.f32 v61, v13;
	v44 =	vld.idx.msk [tilespmem:v17+s2+$0xFFFFFF60 ss:$0x1], $0xffff  }
0x1d4: {  	v49 =	vadd.f32 v50, v49;
	v34 =	vadd.f32 v34, v36;
	v50 =	vmul.f32 v62, v14;
	v36 =	vld.idx.msk [tilespmem:v17+s2+$0x160 ss:$0x1], $0xffff  }
0x1d5: {  	v47 =	vadd.f32 v48, v47;
	v43 =	vadd.f32 v43, v51;
	v51 =	vmul.f32 v59, v13;
	v48 =	vld.idx.msk [tilespmem:v17+s2+$0xFFFFFEE0 ss:$0x1], $0xffff  }
0x1d6: {  	v52 =	vadd.f32 v53, v52;
	v53 =	vadd.f32 v55, v54;
	v55 =	vmul.f32 v63, v14;
	v54 =	vld.idx.msk [tilespmem:v17+s2+$0xE0 ss:$0x1], $0xffff  }
0x1d7: {  	v56 =	vadd.f32 v57, v56;
	v41 =	vadd.f32 v41, v45;
	v39 =	vmul.f32 v39, v15;
	v45 =	vld.idx.msk [tilespmem:v17+s2+$0xFFFFFFE0 ss:$0x1], $0xffff  }
0x1d8: {  	v46 =	vadd.f32 v50, v46;
	v40 =	vmul.f32 v40, v15;
	v50 =	vadd.f32 v55, v51;
	v51 =	vld.idx.msk [tilespmem:v17+s2+$0x1E0 ss:$0x1], $0xffff  }
0x1d9: {  	v1 =	vadd.f32 v28, v1;
	v28 =	vadd.f32 v35, v37;
	v35 =	vmul.f32 v44, v15;
	v37 =	vld.idx.msk [tilespmem:v17+s2+$0x70 ss:$0x1], $0xffff  }
0x1da: {  	v2 =	vadd.f32 v2, v4;
	v4 =	vadd.f32 v32, v38;
	v32 =	vmul.f32 v36, v15;
	v38 =	vld.idx.msk [tilespmem:v17+s2+$0xFFFFFF70 ss:$0x1], $0xffff  }
0x1db: {  	v42 =	vadd.f32 v29, v42;
	v3 =	vadd.f32 v30, v3;
	v29 =	vmul.f32 v48, v15;
	v44 =	vld.idx.msk [tilespmem:v17+s2+$0x170 ss:$0x1], $0xffff  }
0x1dc: {  	v48 =	vadd.f32 v31, v49;
	v49 =	vadd.f32 v33, v34;
	v30 =	vmul.f32 v54, v15;
	v55 =	vld.idx.msk [tilespmem:v17+s2+$0xFFFFFEF0 ss:$0x1], $0xffff  }
0x1dd: {  	v47 =	vadd.f32 v39, v47;
	v43 =	vadd.f32 v40, v43;
	v31 =	vmul.f32 v45, v15;
	v54 =	vld.idx.msk [tilespmem:v17+s2+$0xF0 ss:$0x1], $0xffff  }
0x1de: {  	v35 =	vadd.f32 v35, v52;
	v33 =	vadd.f32 v32, v53;
	v39 =	vmul.f32 v51, v15;
	v45 =	vld.idx.msk [tilespmem:v17+s2+$0xFFFFFFF0 ss:$0x1], $0xffff  }
0x1df: {  	v34 =	vadd.f32 v29, v56;
	v32 =	vadd.f32 v30, v41;
	v51 =	vmul.f32 v37, v16;
	v41 =	vld.idx.msk [tilespmem:v17+s2+$0x1F0 ss:$0x1], $0xffff  }
0x1e0: {  	v31 =	vadd.f32 v31, v46;
	v36 =	vmul.f32 v38, v16;
	v30 =	vadd.f32 v39, v50  }
.Ltmp2:
0x1e1: {  	v29 =	vadd.f32 v19, v1;
	v19 =	vadd.f32 v21, v28;
	v40 =	vmul.f32 v44, v16;
	(pc) =	sbr.rel @p0 .LBB2_8-.Ltmp2, $4  }
0x1e2: {  	v28 =	vadd.f32 v20, v2;
	v20 =	vadd.f32 v22, v4;
	v39 =	vmul.f32 v55, v16  }
0x1e3: {  	v22 =	vadd.f32 v23, v42;
	v21 =	vadd.f32 v24, v3;
	v38 =	vmul.f32 v54, v16  }
0x1e4: {  	v24 =	vadd.f32 v25, v48;
	v23 =	vadd.f32 v26, v49;
	v37 =	vmul.f32 v45, v16  }
0x1e5: {  	s9 =	sadd.s32 $0x1000, s9;
	v26 =	vadd.f32 v27, v47;
	v25 =	vadd.f32 v51, v43;
	v27 =	vmul.f32 v41, v16  }
0x1e6: {  	v2 =	vperm.xlane v19, v0  }
0x1e7: {  	v1 =	vadd.f32 v36, v35;
	v3 =	vperm.xlane v29, v0;
	v13 =	vperm.xlane v20, v0  }
0x1e8: {  	v4 =	vadd.f32 v40, v33;
	v14 =	vperm.xlane v28, v0;
	v16 =	vperm.xlane v21, v0  }
0x1e9: {  	v15 =	vadd.f32 v39, v34;
	v17 =	vperm.xlane v22, v0;
	v56 =	vperm.xlane v23, v0  }
0x1ea: {  	v32 =	vadd.f32 v38, v32;
	v57 =	vperm.xlane v24, v0;
	v58 =	vperm.xlane v25, v0  }
0x1eb: {  	v31 =	vadd.f32 v37, v31;
	v59 =	vperm.xlane v26, v0;
	v60 =	vperm.xlane v4, v0  }
0x1ec: {  	v27 =	vadd.f32 v27, v30;
	v61 =	vperm.xlane v1, v0;
	v38 =	vperm.xlane v32, v0  }
0x1ed: {  	v39 =	vperm.xlane v15, v0;
	v2 =	vsel vm2, v29, v2;
	v63 =	vperm.xlane v31, v0  }
0x1ee: {  	v3 =	vsel vm2, v3, v19;
	v13 =	vsel vm2, v28, v13;
	v14 =	vsel vm2, v14, v20  }
0x1ef: {  	v16 =	vsel vm2, v22, v16;
	v17 =	vsel vm2, v17, v21;
	v42 =	vsel vm2, v24, v56  }
0x1f0: {  	v43 =	vsel vm2, v57, v23;
	v62 =	vperm.xlane v27, v0;
	v44 =	vsel vm2, v26, v58  }
0x1f1: {  	v45 =	vsel vm2, v59, v25;
	v2 =	vadd.f32 v3, v2;
	v3 =	vadd.f32 v14, v13  }
0x1f2: {  	v47 =	vadd.f32 v17, v16;
	v48 =	vadd.f32 v43, v42;
	v1 =	vsel vm2, v1, v60  }
0x1f3: {  	v4 =	vsel vm2, v61, v4;
	v15 =	vsel vm2, v15, v38;
	v46 =	vsel vm2, v39, v32  }
0x1f4: {  	v50 =	vadd.f32 v45, v44;
	v49 =	vsel vm2, v31, v62;
	v1 =	vadd.f32 v4, v1  }
0x1f5: {  	v4 =	vsel vm2, v63, v27;
	v51 =	vperm.xlane v3, v5;
	v52 =	vperm.xlane v2, v5  }
0x1f6: {  	v13 =	vadd.f32 v46, v15;
	v53 =	vperm.xlane v48, v5;
	v54 =	vperm.xlane v47, v5  }
0x1f7: {  	v4 =	vadd.f32 v4, v49;
	v56 =	vperm.xlane v50, v5;
	v55 =	vperm.xlane v1, v5  }
0x1f8: {  	v2 =	vsel vm0, v2, v51;
	v58 =	vperm.xlane v13, v5;
	v3 =	vsel vm0, v52, v3  }
0x1f9: {  	v14 =	vsel vm0, v47, v53;
	v16 =	vsel vm0, v54, v48;
	v57 =	vperm.xlane v4, v5  }
0x1fa: {  	v1 =	vsel vm0, v56, v1;
	v2 =	vadd.f32 v3, v2;
	v3 =	vadd.f32 v16, v14  }
0x1fb: {  	v59 =	vsel vm0, v50, v55;
	v4 =	vsel vm0, v58, v4;
	v13 =	vsel vm0, v13, v57  }
0x1fc: {  	v1 =	vadd.f32 v1, v59;
	v4 =	vadd.f32 v4, v13  }
0x1fd: {  	v60 =	vperm.xlane v3, v6;
	v61 =	vperm.xlane v2, v6  }
0x1fe: {  	v63 =	vperm.xlane v1, v6;
	v62 =	vperm.xlane v4, v6  }
0x1ff: {  	v2 =	vsel vm1, v2, v60  }
0x200: {  	v3 =	vsel vm1, v61, v3;
	v4 =	vsel vm1, v63, v4;
	v1 =	vsel vm1, v1, v62  }
0x201: {  	v2 =	vadd.f32 v3, v2;
	v1 =	vadd.f32 v4, v1;
	_ =	sdelay $0x1  }
0x202: {  	v4 =	vperm.xlane v2, v7;
	v3 =	vperm.xlane v1, v7;
	_ =	sdelay $0x1  }
0x203: {  	v1 =	vsel vm3, v4, v1;
	v2 =	vsel vm3, v2, v3  }
0x204: {  	v1 =	vadd.f32 v1, v2;
	_ =	sdelay $0x1  }
0x205: {  	v1 =	vmul.f32 $1.442695020e+00, v1;
	_ =	sdelay $0x1  }
0x206: {  	(erf) = vpow2.f32 v1;
	_ =	sdelay $0x3  }
0x207: {  	p0 =	seq.s32 s8, $0x3000;
	s2 =	simm.s32 $0x2  }
0x208: {  	s2 =	simm.s32 @!p0 $0x10  }
0x209: {  	v1 =	vmov s2;
	_ =	sdelay $0x2  }
0x20a: {  	vm4 =	vgt.u32 v1, v8;
	v1 =	vpop (erf)  }
0x20b: {  	v1 =	vnsel vm4, $0x0, v1  }
0x20c: {  	v1 =	vadd.f32 v1, v18  }
0x20d: {  	v38 =	vld [tilespmem:$0x1FFD0]  }
0x20e: {  	v2 =	vperm.xlane v1, v0;
	_ =	sdelay $0x1  }
0x20f: {  	v1 =	vadd.f32 v2, v1  }
0x210: {  	v42 =	vld [tilespmem:$0x1FFE0]  }
0x211: {  	v2 =	vperm.xlane v1, v38;
	_ =	sdelay $0x1  }
0x212: {  	v1 =	vadd.f32 v2, v1  }
0x213: {  	v46 =	vld [tilespmem:$0x1FFF0]  }
0x214: {  	v2 =	vperm.xlane v1, v42;
	_ =	sdelay $0x1  }
0x215: {  	s13 =	sor.u32 $0x8, s6;
	s6 =	sadd.s32 $0x1, s6;
	v1 =	vadd.f32 v2, v1  }
0x216: {  	p0 =	sne.s32 s6, $0x8  }
.Ltmp3:
0x217: {  	v2 =	vperm.xlane v1, v46;
	(pc) =	sbr.rel @p0 .LBB2_7-.Ltmp3, $4  }
0x218: {  	_ = 	snop  }
0x219: {  	v3 =	vadd.f32 v11, v12;
	v1 =	vadd.f32 v2, v1;
	v2 =	vmov s13  }
0x21a: {  	vm4 =	veq.s32 v2, v8  }
0x21b: {  	s7 =	sadd.s32 $0xC80, s7;
	v10 =	vsel vm4, v3, v10;
	v9 =	vsel vm4, v1, v9  }
0x21c: {  	s2 =	sshll.u32 s5, $0x4;
	s5 =	sadd.s32 $0x1, s5  }
0x21d: {  	p0 =	sne.s32 s5, $0x20  }
.Ltmp4:
0x21e: {  	_ = 	snop;
	(pc) =	sbr.rel @p0 .LBB2_2-.Ltmp4, $3  }
0x21f: {  	_ =	sdelay $0x1  }
0x220: {  	[tilespmem:s2+$0x14040] =	vst v10  }
0x221: {  	[tilespmem:s2+$0x14240] =	vst v9  }
0x222: {  	_ =	swait.ge [sflag:s28], $0x200  }
0x223: {  	[sflag:s28] =	ssyncset.done $0x0  }
0x224: {  	[sflag:s28] =	ssyncadd.s32 $0xFFFFFE00  }
0x225: {  	_ =	swait.ge [sflag:s28], $0x200  }
0x226: {  	[sflag:s28] =	ssyncset.done $0x0  }
0x227: {  	[sflag:s28] =	ssyncadd.s32 $0xFFFFFE00  }
0x228: {  	_ =	swait.ge [sflag:s28], $0x1000  }
0x229: {  	[sflag:s28] =	ssyncset.done $0x0  }
0x22a: {  	[sflag:s28] =	ssyncadd.s32 $0xFFFFF000  }
0x22b: {  	_ =	swait.ge [sflag:s28], $0x1000  }
0x22c: {  	[sflag:s28] =	ssyncset.done $0x0  }
0x22d: {  	[sflag:s28] =	ssyncadd.s32 $0xFFFFF000  }
0x22e: {  	_ =	swait.ge [sflag:s28], $0x1000  }
0x22f: {  	[sflag:s28] =	ssyncset.done $0x0  }
0x230: {  	[sflag:s28] =	ssyncadd.s32 $0xFFFFF000  }
0x231: {  	_ =	swait.ge [sflag:s28], $0x1000  }
0x232: {  	[sflag:s28] =	ssyncset.done $0x0  }
0x233: {  	[sflag:s28] =	ssyncadd.s32 $0xFFFFF000  }
0x234: {  	_ =	swait.ge [sflag:s28], $0x1000  }
0x235: {  	[sflag:s28] =	ssyncset.done $0x0  }
0x236: {  	[sflag:s28] =	ssyncadd.s32 $0xFFFFF000  }
0x237: {  	_ =	swait.ge [sflag:s28], $0x1000  }
0x238: {  	s9 =	simm.s32 $0x0;
	[sflag:s28] =	ssyncset.done $0x0  }
0x239: {  	s5 =	simm.s32 $0x14040;
	s2 =	rddreg [dreg:$0x7];
	[sflag:s28] =	ssyncadd.s32 $0xFFFFF000  }
0x23a: {  	[hbm4b:s2+s9] =	stream.linear.scatter [tilespmem:s5], [sflag:$0x3], $0x200, $0x38;
	[tilespmem:$0x14440] =	vst v63  }
0x23b: {  	_ =	swait.ge [sflag:s11], $0x200  }
0x23c: {  	[sflag:s11] =	ssyncset.done $0x0  }
0x23d: {  	s8 =	simm.s32 $0x14240;
	s7 =	rddreg [dreg:$0x8];
	[sflag:s11] =	ssyncadd.s32 $0xFFFFFE00  }
0x23e: {  	[hbm4b:s7+s9] =	stream.linear.scatter [tilespmem:s8], [sflag:$0x3], $0x200, $0x38;
	[tilespmem:$0x14440] =	vst v63  }
0x23f: {  	_ =	swait.ge [sflag:s11], $0x200  }
0x240: {  	s10 =	rddreg [dreg:$0xa]  }
0x241: {  	s13 =	rddreg [dreg:$0x9];
	s5 =	sadd.s32 $0x1, s10  }
0x242: {  	p0 =	sne.s32 s5, s13  }
.Ltmp5:
0x243: {  	_ = 	snop;
	(pc) =	sbr.rel @p0 .LBB2_1-.Ltmp5, $3  }
0x244: {  	_ =	sdelay $0x1  }
0x245: {  	[sflag:s11] =	ssyncset.done $0x0  }
0x246: {  	[sflag:s11] =	ssyncadd.s32 $0xFFFFFE00  }
0x247: {  	_ =	sfence.sel $0x180000  }
0x248: {  	[bflag:$0x0] =	sbarrier.arrive $0xFFFF  }
0x249: {  	_ =	strace $0x90000047  }
0x24a: {  	s0 =	stileid.u32;
	[bflag:$0x2] =	sbarrier.arrive $0xFFFF  }
0x24b: {  	p0 =	sne.s32 s0, $0x0;
	s0 =	rddreg [dreg:$0x3]  }
0x24c: {  	s0 =	sadd.s32 @!p0 $0x100000, s0  }
0x24d: {  	[sflag:s0] =	ssyncadd.tile.s32 @!p0 $0x1;
	_ =	shalt  }
.Lfunc_end2:
_tile_overlayer_lowered:
.L_overlay_start_2:
0x24e: {  	(tag) =	ssettag $0x2  }
0x24f: {  	s0 =	rddreg [dreg:$0x0];
	s2 =	stileid.u32  }
0x250: {  	s1 =	rddreg [dreg:$0x1];
	p0 =	sne.s32 s2, $0x0  }
0x251: {  	s3 =	rddreg [dreg:$0x2];
	[bflag:$0x3] =	sbarrier.arrive $0xFFFF;
	s2 =	simm.s32 @!p0 $0x1C03  }
0x252: {  	[timem:s3], [sflag:s2] =	dma.local @!p0 [hbm:s0], s1  }
0x253: {  	s0 =	simm.s32 @!p0 $0x3  }
0x254: {  	_ =	swait.ge @!p0 [sflag:s0], s1  }
0x255: {  	s1 =	ssub.s32 @!p0 $0x0, s1;
	[sflag:s0] =	ssyncset.done @!p0 $0x0  }
0x256: {  	[sflag:s0] =	ssyncadd.s32 @!p0 s1  }
0x257: {  	[bflag:$0x3] =	sbarrier.arrive $0xFFFF  }
0x258: {  	_ =	shalt  }

</sc_bundles>
